<compile_context>
chip_gen: v7x
topology: tpu7x:2x2x1
jax: 0.10.2.dev20260603
libtpu: 0.0.44.dev20260713+nightly
codegen_flags: <defaults>
</compile_context>

<pallas_src>
import functools

import jax
import jax.numpy as jnp
from jax import lax
from jax.experimental import pallas as pl
from jax.experimental.pallas import tpu as pltpu
from jax.experimental.pallas import tpu_sc as plsc

EMBED_DIM = 32
BATCH = 16384
NUM_CORES = 2
NUM_SUBCORES = 16
NUM_WORKERS = NUM_CORES * NUM_SUBCORES
ROWS_PER_WORKER = BATCH // NUM_WORKERS
WAVE = 16
NUM_WAVES = ROWS_PER_WORKER // WAVE
GROUP = 128

_mesh = plsc.VectorSubcoreMesh(core_axis_name="c", subcore_axis_name="s")


@functools.partial(
    pl.kernel,
    mesh=_mesh,
    out_type=jax.ShapeDtypeStruct((EMBED_DIM, BATCH), jnp.float32),
    scratch_types=[
        pltpu.VMEM((ROWS_PER_WORKER,), jnp.int32),
        pltpu.VMEM((WAVE, EMBED_DIM, 128), jnp.float32),
        pltpu.VMEM((EMBED_DIM, GROUP), jnp.float32),
        pltpu.SemaphoreType.DMA((WAVE,)),
    ],
    compiler_params=pltpu.CompilerParams(
        use_tc_tiling_on_sc=True, needs_layout_passes=False
    ),
)
def _gather_sc(yt_hbm, x_hbm, out_hbm, idx_v, blk_v, acc_v, sems):
    wid = lax.axis_index("s") * NUM_CORES + lax.axis_index("c")
    base = wid * ROWS_PER_WORKER
    pltpu.sync_copy(x_hbm.at[pl.ds(base, ROWS_PER_WORKER)], idx_v)
    rows0 = lax.iota(jnp.int32, 16)

    def fire(l, r):
        c = pl.multiple_of((r >> 7) * 128, 128)
        pltpu.async_copy(yt_hbm.at[:, pl.ds(c, 128)], blk_v.at[l], sems.at[l])

    vec0 = idx_v[pl.ds(0, WAVE)]
    for l in range(WAVE):
        fire(l, vec0[l])

    def wave_body(w, vec):
        nxt = jnp.minimum(w + 1, NUM_WAVES - 1)
        vec_next = idx_v[pl.ds(nxt * WAVE, WAVE)]
        for l in range(WAVE):
            pltpu.make_async_copy(
                yt_hbm.at[:, pl.ds(0, 128)], blk_v.at[l], sems.at[l]
            ).wait()
            r = vec[l]
            lane = jnp.broadcast_to(r & 127, (16,))
            col = jnp.broadcast_to((w * WAVE + l) % GROUP, (16,))
            v0 = plsc.load_gather(blk_v.at[l], [rows0, lane])
            v1 = plsc.load_gather(blk_v.at[l], [rows0 + 16, lane])
            plsc.store_scatter(acc_v, [rows0, col], v0)
            plsc.store_scatter(acc_v, [rows0 + 16, col], v1)

            @pl.when(w + 1 < NUM_WAVES)
            def _():
                fire(l, vec_next[l])

        @pl.when((w + 1) % (GROUP // WAVE) == 0)
        def _():
            g = (w * WAVE) // GROUP
            off = pl.multiple_of(base + g * GROUP, 128)
            pltpu.sync_copy(acc_v, out_hbm.at[:, pl.ds(off, GROUP)])

        return vec_next

    lax.fori_loop(0, NUM_WAVES, wave_body, vec0)


def kernel(x, y):
    return _gather_sc(y.T, x.astype(jnp.int32)).T

# --- scband reference (transcript-rebuilt; emitter-appended) ---
"""Pipeline reference for scband-array-25726854103383 (READ-ONLY COPY).

The authoritative reference and input builder live on the scoring server;
editing this copy changes nothing except your own understanding.
"""

import jax, jax.numpy as jnp
import numpy as np

VOCAB = 1000000
EMBED_DIM = 32
BATCH = 16384


def setup_inputs(seed: int = 0) -> dict:
    key = jax.random.key(seed)
    k_idx, k_tab = jax.random.split(key)
    x = jax.random.randint(k_idx, (BATCH,), 0, VOCAB, dtype=jnp.int64 if jax.config.jax_enable_x64 else jnp.int32)
    y = jax.random.normal(k_tab, (VOCAB, EMBED_DIM), dtype=jnp.float32)
    return {"x": x, "y": y}


def reference(x, y):
    # Faithful translation of Array.forward: ids = batch['x']; out = self.y[ids]
    # output_key is None so the raw tensor is returned.
    out = jnp.take(y, x, axis=0)
    return out

if __name__ == "__main__":
    import jax
    _d = setup_inputs()
    print(jax.jit(kernel)(*tuple(_d.values())))

</pallas_src>

<mosaic_0001>
#map = affine_map<(d0, d1) -> (0, 0)>
#map1 = affine_map<(d0, d1) -> (0)>
module attributes {stable_mosaic.version = 14 : i64} {
  func.func @_gather_sc(%arg0: i32, %arg1: i32, %arg2: memref<32x1000000xf32, #tpu.memory_space<hbm>>, %arg3: memref<16384xi32, #tpu.memory_space<hbm>>, %arg4: memref<32x16384xf32, #tpu.memory_space<hbm>>, %arg5: memref<512xi32, #tpu.memory_space<vmem>>, %arg6: memref<16x32x128xf32, #tpu.memory_space<vmem>>, %arg7: memref<32x128xf32, #tpu.memory_space<vmem>>, %arg8: memref<16x!tpu.dma_semaphore, #tpu.memory_space<semaphore_mem>>) attributes {dimension_semantics = [#tpu.dimension_semantics<core_parallel>, #tpu.dimension_semantics<subcore_parallel>], iteration_bounds = array<i64: 2, 16>, scalar_prefetch = 0 : i64, scratch_operands = 4 : i64, tpu.core_type = #tpu.core_type<sc_vector_subcore>, window_params = [{transform_indices = #map}, {transform_indices = #map1}, {transform_indices = #map}]} {
    %mul3A = arith.constant 2 : i32
    %mul3A_0 = arith.muli %arg1, %mul3A : i32
    %add3A = arith.addi %mul3A_0, %arg0 : i32
    %mul3A_1 = arith.constant 512 : i32
    %mul3A_2 = arith.muli %add3A, %mul3A_1 : i32
    "tpu.region"() ({
      %run_scoped3A = tpu.sem_alloc : memref<!tpu.dma_semaphore, #tpu.memory_space<semaphore_mem>>
      %dma_start3A_372 = tpu.memref_slice %arg3[%mul3A_2] : memref<16384xi32, #tpu.memory_space<hbm>> -> memref<512xi32, #tpu.memory_space<hbm>>
      %dma_start3A_373 = tpu.memref_slice %arg3[%mul3A_2] : memref<16384xi32, #tpu.memory_space<hbm>> -> memref<512xi32, #tpu.memory_space<hbm>>
      tpu.enqueue_dma source(%dma_start3A_373 : memref<512xi32, #tpu.memory_space<hbm>>) target(%arg5 : memref<512xi32, #tpu.memory_space<vmem>>) target_semaphore(%run_scoped3A : memref<!tpu.dma_semaphore, #tpu.memory_space<semaphore_mem>>)
      %dma_wait3A = tpu.memref_slice %arg3[%mul3A_2] : memref<16384xi32, #tpu.memory_space<hbm>> -> memref<512xi32, #tpu.memory_space<hbm>>
      %dma_wait3A_374 = tpu.memref_slice %arg3[%mul3A_2] : memref<16384xi32, #tpu.memory_space<hbm>> -> memref<512xi32, #tpu.memory_space<hbm>>
      tpu.wait_dma2 semaphore(%run_scoped3A : memref<!tpu.dma_semaphore, #tpu.memory_space<semaphore_mem>>) src(%dma_wait3A_374 : memref<512xi32, #tpu.memory_space<hbm>>) dst(%arg5 : memref<512xi32, #tpu.memory_space<vmem>>)
      tpu.yield
    }) : () -> ()
    %iota3A = tpu.iota {dimensions = array<i32: 0>} : vector<16xi32>
    %get3A = arith.constant 0 : index
    %get3A_3 = tpu.vector_load %arg5[%get3A] {strides = array<i32>} : memref<512xi32, #tpu.memory_space<vmem>>, vector<16xi32>,
    %slice3A = vector.extract_strided_slice %get3A_3 {offsets = [0], sizes = [1], strides = [1]} : vector<16xi32> to vector<1xi32>
    %squeeze3A = vector.extract %slice3A[0] : i32 from vector<1xi32>
    %shift_right_arithmetic3A = arith.constant 7 : i32
    %shift_right_arithmetic3A_4 = arith.shrsi %squeeze3A, %shift_right_arithmetic3A : i32
    %mul3A_5 = arith.constant 128 : i32
    %mul3A_6 = arith.muli %shift_right_arithmetic3A_4, %mul3A_5 : i32
    %multiple_of3A = tpu.assume_multiple %mul3A_6, 128 : i32
    %dma_start3A = arith.constant 0 : i32
    %dma_start3A_7 = arith.constant 0 : i32
    %dma_start3A_8 = arith.constant 0 : i32
    %dma_start3A_9 = arith.constant 0 : i32
    %dma_start3A_10 = tpu.memref_slice %arg6[%dma_start3A, %dma_start3A_8, %dma_start3A_9] : memref<16x32x128xf32, #tpu.memory_space<vmem>> -> memref<1x32x128xf32, #tpu.memory_space<vmem>>
    %dma_start3A_11 = tpu.memref_squeeze %dma_start3A_10 : memref<1x32x128xf32, #tpu.memory_space<vmem>> -> memref<32x128xf32, #tpu.memory_space<vmem>>
    %dma_start3A_12 = arith.constant 0 : i32
    %dma_start3A_13 = tpu.memref_slice %arg2[%dma_start3A_12, %multiple_of3A] : memref<32x1000000xf32, #tpu.memory_space<hbm>> -> memref<32x128xf32, #tpu.memory_space<hbm>>
    %dma_start3A_14 = tpu.memref_slice %arg8[%dma_start3A_7] : memref<16x!tpu.dma_semaphore, #tpu.memory_space<semaphore_mem>> -> memref<1x!tpu.dma_semaphore, #tpu.memory_space<semaphore_mem>>
    %dma_start3A_15 = tpu.memref_squeeze %dma_start3A_14 : memref<1x!tpu.dma_semaphore, #tpu.memory_space<semaphore_mem>> -> memref<!tpu.dma_semaphore, #tpu.memory_space<semaphore_mem>>
    %dma_start3A_16 = arith.constant 0 : i32
    %dma_start3A_17 = arith.constant 0 : i32
    %dma_start3A_18 = tpu.memref_slice %arg6[%dma_start3A, %dma_start3A_16, %dma_start3A_17] : memref<16x32x128xf32, #tpu.memory_space<vmem>> -> memref<1x32x128xf32, #tpu.memory_space<vmem>>
    %dma_start3A_19 = tpu.memref_squeeze %dma_start3A_18 : memref<1x32x128xf32, #tpu.memory_space<vmem>> -> memref<32x128xf32, #tpu.memory_space<vmem>>
    %dma_start3A_20 = arith.constant 0 : i32
    %dma_start3A_21 = tpu.memref_slice %arg2[%dma_start3A_20, %multiple_of3A] : memref<32x1000000xf32, #tpu.memory_space<hbm>> -> memref<32x128xf32, #tpu.memory_space<hbm>>
    tpu.enqueue_dma source(%dma_start3A_21 : memref<32x128xf32, #tpu.memory_space<hbm>>) target(%dma_start3A_19 : memref<32x128xf32, #tpu.memory_space<vmem>>) target_semaphore(%dma_start3A_15 : memref<!tpu.dma_semaphore, #tpu.memory_space<semaphore_mem>>)
    %slice3A_22 = vector.extract_strided_slice %get3A_3 {offsets = [1], sizes = [1], strides = [1]} : vector<16xi32> to vector<1xi32>
    %squeeze3A_23 = vector.extract %slice3A_22[0] : i32 from vector<1xi32>
    %shift_right_arithmetic3A_24 = arith.constant 7 : i32
    %shift_right_arithmetic3A_25 = arith.shrsi %squeeze3A_23, %shift_right_arithmetic3A_24 : i32
    %mul3A_26 = arith.constant 128 : i32
    %mul3A_27 = arith.muli %shift_right_arithmetic3A_25, %mul3A_26 : i32
    %multiple_of3A_28 = tpu.assume_multiple %mul3A_27, 128 : i32
    %dma_start3A_29 = arith.constant 1 : i32
    %dma_start3A_30 = arith.constant 1 : i32
    %dma_start3A_31 = arith.constant 0 : i32
    %dma_start3A_32 = arith.constant 0 : i32
    %dma_start3A_33 = tpu.memref_slice %arg6[%dma_start3A_29, %dma_start3A_31, %dma_start3A_32] : memref<16x32x128xf32, #tpu.memory_space<vmem>> -> memref<1x32x128xf32, #tpu.memory_space<vmem>>
    %dma_start3A_34 = tpu.memref_squeeze %dma_start3A_33 : memref<1x32x128xf32, #tpu.memory_space<vmem>> -> memref<32x128xf32, #tpu.memory_space<vmem>>
    %dma_start3A_35 = arith.constant 0 : i32
    %dma_start3A_36 = tpu.memref_slice %arg2[%dma_start3A_35, %multiple_of3A_28] : memref<32x1000000xf32, #tpu.memory_space<hbm>> -> memref<32x128xf32, #tpu.memory_space<hbm>>
    %dma_start3A_37 = tpu.memref_slice %arg8[%dma_start3A_30] : memref<16x!tpu.dma_semaphore, #tpu.memory_space<semaphore_mem>> -> memref<1x!tpu.dma_semaphore, #tpu.memory_space<semaphore_mem>>
    %dma_start3A_38 = tpu.memref_squeeze %dma_start3A_37 : memref<1x!tpu.dma_semaphore, #tpu.memory_space<semaphore_mem>> -> memref<!tpu.dma_semaphore, #tpu.memory_space<semaphore_mem>>
    %dma_start3A_39 = arith.constant 0 : i32
    %dma_start3A_40 = arith.constant 0 : i32
    %dma_start3A_41 = tpu.memref_slice %arg6[%dma_start3A_29, %dma_start3A_39, %dma_start3A_40] : memref<16x32x128xf32, #tpu.memory_space<vmem>> -> memref<1x32x128xf32, #tpu.memory_space<vmem>>
    %dma_start3A_42 = tpu.memref_squeeze %dma_start3A_41 : memref<1x32x128xf32, #tpu.memory_space<vmem>> -> memref<32x128xf32, #tpu.memory_space<vmem>>
    %dma_start3A_43 = arith.constant 0 : i32
    %dma_start3A_44 = tpu.memref_slice %arg2[%dma_start3A_43, %multiple_of3A_28] : memref<32x1000000xf32, #tpu.memory_space<hbm>> -> memref<32x128xf32, #tpu.memory_space<hbm>>
    tpu.enqueue_dma source(%dma_start3A_44 : memref<32x128xf32, #tpu.memory_space<hbm>>) target(%dma_start3A_42 : memref<32x128xf32, #tpu.memory_space<vmem>>) target_semaphore(%dma_start3A_38 : memref<!tpu.dma_semaphore, #tpu.memory_space<semaphore_mem>>)
    %slice3A_45 = vector.extract_strided_slice %get3A_3 {offsets = [2], sizes = [1], strides = [1]} : vector<16xi32> to vector<1xi32>
    %squeeze3A_46 = vector.extract %slice3A_45[0] : i32 from vector<1xi32>
    %shift_right_arithmetic3A_47 = arith.constant 7 : i32
    %shift_right_arithmetic3A_48 = arith.shrsi %squeeze3A_46, %shift_right_arithmetic3A_47 : i32
    %mul3A_49 = arith.constant 128 : i32
    %mul3A_50 = arith.muli %shift_right_arithmetic3A_48, %mul3A_49 : i32
    %multiple_of3A_51 = tpu.assume_multiple %mul3A_50, 128 : i32
    %dma_start3A_52 = arith.constant 2 : i32
    %dma_start3A_53 = arith.constant 2 : i32
    %dma_start3A_54 = arith.constant 0 : i32
    %dma_start3A_55 = arith.constant 0 : i32
    %dma_start3A_56 = tpu.memref_slice %arg6[%dma_start3A_52, %dma_start3A_54, %dma_start3A_55] : memref<16x32x128xf32, #tpu.memory_space<vmem>> -> memref<1x32x128xf32, #tpu.memory_space<vmem>>
    %dma_start3A_57 = tpu.memref_squeeze %dma_start3A_56 : memref<1x32x128xf32, #tpu.memory_space<vmem>> -> memref<32x128xf32, #tpu.memory_space<vmem>>
    %dma_start3A_58 = arith.constant 0 : i32
    %dma_start3A_59 = tpu.memref_slice %arg2[%dma_start3A_58, %multiple_of3A_51] : memref<32x1000000xf32, #tpu.memory_space<hbm>> -> memref<32x128xf32, #tpu.memory_space<hbm>>
    %dma_start3A_60 = tpu.memref_slice %arg8[%dma_start3A_53] : memref<16x!tpu.dma_semaphore, #tpu.memory_space<semaphore_mem>> -> memref<1x!tpu.dma_semaphore, #tpu.memory_space<semaphore_mem>>
    %dma_start3A_61 = tpu.memref_squeeze %dma_start3A_60 : memref<1x!tpu.dma_semaphore, #tpu.memory_space<semaphore_mem>> -> memref<!tpu.dma_semaphore, #tpu.memory_space<semaphore_mem>>
    %dma_start3A_62 = arith.constant 0 : i32
    %dma_start3A_63 = arith.constant 0 : i32
    %dma_start3A_64 = tpu.memref_slice %arg6[%dma_start3A_52, %dma_start3A_62, %dma_start3A_63] : memref<16x32x128xf32, #tpu.memory_space<vmem>> -> memref<1x32x128xf32, #tpu.memory_space<vmem>>
    %dma_start3A_65 = tpu.memref_squeeze %dma_start3A_64 : memref<1x32x128xf32, #tpu.memory_space<vmem>> -> memref<32x128xf32, #tpu.memory_space<vmem>>
    %dma_start3A_66 = arith.constant 0 : i32
    %dma_start3A_67 = tpu.memref_slice %arg2[%dma_start3A_66, %multiple_of3A_51] : memref<32x1000000xf32, #tpu.memory_space<hbm>> -> memref<32x128xf32, #tpu.memory_space<hbm>>
    tpu.enqueue_dma source(%dma_start3A_67 : memref<32x128xf32, #tpu.memory_space<hbm>>) target(%dma_start3A_65 : memref<32x128xf32, #tpu.memory_space<vmem>>) target_semaphore(%dma_start3A_61 : memref<!tpu.dma_semaphore, #tpu.memory_space<semaphore_mem>>)
    %slice3A_68 = vector.extract_strided_slice %get3A_3 {offsets = [3], sizes = [1], strides = [1]} : vector<16xi32> to vector<1xi32>
    %squeeze3A_69 = vector.extract %slice3A_68[0] : i32 from vector<1xi32>
    %shift_right_arithmetic3A_70 = arith.constant 7 : i32
    %shift_right_arithmetic3A_71 = arith.shrsi %squeeze3A_69, %shift_right_arithmetic3A_70 : i32
    %mul3A_72 = arith.constant 128 : i32
    %mul3A_73 = arith.muli %shift_right_arithmetic3A_71, %mul3A_72 : i32
    %multiple_of3A_74 = tpu.assume_multiple %mul3A_73, 128 : i32
    %dma_start3A_75 = arith.constant 3 : i32
    %dma_start3A_76 = arith.constant 3 : i32
    %dma_start3A_77 = arith.constant 0 : i32
    %dma_start3A_78 = arith.constant 0 : i32
    %dma_start3A_79 = tpu.memref_slice %arg6[%dma_start3A_75, %dma_start3A_77, %dma_start3A_78] : memref<16x32x128xf32, #tpu.memory_space<vmem>> -> memref<1x32x128xf32, #tpu.memory_space<vmem>>
    %dma_start3A_80 = tpu.memref_squeeze %dma_start3A_79 : memref<1x32x128xf32, #tpu.memory_space<vmem>> -> memref<32x128xf32, #tpu.memory_space<vmem>>
    %dma_start3A_81 = arith.constant 0 : i32
    %dma_start3A_82 = tpu.memref_slice %arg2[%dma_start3A_81, %multiple_of3A_74] : memref<32x1000000xf32, #tpu.memory_space<hbm>> -> memref<32x128xf32, #tpu.memory_space<hbm>>
    %dma_start3A_83 = tpu.memref_slice %arg8[%dma_start3A_76] : memref<16x!tpu.dma_semaphore, #tpu.memory_space<semaphore_mem>> -> memref<1x!tpu.dma_semaphore, #tpu.memory_space<semaphore_mem>>
    %dma_start3A_84 = tpu.memref_squeeze %dma_start3A_83 : memref<1x!tpu.dma_semaphore, #tpu.memory_space<semaphore_mem>> -> memref<!tpu.dma_semaphore, #tpu.memory_space<semaphore_mem>>
    %dma_start3A_85 = arith.constant 0 : i32
    %dma_start3A_86 = arith.constant 0 : i32
    %dma_start3A_87 = tpu.memref_slice %arg6[%dma_start3A_75, %dma_start3A_85, %dma_start3A_86] : memref<16x32x128xf32, #tpu.memory_space<vmem>> -> memref<1x32x128xf32, #tpu.memory_space<vmem>>
    %dma_start3A_88 = tpu.memref_squeeze %dma_start3A_87 : memref<1x32x128xf32, #tpu.memory_space<vmem>> -> memref<32x128xf32, #tpu.memory_space<vmem>>
    %dma_start3A_89 = arith.constant 0 : i32
    %dma_start3A_90 = tpu.memref_slice %arg2[%dma_start3A_89, %multiple_of3A_74] : memref<32x1000000xf32, #tpu.memory_space<hbm>> -> memref<32x128xf32, #tpu.memory_space<hbm>>
    tpu.enqueue_dma source(%dma_start3A_90 : memref<32x128xf32, #tpu.memory_space<hbm>>) target(%dma_start3A_88 : memref<32x128xf32, #tpu.memory_space<vmem>>) target_semaphore(%dma_start3A_84 : memref<!tpu.dma_semaphore, #tpu.memory_space<semaphore_mem>>)
    %slice3A_91 = vector.extract_strided_slice %get3A_3 {offsets = [4], sizes = [1], strides = [1]} : vector<16xi32> to vector<1xi32>
    %squeeze3A_92 = vector.extract %slice3A_91[0] : i32 from vector<1xi32>
    %shift_right_arithmetic3A_93 = arith.constant 7 : i32
    %shift_right_arithmetic3A_94 = arith.shrsi %squeeze3A_92, %shift_right_arithmetic3A_93 : i32
    %mul3A_95 = arith.constant 128 : i32
    %mul3A_96 = arith.muli %shift_right_arithmetic3A_94, %mul3A_95 : i32
    %multiple_of3A_97 = tpu.assume_multiple %mul3A_96, 128 : i32
    %dma_start3A_98 = arith.constant 4 : i32
    %dma_start3A_99 = arith.constant 4 : i32
    %dma_start3A_100 = arith.constant 0 : i32
    %dma_start3A_101 = arith.constant 0 : i32
    %dma_start3A_102 = tpu.memref_slice %arg6[%dma_start3A_98, %dma_start3A_100, %dma_start3A_101] : memref<16x32x128xf32, #tpu.memory_space<vmem>> -> memref<1x32x128xf32, #tpu.memory_space<vmem>>
    %dma_start3A_103 = tpu.memref_squeeze %dma_start3A_102 : memref<1x32x128xf32, #tpu.memory_space<vmem>> -> memref<32x128xf32, #tpu.memory_space<vmem>>
    %dma_start3A_104 = arith.constant 0 : i32
    %dma_start3A_105 = tpu.memref_slice %arg2[%dma_start3A_104, %multiple_of3A_97] : memref<32x1000000xf32, #tpu.memory_space<hbm>> -> memref<32x128xf32, #tpu.memory_space<hbm>>
    %dma_start3A_106 = tpu.memref_slice %arg8[%dma_start3A_99] : memref<16x!tpu.dma_semaphore, #tpu.memory_space<semaphore_mem>> -> memref<1x!tpu.dma_semaphore, #tpu.memory_space<semaphore_mem>>
    %dma_start3A_107 = tpu.memref_squeeze %dma_start3A_106 : memref<1x!tpu.dma_semaphore, #tpu.memory_space<semaphore_mem>> -> memref<!tpu.dma_semaphore, #tpu.memory_space<semaphore_mem>>
    %dma_start3A_108 = arith.constant 0 : i32
    %dma_start3A_109 = arith.constant 0 : i32
    %dma_start3A_110 = tpu.memref_slice %arg6[%dma_start3A_98, %dma_start3A_108, %dma_start3A_109] : memref<16x32x128xf32, #tpu.memory_space<vmem>> -> memref<1x32x128xf32, #tpu.memory_space<vmem>>
    %dma_start3A_111 = tpu.memref_squeeze %dma_start3A_110 : memref<1x32x128xf32, #tpu.memory_space<vmem>> -> memref<32x128xf32, #tpu.memory_space<vmem>>
    %dma_start3A_112 = arith.constant 0 : i32
    %dma_start3A_113 = tpu.memref_slice %arg2[%dma_start3A_112, %multiple_of3A_97] : memref<32x1000000xf32, #tpu.memory_space<hbm>> -> memref<32x128xf32, #tpu.memory_space<hbm>>
    tpu.enqueue_dma source(%dma_start3A_113 : memref<32x128xf32, #tpu.memory_space<hbm>>) target(%dma_start3A_111 : memref<32x128xf32, #tpu.memory_space<vmem>>) target_semaphore(%dma_start3A_107 : memref<!tpu.dma_semaphore, #tpu.memory_space<semaphore_mem>>)
    %slice3A_114 = vector.extract_strided_slice %get3A_3 {offsets = [5], sizes = [1], strides = [1]} : vector<16xi32> to vector<1xi32>
    %squeeze3A_115 = vector.extract %slice3A_114[0] : i32 from vector<1xi32>
    %shift_right_arithmetic3A_116 = arith.constant 7 : i32
    %shift_right_arithmetic3A_117 = arith.shrsi %squeeze3A_115, %shift_right_arithmetic3A_116 : i32
    %mul3A_118 = arith.constant 128 : i32
    %mul3A_119 = arith.muli %shift_right_arithmetic3A_117, %mul3A_118 : i32
    %multiple_of3A_120 = tpu.assume_multiple %mul3A_119, 128 : i32
    %dma_start3A_121 = arith.constant 5 : i32
    %dma_start3A_122 = arith.constant 5 : i32
    %dma_start3A_123 = arith.constant 0 : i32
    %dma_start3A_124 = arith.constant 0 : i32
    %dma_start3A_125 = tpu.memref_slice %arg6[%dma_start3A_121, %dma_start3A_123, %dma_start3A_124] : memref<16x32x128xf32, #tpu.memory_space<vmem>> -> memref<1x32x128xf32, #tpu.memory_space<vmem>>
    %dma_start3A_126 = tpu.memref_squeeze %dma_start3A_125 : memref<1x32x128xf32, #tpu.memory_space<vmem>> -> memref<32x128xf32, #tpu.memory_space<vmem>>
    %dma_start3A_127 = arith.constant 0 : i32
    %dma_start3A_128 = tpu.memref_slice %arg2[%dma_start3A_127, %multiple_of3A_120] : memref<32x1000000xf32, #tpu.memory_space<hbm>> -> memref<32x128xf32, #tpu.memory_space<hbm>>
    %dma_start3A_129 = tpu.memref_slice %arg8[%dma_start3A_122] : memref<16x!tpu.dma_semaphore, #tpu.memory_space<semaphore_mem>> -> memref<1x!tpu.dma_semaphore, #tpu.memory_space<semaphore_mem>>
    %dma_start3A_130 = tpu.memref_squeeze %dma_start3A_129 : memref<1x!tpu.dma_semaphore, #tpu.memory_space<semaphore_mem>> -> memref<!tpu.dma_semaphore, #tpu.memory_space<semaphore_mem>>
    %dma_start3A_131 = arith.constant 0 : i32
    %dma_start3A_132 = arith.constant 0 : i32
    %dma_start3A_133 = tpu.memref_slice %arg6[%dma_start3A_121, %dma_start3A_131, %dma_start3A_132] : memref<16x32x128xf32, #tpu.memory_space<vmem>> -> memref<1x32x128xf32, #tpu.memory_space<vmem>>
    %dma_start3A_134 = tpu.memref_squeeze %dma_start3A_133 : memref<1x32x128xf32, #tpu.memory_space<vmem>> -> memref<32x128xf32, #tpu.memory_space<vmem>>
    %dma_start3A_135 = arith.constant 0 : i32
    %dma_start3A_136 = tpu.memref_slice %arg2[%dma_start3A_135, %multiple_of3A_120] : memref<32x1000000xf32, #tpu.memory_space<hbm>> -> memref<32x128xf32, #tpu.memory_space<hbm>>
    tpu.enqueue_dma source(%dma_start3A_136 : memref<32x128xf32, #tpu.memory_space<hbm>>) target(%dma_start3A_134 : memref<32x128xf32, #tpu.memory_space<vmem>>) target_semaphore(%dma_start3A_130 : memref<!tpu.dma_semaphore, #tpu.memory_space<semaphore_mem>>)
    %slice3A_137 = vector.extract_strided_slice %get3A_3 {offsets = [6], sizes = [1], strides = [1]} : vector<16xi32> to vector<1xi32>
    %squeeze3A_138 = vector.extract %slice3A_137[0] : i32 from vector<1xi32>
    %shift_right_arithmetic3A_139 = arith.constant 7 : i32
    %shift_right_arithmetic3A_140 = arith.shrsi %squeeze3A_138, %shift_right_arithmetic3A_139 : i32
    %mul3A_141 = arith.constant 128 : i32
    %mul3A_142 = arith.muli %shift_right_arithmetic3A_140, %mul3A_141 : i32
    %multiple_of3A_143 = tpu.assume_multiple %mul3A_142, 128 : i32
    %dma_start3A_144 = arith.constant 6 : i32
    %dma_start3A_145 = arith.constant 6 : i32
    %dma_start3A_146 = arith.constant 0 : i32
    %dma_start3A_147 = arith.constant 0 : i32
    %dma_start3A_148 = tpu.memref_slice %arg6[%dma_start3A_144, %dma_start3A_146, %dma_start3A_147] : memref<16x32x128xf32, #tpu.memory_space<vmem>> -> memref<1x32x128xf32, #tpu.memory_space<vmem>>
    %dma_start3A_149 = tpu.memref_squeeze %dma_start3A_148 : memref<1x32x128xf32, #tpu.memory_space<vmem>> -> memref<32x128xf32, #tpu.memory_space<vmem>>
    %dma_start3A_150 = arith.constant 0 : i32
    %dma_start3A_151 = tpu.memref_slice %arg2[%dma_start3A_150, %multiple_of3A_143] : memref<32x1000000xf32, #tpu.memory_space<hbm>> -> memref<32x128xf32, #tpu.memory_space<hbm>>
    %dma_start3A_152 = tpu.memref_slice %arg8[%dma_start3A_145] : memref<16x!tpu.dma_semaphore, #tpu.memory_space<semaphore_mem>> -> memref<1x!tpu.dma_semaphore, #tpu.memory_space<semaphore_mem>>
    %dma_start3A_153 = tpu.memref_squeeze %dma_start3A_152 : memref<1x!tpu.dma_semaphore, #tpu.memory_space<semaphore_mem>> -> memref<!tpu.dma_semaphore, #tpu.memory_space<semaphore_mem>>
    %dma_start3A_154 = arith.constant 0 : i32
    %dma_start3A_155 = arith.constant 0 : i32
    %dma_start3A_156 = tpu.memref_slice %arg6[%dma_start3A_144, %dma_start3A_154, %dma_start3A_155] : memref<16x32x128xf32, #tpu.memory_space<vmem>> -> memref<1x32x128xf32, #tpu.memory_space<vmem>>
    %dma_start3A_157 = tpu.memref_squeeze %dma_start3A_156 : memref<1x32x128xf32, #tpu.memory_space<vmem>> -> memref<32x128xf32, #tpu.memory_space<vmem>>
    %dma_start3A_158 = arith.constant 0 : i32
    %dma_start3A_159 = tpu.memref_slice %arg2[%dma_start3A_158, %multiple_of3A_143] : memref<32x1000000xf32, #tpu.memory_space<hbm>> -> memref<32x128xf32, #tpu.memory_space<hbm>>
    tpu.enqueue_dma source(%dma_start3A_159 : memref<32x128xf32, #tpu.memory_space<hbm>>) target(%dma_start3A_157 : memref<32x128xf32, #tpu.memory_space<vmem>>) target_semaphore(%dma_start3A_153 : memref<!tpu.dma_semaphore, #tpu.memory_space<semaphore_mem>>)
    %slice3A_160 = vector.extract_strided_slice %get3A_3 {offsets = [7], sizes = [1], strides = [1]} : vector<16xi32> to vector<1xi32>
    %squeeze3A_161 = vector.extract %slice3A_160[0] : i32 from vector<1xi32>
    %shift_right_arithmetic3A_162 = arith.constant 7 : i32
    %shift_right_arithmetic3A_163 = arith.shrsi %squeeze3A_161, %shift_right_arithmetic3A_162 : i32
    %mul3A_164 = arith.constant 128 : i32
    %mul3A_165 = arith.muli %shift_right_arithmetic3A_163, %mul3A_164 : i32
    %multiple_of3A_166 = tpu.assume_multiple %mul3A_165, 128 : i32
    %dma_start3A_167 = arith.constant 7 : i32
    %dma_start3A_168 = arith.constant 7 : i32
    %dma_start3A_169 = arith.constant 0 : i32
    %dma_start3A_170 = arith.constant 0 : i32
    %dma_start3A_171 = tpu.memref_slice %arg6[%dma_start3A_167, %dma_start3A_169, %dma_start3A_170] : memref<16x32x128xf32, #tpu.memory_space<vmem>> -> memref<1x32x128xf32, #tpu.memory_space<vmem>>
    %dma_start3A_172 = tpu.memref_squeeze %dma_start3A_171 : memref<1x32x128xf32, #tpu.memory_space<vmem>> -> memref<32x128xf32, #tpu.memory_space<vmem>>
    %dma_start3A_173 = arith.constant 0 : i32
    %dma_start3A_174 = tpu.memref_slice %arg2[%dma_start3A_173, %multiple_of3A_166] : memref<32x1000000xf32, #tpu.memory_space<hbm>> -> memref<32x128xf32, #tpu.memory_space<hbm>>
    %dma_start3A_175 = tpu.memref_slice %arg8[%dma_start3A_168] : memref<16x!tpu.dma_semaphore, #tpu.memory_space<semaphore_mem>> -> memref<1x!tpu.dma_semaphore, #tpu.memory_space<semaphore_mem>>
    %dma_start3A_176 = tpu.memref_squeeze %dma_start3A_175 : memref<1x!tpu.dma_semaphore, #tpu.memory_space<semaphore_mem>> -> memref<!tpu.dma_semaphore, #tpu.memory_space<semaphore_mem>>
    %dma_start3A_177 = arith.constant 0 : i32
    %dma_start3A_178 = arith.constant 0 : i32
    %dma_start3A_179 = tpu.memref_slice %arg6[%dma_start3A_167, %dma_start3A_177, %dma_start3A_178] : memref<16x32x128xf32, #tpu.memory_space<vmem>> -> memref<1x32x128xf32, #tpu.memory_space<vmem>>
    %dma_start3A_180 = tpu.memref_squeeze %dma_start3A_179 : memref<1x32x128xf32, #tpu.memory_space<vmem>> -> memref<32x128xf32, #tpu.memory_space<vmem>>
    %dma_start3A_181 = arith.constant 0 : i32
    %dma_start3A_182 = tpu.memref_slice %arg2[%dma_start3A_181, %multiple_of3A_166] : memref<32x1000000xf32, #tpu.memory_space<hbm>> -> memref<32x128xf32, #tpu.memory_space<hbm>>
    tpu.enqueue_dma source(%dma_start3A_182 : memref<32x128xf32, #tpu.memory_space<hbm>>) target(%dma_start3A_180 : memref<32x128xf32, #tpu.memory_space<vmem>>) target_semaphore(%dma_start3A_176 : memref<!tpu.dma_semaphore, #tpu.memory_space<semaphore_mem>>)
    %slice3A_183 = vector.extract_strided_slice %get3A_3 {offsets = [8], sizes = [1], strides = [1]} : vector<16xi32> to vector<1xi32>
    %squeeze3A_184 = vector.extract %slice3A_183[0] : i32 from vector<1xi32>
    %shift_right_arithmetic3A_185 = arith.constant 7 : i32
    %shift_right_arithmetic3A_186 = arith.shrsi %squeeze3A_184, %shift_right_arithmetic3A_185 : i32
    %mul3A_187 = arith.constant 128 : i32
    %mul3A_188 = arith.muli %shift_right_arithmetic3A_186, %mul3A_187 : i32
    %multiple_of3A_189 = tpu.assume_multiple %mul3A_188, 128 : i32
    %dma_start3A_190 = arith.constant 8 : i32
    %dma_start3A_191 = arith.constant 8 : i32
    %dma_start3A_192 = arith.constant 0 : i32
    %dma_start3A_193 = arith.constant 0 : i32
    %dma_start3A_194 = tpu.memref_slice %arg6[%dma_start3A_190, %dma_start3A_192, %dma_start3A_193] : memref<16x32x128xf32, #tpu.memory_space<vmem>> -> memref<1x32x128xf32, #tpu.memory_space<vmem>>
    %dma_start3A_195 = tpu.memref_squeeze %dma_start3A_194 : memref<1x32x128xf32, #tpu.memory_space<vmem>> -> memref<32x128xf32, #tpu.memory_space<vmem>>
    %dma_start3A_196 = arith.constant 0 : i32
    %dma_start3A_197 = tpu.memref_slice %arg2[%dma_start3A_196, %multiple_of3A_189] : memref<32x1000000xf32, #tpu.memory_space<hbm>> -> memref<32x128xf32, #tpu.memory_space<hbm>>
    %dma_start3A_198 = tpu.memref_slice %arg8[%dma_start3A_191] : memref<16x!tpu.dma_semaphore, #tpu.memory_space<semaphore_mem>> -> memref<1x!tpu.dma_semaphore, #tpu.memory_space<semaphore_mem>>
    %dma_start3A_199 = tpu.memref_squeeze %dma_start3A_198 : memref<1x!tpu.dma_semaphore, #tpu.memory_space<semaphore_mem>> -> memref<!tpu.dma_semaphore, #tpu.memory_space<semaphore_mem>>
    %dma_start3A_200 = arith.constant 0 : i32
    %dma_start3A_201 = arith.constant 0 : i32
    %dma_start3A_202 = tpu.memref_slice %arg6[%dma_start3A_190, %dma_start3A_200, %dma_start3A_201] : memref<16x32x128xf32, #tpu.memory_space<vmem>> -> memref<1x32x128xf32, #tpu.memory_space<vmem>>
    %dma_start3A_203 = tpu.memref_squeeze %dma_start3A_202 : memref<1x32x128xf32, #tpu.memory_space<vmem>> -> memref<32x128xf32, #tpu.memory_space<vmem>>
    %dma_start3A_204 = arith.constant 0 : i32
    %dma_start3A_205 = tpu.memref_slice %arg2[%dma_start3A_204, %multiple_of3A_189] : memref<32x1000000xf32, #tpu.memory_space<hbm>> -> memref<32x128xf32, #tpu.memory_space<hbm>>
    tpu.enqueue_dma source(%dma_start3A_205 : memref<32x128xf32, #tpu.memory_space<hbm>>) target(%dma_start3A_203 : memref<32x128xf32, #tpu.memory_space<vmem>>) target_semaphore(%dma_start3A_199 : memref<!tpu.dma_semaphore, #tpu.memory_space<semaphore_mem>>)
    %slice3A_206 = vector.extract_strided_slice %get3A_3 {offsets = [9], sizes = [1], strides = [1]} : vector<16xi32> to vector<1xi32>
    %squeeze3A_207 = vector.extract %slice3A_206[0] : i32 from vector<1xi32>
    %shift_right_arithmetic3A_208 = arith.constant 7 : i32
    %shift_right_arithmetic3A_209 = arith.shrsi %squeeze3A_207, %shift_right_arithmetic3A_208 : i32
    %mul3A_210 = arith.constant 128 : i32
    %mul3A_211 = arith.muli %shift_right_arithmetic3A_209, %mul3A_210 : i32
    %multiple_of3A_212 = tpu.assume_multiple %mul3A_211, 128 : i32
    %dma_start3A_213 = arith.constant 9 : i32
    %dma_start3A_214 = arith.constant 9 : i32
    %dma_start3A_215 = arith.constant 0 : i32
    %dma_start3A_216 = arith.constant 0 : i32
    %dma_start3A_217 = tpu.memref_slice %arg6[%dma_start3A_213, %dma_start3A_215, %dma_start3A_216] : memref<16x32x128xf32, #tpu.memory_space<vmem>> -> memref<1x32x128xf32, #tpu.memory_space<vmem>>
    %dma_start3A_218 = tpu.memref_squeeze %dma_start3A_217 : memref<1x32x128xf32, #tpu.memory_space<vmem>> -> memref<32x128xf32, #tpu.memory_space<vmem>>
    %dma_start3A_219 = arith.constant 0 : i32
    %dma_start3A_220 = tpu.memref_slice %arg2[%dma_start3A_219, %multiple_of3A_212] : memref<32x1000000xf32, #tpu.memory_space<hbm>> -> memref<32x128xf32, #tpu.memory_space<hbm>>
    %dma_start3A_221 = tpu.memref_slice %arg8[%dma_start3A_214] : memref<16x!tpu.dma_semaphore, #tpu.memory_space<semaphore_mem>> -> memref<1x!tpu.dma_semaphore, #tpu.memory_space<semaphore_mem>>
    %dma_start3A_222 = tpu.memref_squeeze %dma_start3A_221 : memref<1x!tpu.dma_semaphore, #tpu.memory_space<semaphore_mem>> -> memref<!tpu.dma_semaphore, #tpu.memory_space<semaphore_mem>>
    %dma_start3A_223 = arith.constant 0 : i32
    %dma_start3A_224 = arith.constant 0 : i32
    %dma_start3A_225 = tpu.memref_slice %arg6[%dma_start3A_213, %dma_start3A_223, %dma_start3A_224] : memref<16x32x128xf32, #tpu.memory_space<vmem>> -> memref<1x32x128xf32, #tpu.memory_space<vmem>>
    %dma_start3A_226 = tpu.memref_squeeze %dma_start3A_225 : memref<1x32x128xf32, #tpu.memory_space<vmem>> -> memref<32x128xf32, #tpu.memory_space<vmem>>
    %dma_start3A_227 = arith.constant 0 : i32
    %dma_start3A_228 = tpu.memref_slice %arg2[%dma_start3A_227, %multiple_of3A_212] : memref<32x1000000xf32, #tpu.memory_space<hbm>> -> memref<32x128xf32, #tpu.memory_space<hbm>>
    tpu.enqueue_dma source(%dma_start3A_228 : memref<32x128xf32, #tpu.memory_space<hbm>>) target(%dma_start3A_226 : memref<32x128xf32, #tpu.memory_space<vmem>>) target_semaphore(%dma_start3A_222 : memref<!tpu.dma_semaphore, #tpu.memory_space<semaphore_mem>>)
    %slice3A_229 = vector.extract_strided_slice %get3A_3 {offsets = [10], sizes = [1], strides = [1]} : vector<16xi32> to vector<1xi32>
    %squeeze3A_230 = vector.extract %slice3A_229[0] : i32 from vector<1xi32>
    %shift_right_arithmetic3A_231 = arith.constant 7 : i32
    %shift_right_arithmetic3A_232 = arith.shrsi %squeeze3A_230, %shift_right_arithmetic3A_231 : i32
    %mul3A_233 = arith.constant 128 : i32
    %mul3A_234 = arith.muli %shift_right_arithmetic3A_232, %mul3A_233 : i32
    %multiple_of3A_235 = tpu.assume_multiple %mul3A_234, 128 : i32
    %dma_start3A_236 = arith.constant 10 : i32
    %dma_start3A_237 = arith.constant 10 : i32
    %dma_start3A_238 = arith.constant 0 : i32
    %dma_start3A_239 = arith.constant 0 : i32
    %dma_start3A_240 = tpu.memref_slice %arg6[%dma_start3A_236, %dma_start3A_238, %dma_start3A_239] : memref<16x32x128xf32, #tpu.memory_space<vmem>> -> memref<1x32x128xf32, #tpu.memory_space<vmem>>
    %dma_start3A_241 = tpu.memref_squeeze %dma_start3A_240 : memref<1x32x128xf32, #tpu.memory_space<vmem>> -> memref<32x128xf32, #tpu.memory_space<vmem>>
    %dma_start3A_242 = arith.constant 0 : i32
    %dma_start3A_243 = tpu.memref_slice %arg2[%dma_start3A_242, %multiple_of3A_235] : memref<32x1000000xf32, #tpu.memory_space<hbm>> -> memref<32x128xf32, #tpu.memory_space<hbm>>
    %dma_start3A_244 = tpu.memref_slice %arg8[%dma_start3A_237] : memref<16x!tpu.dma_semaphore, #tpu.memory_space<semaphore_mem>> -> memref<1x!tpu.dma_semaphore, #tpu.memory_space<semaphore_mem>>
    %dma_start3A_245 = tpu.memref_squeeze %dma_start3A_244 : memref<1x!tpu.dma_semaphore, #tpu.memory_space<semaphore_mem>> -> memref<!tpu.dma_semaphore, #tpu.memory_space<semaphore_mem>>
    %dma_start3A_246 = arith.constant 0 : i32
    %dma_start3A_247 = arith.constant 0 : i32
    %dma_start3A_248 = tpu.memref_slice %arg6[%dma_start3A_236, %dma_start3A_246, %dma_start3A_247] : memref<16x32x128xf32, #tpu.memory_space<vmem>> -> memref<1x32x128xf32, #tpu.memory_space<vmem>>
    %dma_start3A_249 = tpu.memref_squeeze %dma_start3A_248 : memref<1x32x128xf32, #tpu.memory_space<vmem>> -> memref<32x128xf32, #tpu.memory_space<vmem>>
    %dma_start3A_250 = arith.constant 0 : i32
    %dma_start3A_251 = tpu.memref_slice %arg2[%dma_start3A_250, %multiple_of3A_235] : memref<32x1000000xf32, #tpu.memory_space<hbm>> -> memref<32x128xf32, #tpu.memory_space<hbm>>
    tpu.enqueue_dma source(%dma_start3A_251 : memref<32x128xf32, #tpu.memory_space<hbm>>) target(%dma_start3A_249 : memref<32x128xf32, #tpu.memory_space<vmem>>) target_semaphore(%dma_start3A_245 : memref<!tpu.dma_semaphore, #tpu.memory_space<semaphore_mem>>)
    %slice3A_252 = vector.extract_strided_slice %get3A_3 {offsets = [11], sizes = [1], strides = [1]} : vector<16xi32> to vector<1xi32>
    %squeeze3A_253 = vector.extract %slice3A_252[0] : i32 from vector<1xi32>
    %shift_right_arithmetic3A_254 = arith.constant 7 : i32
    %shift_right_arithmetic3A_255 = arith.shrsi %squeeze3A_253, %shift_right_arithmetic3A_254 : i32
    %mul3A_256 = arith.constant 128 : i32
    %mul3A_257 = arith.muli %shift_right_arithmetic3A_255, %mul3A_256 : i32
    %multiple_of3A_258 = tpu.assume_multiple %mul3A_257, 128 : i32
    %dma_start3A_259 = arith.constant 11 : i32
    %dma_start3A_260 = arith.constant 11 : i32
    %dma_start3A_261 = arith.constant 0 : i32
    %dma_start3A_262 = arith.constant 0 : i32
    %dma_start3A_263 = tpu.memref_slice %arg6[%dma_start3A_259, %dma_start3A_261, %dma_start3A_262] : memref<16x32x128xf32, #tpu.memory_space<vmem>> -> memref<1x32x128xf32, #tpu.memory_space<vmem>>
    %dma_start3A_264 = tpu.memref_squeeze %dma_start3A_263 : memref<1x32x128xf32, #tpu.memory_space<vmem>> -> memref<32x128xf32, #tpu.memory_space<vmem>>
    %dma_start3A_265 = arith.constant 0 : i32
    %dma_start3A_266 = tpu.memref_slice %arg2[%dma_start3A_265, %multiple_of3A_258] : memref<32x1000000xf32, #tpu.memory_space<hbm>> -> memref<32x128xf32, #tpu.memory_space<hbm>>
    %dma_start3A_267 = tpu.memref_slice %arg8[%dma_start3A_260] : memref<16x!tpu.dma_semaphore, #tpu.memory_space<semaphore_mem>> -> memref<1x!tpu.dma_semaphore, #tpu.memory_space<semaphore_mem>>
    %dma_start3A_268 = tpu.memref_squeeze %dma_start3A_267 : memref<1x!tpu.dma_semaphore, #tpu.memory_space<semaphore_mem>> -> memref<!tpu.dma_semaphore, #tpu.memory_space<semaphore_mem>>
    %dma_start3A_269 = arith.constant 0 : i32
    %dma_start3A_270 = arith.constant 0 : i32
    %dma_start3A_271 = tpu.memref_slice %arg6[%dma_start3A_259, %dma_start3A_269, %dma_start3A_270] : memref<16x32x128xf32, #tpu.memory_space<vmem>> -> memref<1x32x128xf32, #tpu.memory_space<vmem>>
    %dma_start3A_272 = tpu.memref_squeeze %dma_start3A_271 : memref<1x32x128xf32, #tpu.memory_space<vmem>> -> memref<32x128xf32, #tpu.memory_space<vmem>>
    %dma_start3A_273 = arith.constant 0 : i32
    %dma_start3A_274 = tpu.memref_slice %arg2[%dma_start3A_273, %multiple_of3A_258] : memref<32x1000000xf32, #tpu.memory_space<hbm>> -> memref<32x128xf32, #tpu.memory_space<hbm>>
    tpu.enqueue_dma source(%dma_start3A_274 : memref<32x128xf32, #tpu.memory_space<hbm>>) target(%dma_start3A_272 : memref<32x128xf32, #tpu.memory_space<vmem>>) target_semaphore(%dma_start3A_268 : memref<!tpu.dma_semaphore, #tpu.memory_space<semaphore_mem>>)
    %slice3A_275 = vector.extract_strided_slice %get3A_3 {offsets = [12], sizes = [1], strides = [1]} : vector<16xi32> to vector<1xi32>
    %squeeze3A_276 = vector.extract %slice3A_275[0] : i32 from vector<1xi32>
    %shift_right_arithmetic3A_277 = arith.constant 7 : i32
    %shift_right_arithmetic3A_278 = arith.shrsi %squeeze3A_276, %shift_right_arithmetic3A_277 : i32
    %mul3A_279 = arith.constant 128 : i32
    %mul3A_280 = arith.muli %shift_right_arithmetic3A_278, %mul3A_279 : i32
    %multiple_of3A_281 = tpu.assume_multiple %mul3A_280, 128 : i32
    %dma_start3A_282 = arith.constant 12 : i32
    %dma_start3A_283 = arith.constant 12 : i32
    %dma_start3A_284 = arith.constant 0 : i32
    %dma_start3A_285 = arith.constant 0 : i32
    %dma_start3A_286 = tpu.memref_slice %arg6[%dma_start3A_282, %dma_start3A_284, %dma_start3A_285] : memref<16x32x128xf32, #tpu.memory_space<vmem>> -> memref<1x32x128xf32, #tpu.memory_space<vmem>>
    %dma_start3A_287 = tpu.memref_squeeze %dma_start3A_286 : memref<1x32x128xf32, #tpu.memory_space<vmem>> -> memref<32x128xf32, #tpu.memory_space<vmem>>
    %dma_start3A_288 = arith.constant 0 : i32
    %dma_start3A_289 = tpu.memref_slice %arg2[%dma_start3A_288, %multiple_of3A_281] : memref<32x1000000xf32, #tpu.memory_space<hbm>> -> memref<32x128xf32, #tpu.memory_space<hbm>>
    %dma_start3A_290 = tpu.memref_slice %arg8[%dma_start3A_283] : memref<16x!tpu.dma_semaphore, #tpu.memory_space<semaphore_mem>> -> memref<1x!tpu.dma_semaphore, #tpu.memory_space<semaphore_mem>>
    %dma_start3A_291 = tpu.memref_squeeze %dma_start3A_290 : memref<1x!tpu.dma_semaphore, #tpu.memory_space<semaphore_mem>> -> memref<!tpu.dma_semaphore, #tpu.memory_space<semaphore_mem>>
    %dma_start3A_292 = arith.constant 0 : i32
    %dma_start3A_293 = arith.constant 0 : i32
    %dma_start3A_294 = tpu.memref_slice %arg6[%dma_start3A_282, %dma_start3A_292, %dma_start3A_293] : memref<16x32x128xf32, #tpu.memory_space<vmem>> -> memref<1x32x128xf32, #tpu.memory_space<vmem>>
    %dma_start3A_295 = tpu.memref_squeeze %dma_start3A_294 : memref<1x32x128xf32, #tpu.memory_space<vmem>> -> memref<32x128xf32, #tpu.memory_space<vmem>>
    %dma_start3A_296 = arith.constant 0 : i32
    %dma_start3A_297 = tpu.memref_slice %arg2[%dma_start3A_296, %multiple_of3A_281] : memref<32x1000000xf32, #tpu.memory_space<hbm>> -> memref<32x128xf32, #tpu.memory_space<hbm>>
    tpu.enqueue_dma source(%dma_start3A_297 : memref<32x128xf32, #tpu.memory_space<hbm>>) target(%dma_start3A_295 : memref<32x128xf32, #tpu.memory_space<vmem>>) target_semaphore(%dma_start3A_291 : memref<!tpu.dma_semaphore, #tpu.memory_space<semaphore_mem>>)
    %slice3A_298 = vector.extract_strided_slice %get3A_3 {offsets = [13], sizes = [1], strides = [1]} : vector<16xi32> to vector<1xi32>
    %squeeze3A_299 = vector.extract %slice3A_298[0] : i32 from vector<1xi32>
    %shift_right_arithmetic3A_300 = arith.constant 7 : i32
    %shift_right_arithmetic3A_301 = arith.shrsi %squeeze3A_299, %shift_right_arithmetic3A_300 : i32
    %mul3A_302 = arith.constant 128 : i32
    %mul3A_303 = arith.muli %shift_right_arithmetic3A_301, %mul3A_302 : i32
    %multiple_of3A_304 = tpu.assume_multiple %mul3A_303, 128 : i32
    %dma_start3A_305 = arith.constant 13 : i32
    %dma_start3A_306 = arith.constant 13 : i32
    %dma_start3A_307 = arith.constant 0 : i32
    %dma_start3A_308 = arith.constant 0 : i32
    %dma_start3A_309 = tpu.memref_slice %arg6[%dma_start3A_305, %dma_start3A_307, %dma_start3A_308] : memref<16x32x128xf32, #tpu.memory_space<vmem>> -> memref<1x32x128xf32, #tpu.memory_space<vmem>>
    %dma_start3A_310 = tpu.memref_squeeze %dma_start3A_309 : memref<1x32x128xf32, #tpu.memory_space<vmem>> -> memref<32x128xf32, #tpu.memory_space<vmem>>
    %dma_start3A_311 = arith.constant 0 : i32
    %dma_start3A_312 = tpu.memref_slice %arg2[%dma_start3A_311, %multiple_of3A_304] : memref<32x1000000xf32, #tpu.memory_space<hbm>> -> memref<32x128xf32, #tpu.memory_space<hbm>>
    %dma_start3A_313 = tpu.memref_slice %arg8[%dma_start3A_306] : memref<16x!tpu.dma_semaphore, #tpu.memory_space<semaphore_mem>> -> memref<1x!tpu.dma_semaphore, #tpu.memory_space<semaphore_mem>>
    %dma_start3A_314 = tpu.memref_squeeze %dma_start3A_313 : memref<1x!tpu.dma_semaphore, #tpu.memory_space<semaphore_mem>> -> memref<!tpu.dma_semaphore, #tpu.memory_space<semaphore_mem>>
    %dma_start3A_315 = arith.constant 0 : i32
    %dma_start3A_316 = arith.constant 0 : i32
    %dma_start3A_317 = tpu.memref_slice %arg6[%dma_start3A_305, %dma_start3A_315, %dma_start3A_316] : memref<16x32x128xf32, #tpu.memory_space<vmem>> -> memref<1x32x128xf32, #tpu.memory_space<vmem>>
    %dma_start3A_318 = tpu.memref_squeeze %dma_start3A_317 : memref<1x32x128xf32, #tpu.memory_space<vmem>> -> memref<32x128xf32, #tpu.memory_space<vmem>>
    %dma_start3A_319 = arith.constant 0 : i32
    %dma_start3A_320 = tpu.memref_slice %arg2[%dma_start3A_319, %multiple_of3A_304] : memref<32x1000000xf32, #tpu.memory_space<hbm>> -> memref<32x128xf32, #tpu.memory_space<hbm>>
    tpu.enqueue_dma source(%dma_start3A_320 : memref<32x128xf32, #tpu.memory_space<hbm>>) target(%dma_start3A_318 : memref<32x128xf32, #tpu.memory_space<vmem>>) target_semaphore(%dma_start3A_314 : memref<!tpu.dma_semaphore, #tpu.memory_space<semaphore_mem>>)
    %slice3A_321 = vector.extract_strided_slice %get3A_3 {offsets = [14], sizes = [1], strides = [1]} : vector<16xi32> to vector<1xi32>
    %squeeze3A_322 = vector.extract %slice3A_321[0] : i32 from vector<1xi32>
    %shift_right_arithmetic3A_323 = arith.constant 7 : i32
    %shift_right_arithmetic3A_324 = arith.shrsi %squeeze3A_322, %shift_right_arithmetic3A_323 : i32
    %mul3A_325 = arith.constant 128 : i32
    %mul3A_326 = arith.muli %shift_right_arithmetic3A_324, %mul3A_325 : i32
    %multiple_of3A_327 = tpu.assume_multiple %mul3A_326, 128 : i32
    %dma_start3A_328 = arith.constant 14 : i32
    %dma_start3A_329 = arith.constant 14 : i32
    %dma_start3A_330 = arith.constant 0 : i32
    %dma_start3A_331 = arith.constant 0 : i32
    %dma_start3A_332 = tpu.memref_slice %arg6[%dma_start3A_328, %dma_start3A_330, %dma_start3A_331] : memref<16x32x128xf32, #tpu.memory_space<vmem>> -> memref<1x32x128xf32, #tpu.memory_space<vmem>>
    %dma_start3A_333 = tpu.memref_squeeze %dma_start3A_332 : memref<1x32x128xf32, #tpu.memory_space<vmem>> -> memref<32x128xf32, #tpu.memory_space<vmem>>
    %dma_start3A_334 = arith.constant 0 : i32
    %dma_start3A_335 = tpu.memref_slice %arg2[%dma_start3A_334, %multiple_of3A_327] : memref<32x1000000xf32, #tpu.memory_space<hbm>> -> memref<32x128xf32, #tpu.memory_space<hbm>>
    %dma_start3A_336 = tpu.memref_slice %arg8[%dma_start3A_329] : memref<16x!tpu.dma_semaphore, #tpu.memory_space<semaphore_mem>> -> memref<1x!tpu.dma_semaphore, #tpu.memory_space<semaphore_mem>>
    %dma_start3A_337 = tpu.memref_squeeze %dma_start3A_336 : memref<1x!tpu.dma_semaphore, #tpu.memory_space<semaphore_mem>> -> memref<!tpu.dma_semaphore, #tpu.memory_space<semaphore_mem>>
    %dma_start3A_338 = arith.constant 0 : i32
    %dma_start3A_339 = arith.constant 0 : i32
    %dma_start3A_340 = tpu.memref_slice %arg6[%dma_start3A_328, %dma_start3A_338, %dma_start3A_339] : memref<16x32x128xf32, #tpu.memory_space<vmem>> -> memref<1x32x128xf32, #tpu.memory_space<vmem>>
    %dma_start3A_341 = tpu.memref_squeeze %dma_start3A_340 : memref<1x32x128xf32, #tpu.memory_space<vmem>> -> memref<32x128xf32, #tpu.memory_space<vmem>>
    %dma_start3A_342 = arith.constant 0 : i32
    %dma_start3A_343 = tpu.memref_slice %arg2[%dma_start3A_342, %multiple_of3A_327] : memref<32x1000000xf32, #tpu.memory_space<hbm>> -> memref<32x128xf32, #tpu.memory_space<hbm>>
    tpu.enqueue_dma source(%dma_start3A_343 : memref<32x128xf32, #tpu.memory_space<hbm>>) target(%dma_start3A_341 : memref<32x128xf32, #tpu.memory_space<vmem>>) target_semaphore(%dma_start3A_337 : memref<!tpu.dma_semaphore, #tpu.memory_space<semaphore_mem>>)
    %slice3A_344 = vector.extract_strided_slice %get3A_3 {offsets = [15], sizes = [1], strides = [1]} : vector<16xi32> to vector<1xi32>
    %squeeze3A_345 = vector.extract %slice3A_344[0] : i32 from vector<1xi32>
    %shift_right_arithmetic3A_346 = arith.constant 7 : i32
    %shift_right_arithmetic3A_347 = arith.shrsi %squeeze3A_345, %shift_right_arithmetic3A_346 : i32
    %mul3A_348 = arith.constant 128 : i32
    %mul3A_349 = arith.muli %shift_right_arithmetic3A_347, %mul3A_348 : i32
    %multiple_of3A_350 = tpu.assume_multiple %mul3A_349, 128 : i32
    %dma_start3A_351 = arith.constant 15 : i32
    %dma_start3A_352 = arith.constant 15 : i32
    %dma_start3A_353 = arith.constant 0 : i32
    %dma_start3A_354 = arith.constant 0 : i32
    %dma_start3A_355 = tpu.memref_slice %arg6[%dma_start3A_351, %dma_start3A_353, %dma_start3A_354] : memref<16x32x128xf32, #tpu.memory_space<vmem>> -> memref<1x32x128xf32, #tpu.memory_space<vmem>>
    %dma_start3A_356 = tpu.memref_squeeze %dma_start3A_355 : memref<1x32x128xf32, #tpu.memory_space<vmem>> -> memref<32x128xf32, #tpu.memory_space<vmem>>
    %dma_start3A_357 = arith.constant 0 : i32
    %dma_start3A_358 = tpu.memref_slice %arg2[%dma_start3A_357, %multiple_of3A_350] : memref<32x1000000xf32, #tpu.memory_space<hbm>> -> memref<32x128xf32, #tpu.memory_space<hbm>>
    %dma_start3A_359 = tpu.memref_slice %arg8[%dma_start3A_352] : memref<16x!tpu.dma_semaphore, #tpu.memory_space<semaphore_mem>> -> memref<1x!tpu.dma_semaphore, #tpu.memory_space<semaphore_mem>>
    %dma_start3A_360 = tpu.memref_squeeze %dma_start3A_359 : memref<1x!tpu.dma_semaphore, #tpu.memory_space<semaphore_mem>> -> memref<!tpu.dma_semaphore, #tpu.memory_space<semaphore_mem>>
    %dma_start3A_361 = arith.constant 0 : i32
    %dma_start3A_362 = arith.constant 0 : i32
    %dma_start3A_363 = tpu.memref_slice %arg6[%dma_start3A_351, %dma_start3A_361, %dma_start3A_362] : memref<16x32x128xf32, #tpu.memory_space<vmem>> -> memref<1x32x128xf32, #tpu.memory_space<vmem>>
    %dma_start3A_364 = tpu.memref_squeeze %dma_start3A_363 : memref<1x32x128xf32, #tpu.memory_space<vmem>> -> memref<32x128xf32, #tpu.memory_space<vmem>>
    %dma_start3A_365 = arith.constant 0 : i32
    %dma_start3A_366 = tpu.memref_slice %arg2[%dma_start3A_365, %multiple_of3A_350] : memref<32x1000000xf32, #tpu.memory_space<hbm>> -> memref<32x128xf32, #tpu.memory_space<hbm>>
    tpu.enqueue_dma source(%dma_start3A_366 : memref<32x128xf32, #tpu.memory_space<hbm>>) target(%dma_start3A_364 : memref<32x128xf32, #tpu.memory_space<vmem>>) target_semaphore(%dma_start3A_360 : memref<!tpu.dma_semaphore, #tpu.memory_space<semaphore_mem>>)
    %scan3A = arith.constant 0 : i32
    %scan3A_367 = arith.constant 32 : i32
    %scan3A_368 = arith.addi %scan3A, %scan3A_367 : i32
    %scan3A_369 = arith.constant 1 : i32
    %scan3A_370 = scf.for %scan3A_372 = %scan3A to %scan3A_368 step %scan3A_369 iter_args(%scan3A_373 = %get3A_3) -> (vector<16xi32>)  : i32 {
      %add3A_374 = arith.constant 1 : i32
      %add3A_375 = arith.addi %scan3A_372, %add3A_374 : i32
      %min3A = arith.constant 31 : i32
      %min3A_376 = arith.minsi %add3A_375, %min3A : i32
      %mul3A_377 = arith.constant 16 : i32
      %mul3A_378 = arith.muli %min3A_376, %mul3A_377 : i32
      %get3A_379 = arith.index_cast %mul3A_378 : i32 to index
      %get3A_380 = tpu.vector_load %arg5[%get3A_379] {strides = array<i32>} : memref<512xi32, #tpu.memory_space<vmem>>, vector<16xi32>,
      %dma_wait3A = arith.constant 0 : i32
      %dma_wait3A_381 = arith.constant 0 : i32
      %dma_wait3A_382 = arith.constant 0 : i32
      %dma_wait3A_383 = arith.constant 0 : i32
      %dma_wait3A_384 = tpu.memref_slice %arg6[%dma_wait3A, %dma_wait3A_382, %dma_wait3A_383] : memref<16x32x128xf32, #tpu.memory_space<vmem>> -> memref<1x32x128xf32, #tpu.memory_space<vmem>>
      %dma_wait3A_385 = tpu.memref_squeeze %dma_wait3A_384 : memref<1x32x128xf32, #tpu.memory_space<vmem>> -> memref<32x128xf32, #tpu.memory_space<vmem>>
      %dma_wait3A_386 = arith.constant 0 : i32
      %dma_wait3A_387 = arith.constant 0 : i32
      %dma_wait3A_388 = tpu.memref_slice %arg2[%dma_wait3A_386, %dma_wait3A_387] : memref<32x1000000xf32, #tpu.memory_space<hbm>> -> memref<32x128xf32, #tpu.memory_space<hbm>>
      %dma_wait3A_389 = tpu.memref_slice %arg8[%dma_wait3A_381] : memref<16x!tpu.dma_semaphore, #tpu.memory_space<semaphore_mem>> -> memref<1x!tpu.dma_semaphore, #tpu.memory_space<semaphore_mem>>
      %dma_wait3A_390 = tpu.memref_squeeze %dma_wait3A_389 : memref<1x!tpu.dma_semaphore, #tpu.memory_space<semaphore_mem>> -> memref<!tpu.dma_semaphore, #tpu.memory_space<semaphore_mem>>
      %dma_wait3A_391 = arith.constant 0 : i32
      %dma_wait3A_392 = arith.constant 0 : i32
      %dma_wait3A_393 = tpu.memref_slice %arg6[%dma_wait3A, %dma_wait3A_391, %dma_wait3A_392] : memref<16x32x128xf32, #tpu.memory_space<vmem>> -> memref<1x32x128xf32, #tpu.memory_space<vmem>>
      %dma_wait3A_394 = tpu.memref_squeeze %dma_wait3A_393 : memref<1x32x128xf32, #tpu.memory_space<vmem>> -> memref<32x128xf32, #tpu.memory_space<vmem>>
      %dma_wait3A_395 = arith.constant 0 : i32
      %dma_wait3A_396 = arith.constant 0 : i32
      %dma_wait3A_397 = tpu.memref_slice %arg2[%dma_wait3A_395, %dma_wait3A_396] : memref<32x1000000xf32, #tpu.memory_space<hbm>> -> memref<32x128xf32, #tpu.memory_space<hbm>>
      tpu.wait_dma2 semaphore(%dma_wait3A_390 : memref<!tpu.dma_semaphore, #tpu.memory_space<semaphore_mem>>) src(%dma_wait3A_397 : memref<32x128xf32, #tpu.memory_space<hbm>>) dst(%dma_wait3A_394 : memref<32x128xf32, #tpu.memory_space<vmem>>)
      %slice3A_398 = vector.extract_strided_slice %scan3A_373 {offsets = [0], sizes = [1], strides = [1]} : vector<16xi32> to vector<1xi32>
      %squeeze3A_399 = vector.extract %slice3A_398[0] : i32 from vector<1xi32>
      %and3A = arith.constant 127 : i32
      %and3A_400 = arith.andi %squeeze3A_399, %and3A : i32
      %broadcast_in_dim3A = vector.broadcast %and3A_400 : i32 to vector<16xi32>
      %mul3A_401 = arith.constant 16 : i32
      %mul3A_402 = arith.muli %scan3A_372, %mul3A_401 : i32
      %add3A_403 = arith.constant 0 : i32
      %add3A_404 = arith.addi %mul3A_402, %add3A_403 : i32
      %jit3A = arith.constant 128 : i32
      %eq3A = arith.constant 0 : i32
      %eq3A_405 = arith.cmpi eq, %jit3A, %eq3A : i32
      %jit3A_406 = arith.constant 1 : i32
      %select_n3A = arith.select %eq3A_405, %jit3A_406, %jit3A : i32
      %rem3A = arith.remsi %add3A_404, %select_n3A : i32
      %ne3A = arith.constant 0 : i32
      %ne3A_407 = arith.cmpi ne, %rem3A, %ne3A : i32
      %lt3A = arith.constant 0 : i32
      %lt3A_408 = arith.cmpi slt, %rem3A, %lt3A : i32
      %lt3A_409 = arith.constant 0 : i32
      %lt3A_410 = arith.cmpi slt, %select_n3A, %lt3A_409 : i32
      %ne3A_411 = arith.xori %lt3A_408, %lt3A_410 : i1
      %and3A_412 = arith.andi %ne3A_411, %ne3A_407 : i1
      %add3A_413 = arith.addi %rem3A, %select_n3A : i32
      %select_n3A_414 = arith.select %and3A_412, %add3A_413, %rem3A : i32
      %broadcast_in_dim3A_415 = vector.broadcast %select_n3A_414 : i32 to vector<16xi32>
      %gather3A = arith.constant 0 : i32
      %gather3A_416 = arith.constant 0 : i32
      %gather3A_417 = arith.constant 0 : i32
      %gather3A_418 = tpu.memref_slice %arg6[%gather3A, %gather3A_416, %gather3A_417] : memref<16x32x128xf32, #tpu.memory_space<vmem>> -> memref<1x32x128xf32, #tpu.memory_space<vmem>>
      %gather3A_419 = tpu.memref_squeeze %gather3A_418 : memref<1x32x128xf32, #tpu.memory_space<vmem>> -> memref<32x128xf32, #tpu.memory_space<vmem>>
      %gather3A_420 = tpu.vector_load_idx %gather3A_419[%iota3A, %broadcast_in_dim3A] : memref<32x128xf32, #tpu.memory_space<vmem>>[vector<16xi32>, vector<16xi32>], vector<16xf32>,
      %add3A_421 = arith.constant 16 : i32
      %add3A_422 = vector.broadcast %add3A_421 : i32 to vector<16xi32>
      %add3A_423 = arith.addi %iota3A, %add3A_422 : vector<16xi32>
      %gather3A_424 = arith.constant 0 : i32
      %gather3A_425 = arith.constant 0 : i32
      %gather3A_426 = arith.constant 0 : i32
      %gather3A_427 = tpu.memref_slice %arg6[%gather3A_424, %gather3A_425, %gather3A_426] : memref<16x32x128xf32, #tpu.memory_space<vmem>> -> memref<1x32x128xf32, #tpu.memory_space<vmem>>
      %gather3A_428 = tpu.memref_squeeze %gather3A_427 : memref<1x32x128xf32, #tpu.memory_space<vmem>> -> memref<32x128xf32, #tpu.memory_space<vmem>>
      %gather3A_429 = tpu.vector_load_idx %gather3A_428[%add3A_423, %broadcast_in_dim3A] : memref<32x128xf32, #tpu.memory_space<vmem>>[vector<16xi32>, vector<16xi32>], vector<16xf32>,
      tpu.vector_store_idx %arg7[%iota3A, %broadcast_in_dim3A_415], %gather3A_420 : memref<32x128xf32, #tpu.memory_space<vmem>>[vector<16xi32>, vector<16xi32>], vector<16xf32>,
      %add3A_430 = arith.constant 16 : i32
      %add3A_431 = vector.broadcast %add3A_430 : i32 to vector<16xi32>
      %add3A_432 = arith.addi %iota3A, %add3A_431 : vector<16xi32>
      tpu.vector_store_idx %arg7[%add3A_432, %broadcast_in_dim3A_415], %gather3A_429 : memref<32x128xf32, #tpu.memory_space<vmem>>[vector<16xi32>, vector<16xi32>], vector<16xf32>,
      %add3A_433 = arith.constant 1 : i32
      %add3A_434 = arith.addi %scan3A_372, %add3A_433 : i32
      %lt3A_435 = arith.constant 32 : i32
      %lt3A_436 = arith.cmpi slt, %add3A_434, %lt3A_435 : i32
      %convert_element_type3A = arith.extui %lt3A_436 : i1 to i32
      %cond3A = arith.constant 0 : i32
      %cond3A_437 = arith.cmpi ne, %convert_element_type3A, %cond3A : i32
      scf.if %cond3A_437 {
        %slice3A_1496 = vector.extract_strided_slice %get3A_380 {offsets = [0], sizes = [1], strides = [1]} : vector<16xi32> to vector<1xi32>
        %squeeze3A_1497 = vector.extract %slice3A_1496[0] : i32 from vector<1xi32>
        %shift_right_arithmetic3A_1498 = arith.constant 7 : i32
        %shift_right_arithmetic3A_1499 = arith.shrsi %squeeze3A_1497, %shift_right_arithmetic3A_1498 : i32
        %mul3A_1500 = arith.constant 128 : i32
        %mul3A_1501 = arith.muli %shift_right_arithmetic3A_1499, %mul3A_1500 : i32
        %multiple_of3A_1502 = tpu.assume_multiple %mul3A_1501, 128 : i32
        %dma_start3A_1503 = arith.constant 0 : i32
        %dma_start3A_1504 = arith.constant 0 : i32
        %dma_start3A_1505 = arith.constant 0 : i32
        %dma_start3A_1506 = arith.constant 0 : i32
        %dma_start3A_1507 = tpu.memref_slice %arg6[%dma_start3A_1503, %dma_start3A_1505, %dma_start3A_1506] : memref<16x32x128xf32, #tpu.memory_space<vmem>> -> memref<1x32x128xf32, #tpu.memory_space<vmem>>
        %dma_start3A_1508 = tpu.memref_squeeze %dma_start3A_1507 : memref<1x32x128xf32, #tpu.memory_space<vmem>> -> memref<32x128xf32, #tpu.memory_space<vmem>>
        %dma_start3A_1509 = arith.constant 0 : i32
        %dma_start3A_1510 = tpu.memref_slice %arg2[%dma_start3A_1509, %multiple_of3A_1502] : memref<32x1000000xf32, #tpu.memory_space<hbm>> -> memref<32x128xf32, #tpu.memory_space<hbm>>
        %dma_start3A_1511 = tpu.memref_slice %arg8[%dma_start3A_1504] : memref<16x!tpu.dma_semaphore, #tpu.memory_space<semaphore_mem>> -> memref<1x!tpu.dma_semaphore, #tpu.memory_space<semaphore_mem>>
        %dma_start3A_1512 = tpu.memref_squeeze %dma_start3A_1511 : memref<1x!tpu.dma_semaphore, #tpu.memory_space<semaphore_mem>> -> memref<!tpu.dma_semaphore, #tpu.memory_space<semaphore_mem>>
        %dma_start3A_1513 = arith.constant 0 : i32
        %dma_start3A_1514 = arith.constant 0 : i32
        %dma_start3A_1515 = tpu.memref_slice %arg6[%dma_start3A_1503, %dma_start3A_1513, %dma_start3A_1514] : memref<16x32x128xf32, #tpu.memory_space<vmem>> -> memref<1x32x128xf32, #tpu.memory_space<vmem>>
        %dma_start3A_1516 = tpu.memref_squeeze %dma_start3A_1515 : memref<1x32x128xf32, #tpu.memory_space<vmem>> -> memref<32x128xf32, #tpu.memory_space<vmem>>
        %dma_start3A_1517 = arith.constant 0 : i32
        %dma_start3A_1518 = tpu.memref_slice %arg2[%dma_start3A_1517, %multiple_of3A_1502] : memref<32x1000000xf32, #tpu.memory_space<hbm>> -> memref<32x128xf32, #tpu.memory_space<hbm>>
        tpu.enqueue_dma source(%dma_start3A_1518 : memref<32x128xf32, #tpu.memory_space<hbm>>) target(%dma_start3A_1516 : memref<32x128xf32, #tpu.memory_space<vmem>>) target_semaphore(%dma_start3A_1512 : memref<!tpu.dma_semaphore, #tpu.memory_space<semaphore_mem>>)
      } else {
      }
      %dma_wait3A_438 = arith.constant 1 : i32
      %dma_wait3A_439 = arith.constant 1 : i32
      %dma_wait3A_440 = arith.constant 0 : i32
      %dma_wait3A_441 = arith.constant 0 : i32
      %dma_wait3A_442 = tpu.memref_slice %arg6[%dma_wait3A_438, %dma_wait3A_440, %dma_wait3A_441] : memref<16x32x128xf32, #tpu.memory_space<vmem>> -> memref<1x32x128xf32, #tpu.memory_space<vmem>>
      %dma_wait3A_443 = tpu.memref_squeeze %dma_wait3A_442 : memref<1x32x128xf32, #tpu.memory_space<vmem>> -> memref<32x128xf32, #tpu.memory_space<vmem>>
      %dma_wait3A_444 = arith.constant 0 : i32
      %dma_wait3A_445 = arith.constant 0 : i32
      %dma_wait3A_446 = tpu.memref_slice %arg2[%dma_wait3A_444, %dma_wait3A_445] : memref<32x1000000xf32, #tpu.memory_space<hbm>> -> memref<32x128xf32, #tpu.memory_space<hbm>>
      %dma_wait3A_447 = tpu.memref_slice %arg8[%dma_wait3A_439] : memref<16x!tpu.dma_semaphore, #tpu.memory_space<semaphore_mem>> -> memref<1x!tpu.dma_semaphore, #tpu.memory_space<semaphore_mem>>
      %dma_wait3A_448 = tpu.memref_squeeze %dma_wait3A_447 : memref<1x!tpu.dma_semaphore, #tpu.memory_space<semaphore_mem>> -> memref<!tpu.dma_semaphore, #tpu.memory_space<semaphore_mem>>
      %dma_wait3A_449 = arith.constant 0 : i32
      %dma_wait3A_450 = arith.constant 0 : i32
      %dma_wait3A_451 = tpu.memref_slice %arg6[%dma_wait3A_438, %dma_wait3A_449, %dma_wait3A_450] : memref<16x32x128xf32, #tpu.memory_space<vmem>> -> memref<1x32x128xf32, #tpu.memory_space<vmem>>
      %dma_wait3A_452 = tpu.memref_squeeze %dma_wait3A_451 : memref<1x32x128xf32, #tpu.memory_space<vmem>> -> memref<32x128xf32, #tpu.memory_space<vmem>>
      %dma_wait3A_453 = arith.constant 0 : i32
      %dma_wait3A_454 = arith.constant 0 : i32
      %dma_wait3A_455 = tpu.memref_slice %arg2[%dma_wait3A_453, %dma_wait3A_454] : memref<32x1000000xf32, #tpu.memory_space<hbm>> -> memref<32x128xf32, #tpu.memory_space<hbm>>
      tpu.wait_dma2 semaphore(%dma_wait3A_448 : memref<!tpu.dma_semaphore, #tpu.memory_space<semaphore_mem>>) src(%dma_wait3A_455 : memref<32x128xf32, #tpu.memory_space<hbm>>) dst(%dma_wait3A_452 : memref<32x128xf32, #tpu.memory_space<vmem>>)
      %slice3A_456 = vector.extract_strided_slice %scan3A_373 {offsets = [1], sizes = [1], strides = [1]} : vector<16xi32> to vector<1xi32>
      %squeeze3A_457 = vector.extract %slice3A_456[0] : i32 from vector<1xi32>
      %and3A_458 = arith.constant 127 : i32
      %and3A_459 = arith.andi %squeeze3A_457, %and3A_458 : i32
      %broadcast_in_dim3A_460 = vector.broadcast %and3A_459 : i32 to vector<16xi32>
      %mul3A_461 = arith.constant 16 : i32
      %mul3A_462 = arith.muli %scan3A_372, %mul3A_461 : i32
      %add3A_463 = arith.constant 1 : i32
      %add3A_464 = arith.addi %mul3A_462, %add3A_463 : i32
      %jit3A_465 = arith.constant 128 : i32
      %eq3A_466 = arith.constant 0 : i32
      %eq3A_467 = arith.cmpi eq, %jit3A_465, %eq3A_466 : i32
      %jit3A_468 = arith.constant 1 : i32
      %select_n3A_469 = arith.select %eq3A_467, %jit3A_468, %jit3A_465 : i32
      %rem3A_470 = arith.remsi %add3A_464, %select_n3A_469 : i32
      %ne3A_471 = arith.constant 0 : i32
      %ne3A_472 = arith.cmpi ne, %rem3A_470, %ne3A_471 : i32
      %lt3A_473 = arith.constant 0 : i32
      %lt3A_474 = arith.cmpi slt, %rem3A_470, %lt3A_473 : i32
      %lt3A_475 = arith.constant 0 : i32
      %lt3A_476 = arith.cmpi slt, %select_n3A_469, %lt3A_475 : i32
      %ne3A_477 = arith.xori %lt3A_474, %lt3A_476 : i1
      %and3A_478 = arith.andi %ne3A_477, %ne3A_472 : i1
      %add3A_479 = arith.addi %rem3A_470, %select_n3A_469 : i32
      %select_n3A_480 = arith.select %and3A_478, %add3A_479, %rem3A_470 : i32
      %broadcast_in_dim3A_481 = vector.broadcast %select_n3A_480 : i32 to vector<16xi32>
      %gather3A_482 = arith.constant 1 : i32
      %gather3A_483 = arith.constant 0 : i32
      %gather3A_484 = arith.constant 0 : i32
      %gather3A_485 = tpu.memref_slice %arg6[%gather3A_482, %gather3A_483, %gather3A_484] : memref<16x32x128xf32, #tpu.memory_space<vmem>> -> memref<1x32x128xf32, #tpu.memory_space<vmem>>
      %gather3A_486 = tpu.memref_squeeze %gather3A_485 : memref<1x32x128xf32, #tpu.memory_space<vmem>> -> memref<32x128xf32, #tpu.memory_space<vmem>>
      %gather3A_487 = tpu.vector_load_idx %gather3A_486[%iota3A, %broadcast_in_dim3A_460] : memref<32x128xf32, #tpu.memory_space<vmem>>[vector<16xi32>, vector<16xi32>], vector<16xf32>,
      %add3A_488 = arith.constant 16 : i32
      %add3A_489 = vector.broadcast %add3A_488 : i32 to vector<16xi32>
      %add3A_490 = arith.addi %iota3A, %add3A_489 : vector<16xi32>
      %gather3A_491 = arith.constant 1 : i32
      %gather3A_492 = arith.constant 0 : i32
      %gather3A_493 = arith.constant 0 : i32
      %gather3A_494 = tpu.memref_slice %arg6[%gather3A_491, %gather3A_492, %gather3A_493] : memref<16x32x128xf32, #tpu.memory_space<vmem>> -> memref<1x32x128xf32, #tpu.memory_space<vmem>>
      %gather3A_495 = tpu.memref_squeeze %gather3A_494 : memref<1x32x128xf32, #tpu.memory_space<vmem>> -> memref<32x128xf32, #tpu.memory_space<vmem>>
      %gather3A_496 = tpu.vector_load_idx %gather3A_495[%add3A_490, %broadcast_in_dim3A_460] : memref<32x128xf32, #tpu.memory_space<vmem>>[vector<16xi32>, vector<16xi32>], vector<16xf32>,
      tpu.vector_store_idx %arg7[%iota3A, %broadcast_in_dim3A_481], %gather3A_487 : memref<32x128xf32, #tpu.memory_space<vmem>>[vector<16xi32>, vector<16xi32>], vector<16xf32>,
      %add3A_497 = arith.constant 16 : i32
      %add3A_498 = vector.broadcast %add3A_497 : i32 to vector<16xi32>
      %add3A_499 = arith.addi %iota3A, %add3A_498 : vector<16xi32>
      tpu.vector_store_idx %arg7[%add3A_499, %broadcast_in_dim3A_481], %gather3A_496 : memref<32x128xf32, #tpu.memory_space<vmem>>[vector<16xi32>, vector<16xi32>], vector<16xf32>,
      %add3A_500 = arith.constant 1 : i32
      %add3A_501 = arith.addi %scan3A_372, %add3A_500 : i32
      %lt3A_502 = arith.constant 32 : i32
      %lt3A_503 = arith.cmpi slt, %add3A_501, %lt3A_502 : i32
      %convert_element_type3A_504 = arith.extui %lt3A_503 : i1 to i32
      %cond3A_505 = arith.constant 0 : i32
      %cond3A_506 = arith.cmpi ne, %convert_element_type3A_504, %cond3A_505 : i32
      scf.if %cond3A_506 {
        %slice3A_1496 = vector.extract_strided_slice %get3A_380 {offsets = [1], sizes = [1], strides = [1]} : vector<16xi32> to vector<1xi32>
        %squeeze3A_1497 = vector.extract %slice3A_1496[0] : i32 from vector<1xi32>
        %shift_right_arithmetic3A_1498 = arith.constant 7 : i32
        %shift_right_arithmetic3A_1499 = arith.shrsi %squeeze3A_1497, %shift_right_arithmetic3A_1498 : i32
        %mul3A_1500 = arith.constant 128 : i32
        %mul3A_1501 = arith.muli %shift_right_arithmetic3A_1499, %mul3A_1500 : i32
        %multiple_of3A_1502 = tpu.assume_multiple %mul3A_1501, 128 : i32
        %dma_start3A_1503 = arith.constant 1 : i32
        %dma_start3A_1504 = arith.constant 1 : i32
        %dma_start3A_1505 = arith.constant 0 : i32
        %dma_start3A_1506 = arith.constant 0 : i32
        %dma_start3A_1507 = tpu.memref_slice %arg6[%dma_start3A_1503, %dma_start3A_1505, %dma_start3A_1506] : memref<16x32x128xf32, #tpu.memory_space<vmem>> -> memref<1x32x128xf32, #tpu.memory_space<vmem>>
        %dma_start3A_1508 = tpu.memref_squeeze %dma_start3A_1507 : memref<1x32x128xf32, #tpu.memory_space<vmem>> -> memref<32x128xf32, #tpu.memory_space<vmem>>
        %dma_start3A_1509 = arith.constant 0 : i32
        %dma_start3A_1510 = tpu.memref_slice %arg2[%dma_start3A_1509, %multiple_of3A_1502] : memref<32x1000000xf32, #tpu.memory_space<hbm>> -> memref<32x128xf32, #tpu.memory_space<hbm>>
        %dma_start3A_1511 = tpu.memref_slice %arg8[%dma_start3A_1504] : memref<16x!tpu.dma_semaphore, #tpu.memory_space<semaphore_mem>> -> memref<1x!tpu.dma_semaphore, #tpu.memory_space<semaphore_mem>>
        %dma_start3A_1512 = tpu.memref_squeeze %dma_start3A_1511 : memref<1x!tpu.dma_semaphore, #tpu.memory_space<semaphore_mem>> -> memref<!tpu.dma_semaphore, #tpu.memory_space<semaphore_mem>>
        %dma_start3A_1513 = arith.constant 0 : i32
        %dma_start3A_1514 = arith.constant 0 : i32
        %dma_start3A_1515 = tpu.memref_slice %arg6[%dma_start3A_1503, %dma_start3A_1513, %dma_start3A_1514] : memref<16x32x128xf32, #tpu.memory_space<vmem>> -> memref<1x32x128xf32, #tpu.memory_space<vmem>>
        %dma_start3A_1516 = tpu.memref_squeeze %dma_start3A_1515 : memref<1x32x128xf32, #tpu.memory_space<vmem>> -> memref<32x128xf32, #tpu.memory_space<vmem>>
        %dma_start3A_1517 = arith.constant 0 : i32
        %dma_start3A_1518 = tpu.memref_slice %arg2[%dma_start3A_1517, %multiple_of3A_1502] : memref<32x1000000xf32, #tpu.memory_space<hbm>> -> memref<32x128xf32, #tpu.memory_space<hbm>>
        tpu.enqueue_dma source(%dma_start3A_1518 : memref<32x128xf32, #tpu.memory_space<hbm>>) target(%dma_start3A_1516 : memref<32x128xf32, #tpu.memory_space<vmem>>) target_semaphore(%dma_start3A_1512 : memref<!tpu.dma_semaphore, #tpu.memory_space<semaphore_mem>>)
      } else {
      }
      %dma_wait3A_507 = arith.constant 2 : i32
      %dma_wait3A_508 = arith.constant 2 : i32
      %dma_wait3A_509 = arith.constant 0 : i32
      %dma_wait3A_510 = arith.constant 0 : i32
      %dma_wait3A_511 = tpu.memref_slice %arg6[%dma_wait3A_507, %dma_wait3A_509, %dma_wait3A_510] : memref<16x32x128xf32, #tpu.memory_space<vmem>> -> memref<1x32x128xf32, #tpu.memory_space<vmem>>
      %dma_wait3A_512 = tpu.memref_squeeze %dma_wait3A_511 : memref<1x32x128xf32, #tpu.memory_space<vmem>> -> memref<32x128xf32, #tpu.memory_space<vmem>>
      %dma_wait3A_513 = arith.constant 0 : i32
      %dma_wait3A_514 = arith.constant 0 : i32
      %dma_wait3A_515 = tpu.memref_slice %arg2[%dma_wait3A_513, %dma_wait3A_514] : memref<32x1000000xf32, #tpu.memory_space<hbm>> -> memref<32x128xf32, #tpu.memory_space<hbm>>
      %dma_wait3A_516 = tpu.memref_slice %arg8[%dma_wait3A_508] : memref<16x!tpu.dma_semaphore, #tpu.memory_space<semaphore_mem>> -> memref<1x!tpu.dma_semaphore, #tpu.memory_space<semaphore_mem>>
      %dma_wait3A_517 = tpu.memref_squeeze %dma_wait3A_516 : memref<1x!tpu.dma_semaphore, #tpu.memory_space<semaphore_mem>> -> memref<!tpu.dma_semaphore, #tpu.memory_space<semaphore_mem>>
      %dma_wait3A_518 = arith.constant 0 : i32
      %dma_wait3A_519 = arith.constant 0 : i32
      %dma_wait3A_520 = tpu.memref_slice %arg6[%dma_wait3A_507, %dma_wait3A_518, %dma_wait3A_519] : memref<16x32x128xf32, #tpu.memory_space<vmem>> -> memref<1x32x128xf32, #tpu.memory_space<vmem>>
      %dma_wait3A_521 = tpu.memref_squeeze %dma_wait3A_520 : memref<1x32x128xf32, #tpu.memory_space<vmem>> -> memref<32x128xf32, #tpu.memory_space<vmem>>
      %dma_wait3A_522 = arith.constant 0 : i32
      %dma_wait3A_523 = arith.constant 0 : i32
      %dma_wait3A_524 = tpu.memref_slice %arg2[%dma_wait3A_522, %dma_wait3A_523] : memref<32x1000000xf32, #tpu.memory_space<hbm>> -> memref<32x128xf32, #tpu.memory_space<hbm>>
      tpu.wait_dma2 semaphore(%dma_wait3A_517 : memref<!tpu.dma_semaphore, #tpu.memory_space<semaphore_mem>>) src(%dma_wait3A_524 : memref<32x128xf32, #tpu.memory_space<hbm>>) dst(%dma_wait3A_521 : memref<32x128xf32, #tpu.memory_space<vmem>>)
      %slice3A_525 = vector.extract_strided_slice %scan3A_373 {offsets = [2], sizes = [1], strides = [1]} : vector<16xi32> to vector<1xi32>
      %squeeze3A_526 = vector.extract %slice3A_525[0] : i32 from vector<1xi32>
      %and3A_527 = arith.constant 127 : i32
      %and3A_528 = arith.andi %squeeze3A_526, %and3A_527 : i32
      %broadcast_in_dim3A_529 = vector.broadcast %and3A_528 : i32 to vector<16xi32>
      %mul3A_530 = arith.constant 16 : i32
      %mul3A_531 = arith.muli %scan3A_372, %mul3A_530 : i32
      %add3A_532 = arith.constant 2 : i32
      %add3A_533 = arith.addi %mul3A_531, %add3A_532 : i32
      %jit3A_534 = arith.constant 128 : i32
      %eq3A_535 = arith.constant 0 : i32
      %eq3A_536 = arith.cmpi eq, %jit3A_534, %eq3A_535 : i32
      %jit3A_537 = arith.constant 1 : i32
      %select_n3A_538 = arith.select %eq3A_536, %jit3A_537, %jit3A_534 : i32
      %rem3A_539 = arith.remsi %add3A_533, %select_n3A_538 : i32
      %ne3A_540 = arith.constant 0 : i32
      %ne3A_541 = arith.cmpi ne, %rem3A_539, %ne3A_540 : i32
      %lt3A_542 = arith.constant 0 : i32
      %lt3A_543 = arith.cmpi slt, %rem3A_539, %lt3A_542 : i32
      %lt3A_544 = arith.constant 0 : i32
      %lt3A_545 = arith.cmpi slt, %select_n3A_538, %lt3A_544 : i32
      %ne3A_546 = arith.xori %lt3A_543, %lt3A_545 : i1
      %and3A_547 = arith.andi %ne3A_546, %ne3A_541 : i1
      %add3A_548 = arith.addi %rem3A_539, %select_n3A_538 : i32
      %select_n3A_549 = arith.select %and3A_547, %add3A_548, %rem3A_539 : i32
      %broadcast_in_dim3A_550 = vector.broadcast %select_n3A_549 : i32 to vector<16xi32>
      %gather3A_551 = arith.constant 2 : i32
      %gather3A_552 = arith.constant 0 : i32
      %gather3A_553 = arith.constant 0 : i32
      %gather3A_554 = tpu.memref_slice %arg6[%gather3A_551, %gather3A_552, %gather3A_553] : memref<16x32x128xf32, #tpu.memory_space<vmem>> -> memref<1x32x128xf32, #tpu.memory_space<vmem>>
      %gather3A_555 = tpu.memref_squeeze %gather3A_554 : memref<1x32x128xf32, #tpu.memory_space<vmem>> -> memref<32x128xf32, #tpu.memory_space<vmem>>
      %gather3A_556 = tpu.vector_load_idx %gather3A_555[%iota3A, %broadcast_in_dim3A_529] : memref<32x128xf32, #tpu.memory_space<vmem>>[vector<16xi32>, vector<16xi32>], vector<16xf32>,
      %add3A_557 = arith.constant 16 : i32
      %add3A_558 = vector.broadcast %add3A_557 : i32 to vector<16xi32>
      %add3A_559 = arith.addi %iota3A, %add3A_558 : vector<16xi32>
      %gather3A_560 = arith.constant 2 : i32
      %gather3A_561 = arith.constant 0 : i32
      %gather3A_562 = arith.constant 0 : i32
      %gather3A_563 = tpu.memref_slice %arg6[%gather3A_560, %gather3A_561, %gather3A_562] : memref<16x32x128xf32, #tpu.memory_space<vmem>> -> memref<1x32x128xf32, #tpu.memory_space<vmem>>
      %gather3A_564 = tpu.memref_squeeze %gather3A_563 : memref<1x32x128xf32, #tpu.memory_space<vmem>> -> memref<32x128xf32, #tpu.memory_space<vmem>>
      %gather3A_565 = tpu.vector_load_idx %gather3A_564[%add3A_559, %broadcast_in_dim3A_529] : memref<32x128xf32, #tpu.memory_space<vmem>>[vector<16xi32>, vector<16xi32>], vector<16xf32>,
      tpu.vector_store_idx %arg7[%iota3A, %broadcast_in_dim3A_550], %gather3A_556 : memref<32x128xf32, #tpu.memory_space<vmem>>[vector<16xi32>, vector<16xi32>], vector<16xf32>,
      %add3A_566 = arith.constant 16 : i32
      %add3A_567 = vector.broadcast %add3A_566 : i32 to vector<16xi32>
      %add3A_568 = arith.addi %iota3A, %add3A_567 : vector<16xi32>
      tpu.vector_store_idx %arg7[%add3A_568, %broadcast_in_dim3A_550], %gather3A_565 : memref<32x128xf32, #tpu.memory_space<vmem>>[vector<16xi32>, vector<16xi32>], vector<16xf32>,
      %add3A_569 = arith.constant 1 : i32
      %add3A_570 = arith.addi %scan3A_372, %add3A_569 : i32
      %lt3A_571 = arith.constant 32 : i32
      %lt3A_572 = arith.cmpi slt, %add3A_570, %lt3A_571 : i32
      %convert_element_type3A_573 = arith.extui %lt3A_572 : i1 to i32
      %cond3A_574 = arith.constant 0 : i32
      %cond3A_575 = arith.cmpi ne, %convert_element_type3A_573, %cond3A_574 : i32
      scf.if %cond3A_575 {
        %slice3A_1496 = vector.extract_strided_slice %get3A_380 {offsets = [2], sizes = [1], strides = [1]} : vector<16xi32> to vector<1xi32>
        %squeeze3A_1497 = vector.extract %slice3A_1496[0] : i32 from vector<1xi32>
        %shift_right_arithmetic3A_1498 = arith.constant 7 : i32
        %shift_right_arithmetic3A_1499 = arith.shrsi %squeeze3A_1497, %shift_right_arithmetic3A_1498 : i32
        %mul3A_1500 = arith.constant 128 : i32
        %mul3A_1501 = arith.muli %shift_right_arithmetic3A_1499, %mul3A_1500 : i32
        %multiple_of3A_1502 = tpu.assume_multiple %mul3A_1501, 128 : i32
        %dma_start3A_1503 = arith.constant 2 : i32
        %dma_start3A_1504 = arith.constant 2 : i32
        %dma_start3A_1505 = arith.constant 0 : i32
        %dma_start3A_1506 = arith.constant 0 : i32
        %dma_start3A_1507 = tpu.memref_slice %arg6[%dma_start3A_1503, %dma_start3A_1505, %dma_start3A_1506] : memref<16x32x128xf32, #tpu.memory_space<vmem>> -> memref<1x32x128xf32, #tpu.memory_space<vmem>>
        %dma_start3A_1508 = tpu.memref_squeeze %dma_start3A_1507 : memref<1x32x128xf32, #tpu.memory_space<vmem>> -> memref<32x128xf32, #tpu.memory_space<vmem>>
        %dma_start3A_1509 = arith.constant 0 : i32
        %dma_start3A_1510 = tpu.memref_slice %arg2[%dma_start3A_1509, %multiple_of3A_1502] : memref<32x1000000xf32, #tpu.memory_space<hbm>> -> memref<32x128xf32, #tpu.memory_space<hbm>>
        %dma_start3A_1511 = tpu.memref_slice %arg8[%dma_start3A_1504] : memref<16x!tpu.dma_semaphore, #tpu.memory_space<semaphore_mem>> -> memref<1x!tpu.dma_semaphore, #tpu.memory_space<semaphore_mem>>
        %dma_start3A_1512 = tpu.memref_squeeze %dma_start3A_1511 : memref<1x!tpu.dma_semaphore, #tpu.memory_space<semaphore_mem>> -> memref<!tpu.dma_semaphore, #tpu.memory_space<semaphore_mem>>
        %dma_start3A_1513 = arith.constant 0 : i32
        %dma_start3A_1514 = arith.constant 0 : i32
        %dma_start3A_1515 = tpu.memref_slice %arg6[%dma_start3A_1503, %dma_start3A_1513, %dma_start3A_1514] : memref<16x32x128xf32, #tpu.memory_space<vmem>> -> memref<1x32x128xf32, #tpu.memory_space<vmem>>
        %dma_start3A_1516 = tpu.memref_squeeze %dma_start3A_1515 : memref<1x32x128xf32, #tpu.memory_space<vmem>> -> memref<32x128xf32, #tpu.memory_space<vmem>>
        %dma_start3A_1517 = arith.constant 0 : i32
        %dma_start3A_1518 = tpu.memref_slice %arg2[%dma_start3A_1517, %multiple_of3A_1502] : memref<32x1000000xf32, #tpu.memory_space<hbm>> -> memref<32x128xf32, #tpu.memory_space<hbm>>
        tpu.enqueue_dma source(%dma_start3A_1518 : memref<32x128xf32, #tpu.memory_space<hbm>>) target(%dma_start3A_1516 : memref<32x128xf32, #tpu.memory_space<vmem>>) target_semaphore(%dma_start3A_1512 : memref<!tpu.dma_semaphore, #tpu.memory_space<semaphore_mem>>)
      } else {
      }
      %dma_wait3A_576 = arith.constant 3 : i32
      %dma_wait3A_577 = arith.constant 3 : i32
      %dma_wait3A_578 = arith.constant 0 : i32
      %dma_wait3A_579 = arith.constant 0 : i32
      %dma_wait3A_580 = tpu.memref_slice %arg6[%dma_wait3A_576, %dma_wait3A_578, %dma_wait3A_579] : memref<16x32x128xf32, #tpu.memory_space<vmem>> -> memref<1x32x128xf32, #tpu.memory_space<vmem>>
      %dma_wait3A_581 = tpu.memref_squeeze %dma_wait3A_580 : memref<1x32x128xf32, #tpu.memory_space<vmem>> -> memref<32x128xf32, #tpu.memory_space<vmem>>
      %dma_wait3A_582 = arith.constant 0 : i32
      %dma_wait3A_583 = arith.constant 0 : i32
      %dma_wait3A_584 = tpu.memref_slice %arg2[%dma_wait3A_582, %dma_wait3A_583] : memref<32x1000000xf32, #tpu.memory_space<hbm>> -> memref<32x128xf32, #tpu.memory_space<hbm>>
      %dma_wait3A_585 = tpu.memref_slice %arg8[%dma_wait3A_577] : memref<16x!tpu.dma_semaphore, #tpu.memory_space<semaphore_mem>> -> memref<1x!tpu.dma_semaphore, #tpu.memory_space<semaphore_mem>>
      %dma_wait3A_586 = tpu.memref_squeeze %dma_wait3A_585 : memref<1x!tpu.dma_semaphore, #tpu.memory_space<semaphore_mem>> -> memref<!tpu.dma_semaphore, #tpu.memory_space<semaphore_mem>>
      %dma_wait3A_587 = arith.constant 0 : i32
      %dma_wait3A_588 = arith.constant 0 : i32
      %dma_wait3A_589 = tpu.memref_slice %arg6[%dma_wait3A_576, %dma_wait3A_587, %dma_wait3A_588] : memref<16x32x128xf32, #tpu.memory_space<vmem>> -> memref<1x32x128xf32, #tpu.memory_space<vmem>>
      %dma_wait3A_590 = tpu.memref_squeeze %dma_wait3A_589 : memref<1x32x128xf32, #tpu.memory_space<vmem>> -> memref<32x128xf32, #tpu.memory_space<vmem>>
      %dma_wait3A_591 = arith.constant 0 : i32
      %dma_wait3A_592 = arith.constant 0 : i32
      %dma_wait3A_593 = tpu.memref_slice %arg2[%dma_wait3A_591, %dma_wait3A_592] : memref<32x1000000xf32, #tpu.memory_space<hbm>> -> memref<32x128xf32, #tpu.memory_space<hbm>>
      tpu.wait_dma2 semaphore(%dma_wait3A_586 : memref<!tpu.dma_semaphore, #tpu.memory_space<semaphore_mem>>) src(%dma_wait3A_593 : memref<32x128xf32, #tpu.memory_space<hbm>>) dst(%dma_wait3A_590 : memref<32x128xf32, #tpu.memory_space<vmem>>)
      %slice3A_594 = vector.extract_strided_slice %scan3A_373 {offsets = [3], sizes = [1], strides = [1]} : vector<16xi32> to vector<1xi32>
      %squeeze3A_595 = vector.extract %slice3A_594[0] : i32 from vector<1xi32>
      %and3A_596 = arith.constant 127 : i32
      %and3A_597 = arith.andi %squeeze3A_595, %and3A_596 : i32
      %broadcast_in_dim3A_598 = vector.broadcast %and3A_597 : i32 to vector<16xi32>
      %mul3A_599 = arith.constant 16 : i32
      %mul3A_600 = arith.muli %scan3A_372, %mul3A_599 : i32
      %add3A_601 = arith.constant 3 : i32
      %add3A_602 = arith.addi %mul3A_600, %add3A_601 : i32
      %jit3A_603 = arith.constant 128 : i32
      %eq3A_604 = arith.constant 0 : i32
      %eq3A_605 = arith.cmpi eq, %jit3A_603, %eq3A_604 : i32
      %jit3A_606 = arith.constant 1 : i32
      %select_n3A_607 = arith.select %eq3A_605, %jit3A_606, %jit3A_603 : i32
      %rem3A_608 = arith.remsi %add3A_602, %select_n3A_607 : i32
      %ne3A_609 = arith.constant 0 : i32
      %ne3A_610 = arith.cmpi ne, %rem3A_608, %ne3A_609 : i32
      %lt3A_611 = arith.constant 0 : i32
      %lt3A_612 = arith.cmpi slt, %rem3A_608, %lt3A_611 : i32
      %lt3A_613 = arith.constant 0 : i32
      %lt3A_614 = arith.cmpi slt, %select_n3A_607, %lt3A_613 : i32
      %ne3A_615 = arith.xori %lt3A_612, %lt3A_614 : i1
      %and3A_616 = arith.andi %ne3A_615, %ne3A_610 : i1
      %add3A_617 = arith.addi %rem3A_608, %select_n3A_607 : i32
      %select_n3A_618 = arith.select %and3A_616, %add3A_617, %rem3A_608 : i32
      %broadcast_in_dim3A_619 = vector.broadcast %select_n3A_618 : i32 to vector<16xi32>
      %gather3A_620 = arith.constant 3 : i32
      %gather3A_621 = arith.constant 0 : i32
      %gather3A_622 = arith.constant 0 : i32
      %gather3A_623 = tpu.memref_slice %arg6[%gather3A_620, %gather3A_621, %gather3A_622] : memref<16x32x128xf32, #tpu.memory_space<vmem>> -> memref<1x32x128xf32, #tpu.memory_space<vmem>>
      %gather3A_624 = tpu.memref_squeeze %gather3A_623 : memref<1x32x128xf32, #tpu.memory_space<vmem>> -> memref<32x128xf32, #tpu.memory_space<vmem>>
      %gather3A_625 = tpu.vector_load_idx %gather3A_624[%iota3A, %broadcast_in_dim3A_598] : memref<32x128xf32, #tpu.memory_space<vmem>>[vector<16xi32>, vector<16xi32>], vector<16xf32>,
      %add3A_626 = arith.constant 16 : i32
      %add3A_627 = vector.broadcast %add3A_626 : i32 to vector<16xi32>
      %add3A_628 = arith.addi %iota3A, %add3A_627 : vector<16xi32>
      %gather3A_629 = arith.constant 3 : i32
      %gather3A_630 = arith.constant 0 : i32
      %gather3A_631 = arith.constant 0 : i32
      %gather3A_632 = tpu.memref_slice %arg6[%gather3A_629, %gather3A_630, %gather3A_631] : memref<16x32x128xf32, #tpu.memory_space<vmem>> -> memref<1x32x128xf32, #tpu.memory_space<vmem>>
      %gather3A_633 = tpu.memref_squeeze %gather3A_632 : memref<1x32x128xf32, #tpu.memory_space<vmem>> -> memref<32x128xf32, #tpu.memory_space<vmem>>
      %gather3A_634 = tpu.vector_load_idx %gather3A_633[%add3A_628, %broadcast_in_dim3A_598] : memref<32x128xf32, #tpu.memory_space<vmem>>[vector<16xi32>, vector<16xi32>], vector<16xf32>,
      tpu.vector_store_idx %arg7[%iota3A, %broadcast_in_dim3A_619], %gather3A_625 : memref<32x128xf32, #tpu.memory_space<vmem>>[vector<16xi32>, vector<16xi32>], vector<16xf32>,
      %add3A_635 = arith.constant 16 : i32
      %add3A_636 = vector.broadcast %add3A_635 : i32 to vector<16xi32>
      %add3A_637 = arith.addi %iota3A, %add3A_636 : vector<16xi32>
      tpu.vector_store_idx %arg7[%add3A_637, %broadcast_in_dim3A_619], %gather3A_634 : memref<32x128xf32, #tpu.memory_space<vmem>>[vector<16xi32>, vector<16xi32>], vector<16xf32>,
      %add3A_638 = arith.constant 1 : i32
      %add3A_639 = arith.addi %scan3A_372, %add3A_638 : i32
      %lt3A_640 = arith.constant 32 : i32
      %lt3A_641 = arith.cmpi slt, %add3A_639, %lt3A_640 : i32
      %convert_element_type3A_642 = arith.extui %lt3A_641 : i1 to i32
      %cond3A_643 = arith.constant 0 : i32
      %cond3A_644 = arith.cmpi ne, %convert_element_type3A_642, %cond3A_643 : i32
      scf.if %cond3A_644 {
        %slice3A_1496 = vector.extract_strided_slice %get3A_380 {offsets = [3], sizes = [1], strides = [1]} : vector<16xi32> to vector<1xi32>
        %squeeze3A_1497 = vector.extract %slice3A_1496[0] : i32 from vector<1xi32>
        %shift_right_arithmetic3A_1498 = arith.constant 7 : i32
        %shift_right_arithmetic3A_1499 = arith.shrsi %squeeze3A_1497, %shift_right_arithmetic3A_1498 : i32
        %mul3A_1500 = arith.constant 128 : i32
        %mul3A_1501 = arith.muli %shift_right_arithmetic3A_1499, %mul3A_1500 : i32
        %multiple_of3A_1502 = tpu.assume_multiple %mul3A_1501, 128 : i32
        %dma_start3A_1503 = arith.constant 3 : i32
        %dma_start3A_1504 = arith.constant 3 : i32
        %dma_start3A_1505 = arith.constant 0 : i32
        %dma_start3A_1506 = arith.constant 0 : i32
        %dma_start3A_1507 = tpu.memref_slice %arg6[%dma_start3A_1503, %dma_start3A_1505, %dma_start3A_1506] : memref<16x32x128xf32, #tpu.memory_space<vmem>> -> memref<1x32x128xf32, #tpu.memory_space<vmem>>
        %dma_start3A_1508 = tpu.memref_squeeze %dma_start3A_1507 : memref<1x32x128xf32, #tpu.memory_space<vmem>> -> memref<32x128xf32, #tpu.memory_space<vmem>>
        %dma_start3A_1509 = arith.constant 0 : i32
        %dma_start3A_1510 = tpu.memref_slice %arg2[%dma_start3A_1509, %multiple_of3A_1502] : memref<32x1000000xf32, #tpu.memory_space<hbm>> -> memref<32x128xf32, #tpu.memory_space<hbm>>
        %dma_start3A_1511 = tpu.memref_slice %arg8[%dma_start3A_1504] : memref<16x!tpu.dma_semaphore, #tpu.memory_space<semaphore_mem>> -> memref<1x!tpu.dma_semaphore, #tpu.memory_space<semaphore_mem>>
        %dma_start3A_1512 = tpu.memref_squeeze %dma_start3A_1511 : memref<1x!tpu.dma_semaphore, #tpu.memory_space<semaphore_mem>> -> memref<!tpu.dma_semaphore, #tpu.memory_space<semaphore_mem>>
        %dma_start3A_1513 = arith.constant 0 : i32
        %dma_start3A_1514 = arith.constant 0 : i32
        %dma_start3A_1515 = tpu.memref_slice %arg6[%dma_start3A_1503, %dma_start3A_1513, %dma_start3A_1514] : memref<16x32x128xf32, #tpu.memory_space<vmem>> -> memref<1x32x128xf32, #tpu.memory_space<vmem>>
        %dma_start3A_1516 = tpu.memref_squeeze %dma_start3A_1515 : memref<1x32x128xf32, #tpu.memory_space<vmem>> -> memref<32x128xf32, #tpu.memory_space<vmem>>
        %dma_start3A_1517 = arith.constant 0 : i32
        %dma_start3A_1518 = tpu.memref_slice %arg2[%dma_start3A_1517, %multiple_of3A_1502] : memref<32x1000000xf32, #tpu.memory_space<hbm>> -> memref<32x128xf32, #tpu.memory_space<hbm>>
        tpu.enqueue_dma source(%dma_start3A_1518 : memref<32x128xf32, #tpu.memory_space<hbm>>) target(%dma_start3A_1516 : memref<32x128xf32, #tpu.memory_space<vmem>>) target_semaphore(%dma_start3A_1512 : memref<!tpu.dma_semaphore, #tpu.memory_space<semaphore_mem>>)
      } else {
      }
      %dma_wait3A_645 = arith.constant 4 : i32
      %dma_wait3A_646 = arith.constant 4 : i32
      %dma_wait3A_647 = arith.constant 0 : i32
      %dma_wait3A_648 = arith.constant 0 : i32
      %dma_wait3A_649 = tpu.memref_slice %arg6[%dma_wait3A_645, %dma_wait3A_647, %dma_wait3A_648] : memref<16x32x128xf32, #tpu.memory_space<vmem>> -> memref<1x32x128xf32, #tpu.memory_space<vmem>>
      %dma_wait3A_650 = tpu.memref_squeeze %dma_wait3A_649 : memref<1x32x128xf32, #tpu.memory_space<vmem>> -> memref<32x128xf32, #tpu.memory_space<vmem>>
      %dma_wait3A_651 = arith.constant 0 : i32
      %dma_wait3A_652 = arith.constant 0 : i32
      %dma_wait3A_653 = tpu.memref_slice %arg2[%dma_wait3A_651, %dma_wait3A_652] : memref<32x1000000xf32, #tpu.memory_space<hbm>> -> memref<32x128xf32, #tpu.memory_space<hbm>>
      %dma_wait3A_654 = tpu.memref_slice %arg8[%dma_wait3A_646] : memref<16x!tpu.dma_semaphore, #tpu.memory_space<semaphore_mem>> -> memref<1x!tpu.dma_semaphore, #tpu.memory_space<semaphore_mem>>
      %dma_wait3A_655 = tpu.memref_squeeze %dma_wait3A_654 : memref<1x!tpu.dma_semaphore, #tpu.memory_space<semaphore_mem>> -> memref<!tpu.dma_semaphore, #tpu.memory_space<semaphore_mem>>
      %dma_wait3A_656 = arith.constant 0 : i32
      %dma_wait3A_657 = arith.constant 0 : i32
      %dma_wait3A_658 = tpu.memref_slice %arg6[%dma_wait3A_645, %dma_wait3A_656, %dma_wait3A_657] : memref<16x32x128xf32, #tpu.memory_space<vmem>> -> memref<1x32x128xf32, #tpu.memory_space<vmem>>
      %dma_wait3A_659 = tpu.memref_squeeze %dma_wait3A_658 : memref<1x32x128xf32, #tpu.memory_space<vmem>> -> memref<32x128xf32, #tpu.memory_space<vmem>>
      %dma_wait3A_660 = arith.constant 0 : i32
      %dma_wait3A_661 = arith.constant 0 : i32
      %dma_wait3A_662 = tpu.memref_slice %arg2[%dma_wait3A_660, %dma_wait3A_661] : memref<32x1000000xf32, #tpu.memory_space<hbm>> -> memref<32x128xf32, #tpu.memory_space<hbm>>
      tpu.wait_dma2 semaphore(%dma_wait3A_655 : memref<!tpu.dma_semaphore, #tpu.memory_space<semaphore_mem>>) src(%dma_wait3A_662 : memref<32x128xf32, #tpu.memory_space<hbm>>) dst(%dma_wait3A_659 : memref<32x128xf32, #tpu.memory_space<vmem>>)
      %slice3A_663 = vector.extract_strided_slice %scan3A_373 {offsets = [4], sizes = [1], strides = [1]} : vector<16xi32> to vector<1xi32>
      %squeeze3A_664 = vector.extract %slice3A_663[0] : i32 from vector<1xi32>
      %and3A_665 = arith.constant 127 : i32
      %and3A_666 = arith.andi %squeeze3A_664, %and3A_665 : i32
      %broadcast_in_dim3A_667 = vector.broadcast %and3A_666 : i32 to vector<16xi32>
      %mul3A_668 = arith.constant 16 : i32
      %mul3A_669 = arith.muli %scan3A_372, %mul3A_668 : i32
      %add3A_670 = arith.constant 4 : i32
      %add3A_671 = arith.addi %mul3A_669, %add3A_670 : i32
      %jit3A_672 = arith.constant 128 : i32
      %eq3A_673 = arith.constant 0 : i32
      %eq3A_674 = arith.cmpi eq, %jit3A_672, %eq3A_673 : i32
      %jit3A_675 = arith.constant 1 : i32
      %select_n3A_676 = arith.select %eq3A_674, %jit3A_675, %jit3A_672 : i32
      %rem3A_677 = arith.remsi %add3A_671, %select_n3A_676 : i32
      %ne3A_678 = arith.constant 0 : i32
      %ne3A_679 = arith.cmpi ne, %rem3A_677, %ne3A_678 : i32
      %lt3A_680 = arith.constant 0 : i32
      %lt3A_681 = arith.cmpi slt, %rem3A_677, %lt3A_680 : i32
      %lt3A_682 = arith.constant 0 : i32
      %lt3A_683 = arith.cmpi slt, %select_n3A_676, %lt3A_682 : i32
      %ne3A_684 = arith.xori %lt3A_681, %lt3A_683 : i1
      %and3A_685 = arith.andi %ne3A_684, %ne3A_679 : i1
      %add3A_686 = arith.addi %rem3A_677, %select_n3A_676 : i32
      %select_n3A_687 = arith.select %and3A_685, %add3A_686, %rem3A_677 : i32
      %broadcast_in_dim3A_688 = vector.broadcast %select_n3A_687 : i32 to vector<16xi32>
      %gather3A_689 = arith.constant 4 : i32
      %gather3A_690 = arith.constant 0 : i32
      %gather3A_691 = arith.constant 0 : i32
      %gather3A_692 = tpu.memref_slice %arg6[%gather3A_689, %gather3A_690, %gather3A_691] : memref<16x32x128xf32, #tpu.memory_space<vmem>> -> memref<1x32x128xf32, #tpu.memory_space<vmem>>
      %gather3A_693 = tpu.memref_squeeze %gather3A_692 : memref<1x32x128xf32, #tpu.memory_space<vmem>> -> memref<32x128xf32, #tpu.memory_space<vmem>>
      %gather3A_694 = tpu.vector_load_idx %gather3A_693[%iota3A, %broadcast_in_dim3A_667] : memref<32x128xf32, #tpu.memory_space<vmem>>[vector<16xi32>, vector<16xi32>], vector<16xf32>,
      %add3A_695 = arith.constant 16 : i32
      %add3A_696 = vector.broadcast %add3A_695 : i32 to vector<16xi32>
      %add3A_697 = arith.addi %iota3A, %add3A_696 : vector<16xi32>
      %gather3A_698 = arith.constant 4 : i32
      %gather3A_699 = arith.constant 0 : i32
      %gather3A_700 = arith.constant 0 : i32
      %gather3A_701 = tpu.memref_slice %arg6[%gather3A_698, %gather3A_699, %gather3A_700] : memref<16x32x128xf32, #tpu.memory_space<vmem>> -> memref<1x32x128xf32, #tpu.memory_space<vmem>>
      %gather3A_702 = tpu.memref_squeeze %gather3A_701 : memref<1x32x128xf32, #tpu.memory_space<vmem>> -> memref<32x128xf32, #tpu.memory_space<vmem>>
      %gather3A_703 = tpu.vector_load_idx %gather3A_702[%add3A_697, %broadcast_in_dim3A_667] : memref<32x128xf32, #tpu.memory_space<vmem>>[vector<16xi32>, vector<16xi32>], vector<16xf32>,
      tpu.vector_store_idx %arg7[%iota3A, %broadcast_in_dim3A_688], %gather3A_694 : memref<32x128xf32, #tpu.memory_space<vmem>>[vector<16xi32>, vector<16xi32>], vector<16xf32>,
      %add3A_704 = arith.constant 16 : i32
      %add3A_705 = vector.broadcast %add3A_704 : i32 to vector<16xi32>
      %add3A_706 = arith.addi %iota3A, %add3A_705 : vector<16xi32>
      tpu.vector_store_idx %arg7[%add3A_706, %broadcast_in_dim3A_688], %gather3A_703 : memref<32x128xf32, #tpu.memory_space<vmem>>[vector<16xi32>, vector<16xi32>], vector<16xf32>,
      %add3A_707 = arith.constant 1 : i32
      %add3A_708 = arith.addi %scan3A_372, %add3A_707 : i32
      %lt3A_709 = arith.constant 32 : i32
      %lt3A_710 = arith.cmpi slt, %add3A_708, %lt3A_709 : i32
      %convert_element_type3A_711 = arith.extui %lt3A_710 : i1 to i32
      %cond3A_712 = arith.constant 0 : i32
      %cond3A_713 = arith.cmpi ne, %convert_element_type3A_711, %cond3A_712 : i32
      scf.if %cond3A_713 {
        %slice3A_1496 = vector.extract_strided_slice %get3A_380 {offsets = [4], sizes = [1], strides = [1]} : vector<16xi32> to vector<1xi32>
        %squeeze3A_1497 = vector.extract %slice3A_1496[0] : i32 from vector<1xi32>
        %shift_right_arithmetic3A_1498 = arith.constant 7 : i32
        %shift_right_arithmetic3A_1499 = arith.shrsi %squeeze3A_1497, %shift_right_arithmetic3A_1498 : i32
        %mul3A_1500 = arith.constant 128 : i32
        %mul3A_1501 = arith.muli %shift_right_arithmetic3A_1499, %mul3A_1500 : i32
        %multiple_of3A_1502 = tpu.assume_multiple %mul3A_1501, 128 : i32
        %dma_start3A_1503 = arith.constant 4 : i32
        %dma_start3A_1504 = arith.constant 4 : i32
        %dma_start3A_1505 = arith.constant 0 : i32
        %dma_start3A_1506 = arith.constant 0 : i32
        %dma_start3A_1507 = tpu.memref_slice %arg6[%dma_start3A_1503, %dma_start3A_1505, %dma_start3A_1506] : memref<16x32x128xf32, #tpu.memory_space<vmem>> -> memref<1x32x128xf32, #tpu.memory_space<vmem>>
        %dma_start3A_1508 = tpu.memref_squeeze %dma_start3A_1507 : memref<1x32x128xf32, #tpu.memory_space<vmem>> -> memref<32x128xf32, #tpu.memory_space<vmem>>
        %dma_start3A_1509 = arith.constant 0 : i32
        %dma_start3A_1510 = tpu.memref_slice %arg2[%dma_start3A_1509, %multiple_of3A_1502] : memref<32x1000000xf32, #tpu.memory_space<hbm>> -> memref<32x128xf32, #tpu.memory_space<hbm>>
        %dma_start3A_1511 = tpu.memref_slice %arg8[%dma_start3A_1504] : memref<16x!tpu.dma_semaphore, #tpu.memory_space<semaphore_mem>> -> memref<1x!tpu.dma_semaphore, #tpu.memory_space<semaphore_mem>>
        %dma_start3A_1512 = tpu.memref_squeeze %dma_start3A_1511 : memref<1x!tpu.dma_semaphore, #tpu.memory_space<semaphore_mem>> -> memref<!tpu.dma_semaphore, #tpu.memory_space<semaphore_mem>>
        %dma_start3A_1513 = arith.constant 0 : i32
        %dma_start3A_1514 = arith.constant 0 : i32
        %dma_start3A_1515 = tpu.memref_slice %arg6[%dma_start3A_1503, %dma_start3A_1513, %dma_start3A_1514] : memref<16x32x128xf32, #tpu.memory_space<vmem>> -> memref<1x32x128xf32, #tpu.memory_space<vmem>>
        %dma_start3A_1516 = tpu.memref_squeeze %dma_start3A_1515 : memref<1x32x128xf32, #tpu.memory_space<vmem>> -> memref<32x128xf32, #tpu.memory_space<vmem>>
        %dma_start3A_1517 = arith.constant 0 : i32
        %dma_start3A_1518 = tpu.memref_slice %arg2[%dma_start3A_1517, %multiple_of3A_1502] : memref<32x1000000xf32, #tpu.memory_space<hbm>> -> memref<32x128xf32, #tpu.memory_space<hbm>>
        tpu.enqueue_dma source(%dma_start3A_1518 : memref<32x128xf32, #tpu.memory_space<hbm>>) target(%dma_start3A_1516 : memref<32x128xf32, #tpu.memory_space<vmem>>) target_semaphore(%dma_start3A_1512 : memref<!tpu.dma_semaphore, #tpu.memory_space<semaphore_mem>>)
      } else {
      }
      %dma_wait3A_714 = arith.constant 5 : i32
      %dma_wait3A_715 = arith.constant 5 : i32
      %dma_wait3A_716 = arith.constant 0 : i32
      %dma_wait3A_717 = arith.constant 0 : i32
      %dma_wait3A_718 = tpu.memref_slice %arg6[%dma_wait3A_714, %dma_wait3A_716, %dma_wait3A_717] : memref<16x32x128xf32, #tpu.memory_space<vmem>> -> memref<1x32x128xf32, #tpu.memory_space<vmem>>
      %dma_wait3A_719 = tpu.memref_squeeze %dma_wait3A_718 : memref<1x32x128xf32, #tpu.memory_space<vmem>> -> memref<32x128xf32, #tpu.memory_space<vmem>>
      %dma_wait3A_720 = arith.constant 0 : i32
      %dma_wait3A_721 = arith.constant 0 : i32
      %dma_wait3A_722 = tpu.memref_slice %arg2[%dma_wait3A_720, %dma_wait3A_721] : memref<32x1000000xf32, #tpu.memory_space<hbm>> -> memref<32x128xf32, #tpu.memory_space<hbm>>
      %dma_wait3A_723 = tpu.memref_slice %arg8[%dma_wait3A_715] : memref<16x!tpu.dma_semaphore, #tpu.memory_space<semaphore_mem>> -> memref<1x!tpu.dma_semaphore, #tpu.memory_space<semaphore_mem>>
      %dma_wait3A_724 = tpu.memref_squeeze %dma_wait3A_723 : memref<1x!tpu.dma_semaphore, #tpu.memory_space<semaphore_mem>> -> memref<!tpu.dma_semaphore, #tpu.memory_space<semaphore_mem>>
      %dma_wait3A_725 = arith.constant 0 : i32
      %dma_wait3A_726 = arith.constant 0 : i32
      %dma_wait3A_727 = tpu.memref_slice %arg6[%dma_wait3A_714, %dma_wait3A_725, %dma_wait3A_726] : memref<16x32x128xf32, #tpu.memory_space<vmem>> -> memref<1x32x128xf32, #tpu.memory_space<vmem>>
      %dma_wait3A_728 = tpu.memref_squeeze %dma_wait3A_727 : memref<1x32x128xf32, #tpu.memory_space<vmem>> -> memref<32x128xf32, #tpu.memory_space<vmem>>
      %dma_wait3A_729 = arith.constant 0 : i32
      %dma_wait3A_730 = arith.constant 0 : i32
      %dma_wait3A_731 = tpu.memref_slice %arg2[%dma_wait3A_729, %dma_wait3A_730] : memref<32x1000000xf32, #tpu.memory_space<hbm>> -> memref<32x128xf32, #tpu.memory_space<hbm>>
      tpu.wait_dma2 semaphore(%dma_wait3A_724 : memref<!tpu.dma_semaphore, #tpu.memory_space<semaphore_mem>>) src(%dma_wait3A_731 : memref<32x128xf32, #tpu.memory_space<hbm>>) dst(%dma_wait3A_728 : memref<32x128xf32, #tpu.memory_space<vmem>>)
      %slice3A_732 = vector.extract_strided_slice %scan3A_373 {offsets = [5], sizes = [1], strides = [1]} : vector<16xi32> to vector<1xi32>
      %squeeze3A_733 = vector.extract %slice3A_732[0] : i32 from vector<1xi32>
      %and3A_734 = arith.constant 127 : i32
      %and3A_735 = arith.andi %squeeze3A_733, %and3A_734 : i32
      %broadcast_in_dim3A_736 = vector.broadcast %and3A_735 : i32 to vector<16xi32>
      %mul3A_737 = arith.constant 16 : i32
      %mul3A_738 = arith.muli %scan3A_372, %mul3A_737 : i32
      %add3A_739 = arith.constant 5 : i32
      %add3A_740 = arith.addi %mul3A_738, %add3A_739 : i32
      %jit3A_741 = arith.constant 128 : i32
      %eq3A_742 = arith.constant 0 : i32
      %eq3A_743 = arith.cmpi eq, %jit3A_741, %eq3A_742 : i32
      %jit3A_744 = arith.constant 1 : i32
      %select_n3A_745 = arith.select %eq3A_743, %jit3A_744, %jit3A_741 : i32
      %rem3A_746 = arith.remsi %add3A_740, %select_n3A_745 : i32
      %ne3A_747 = arith.constant 0 : i32
      %ne3A_748 = arith.cmpi ne, %rem3A_746, %ne3A_747 : i32
      %lt3A_749 = arith.constant 0 : i32
      %lt3A_750 = arith.cmpi slt, %rem3A_746, %lt3A_749 : i32
      %lt3A_751 = arith.constant 0 : i32
      %lt3A_752 = arith.cmpi slt, %select_n3A_745, %lt3A_751 : i32
      %ne3A_753 = arith.xori %lt3A_750, %lt3A_752 : i1
      %and3A_754 = arith.andi %ne3A_753, %ne3A_748 : i1
      %add3A_755 = arith.addi %rem3A_746, %select_n3A_745 : i32
      %select_n3A_756 = arith.select %and3A_754, %add3A_755, %rem3A_746 : i32
      %broadcast_in_dim3A_757 = vector.broadcast %select_n3A_756 : i32 to vector<16xi32>
      %gather3A_758 = arith.constant 5 : i32
      %gather3A_759 = arith.constant 0 : i32
      %gather3A_760 = arith.constant 0 : i32
      %gather3A_761 = tpu.memref_slice %arg6[%gather3A_758, %gather3A_759, %gather3A_760] : memref<16x32x128xf32, #tpu.memory_space<vmem>> -> memref<1x32x128xf32, #tpu.memory_space<vmem>>
      %gather3A_762 = tpu.memref_squeeze %gather3A_761 : memref<1x32x128xf32, #tpu.memory_space<vmem>> -> memref<32x128xf32, #tpu.memory_space<vmem>>
      %gather3A_763 = tpu.vector_load_idx %gather3A_762[%iota3A, %broadcast_in_dim3A_736] : memref<32x128xf32, #tpu.memory_space<vmem>>[vector<16xi32>, vector<16xi32>], vector<16xf32>,
      %add3A_764 = arith.constant 16 : i32
      %add3A_765 = vector.broadcast %add3A_764 : i32 to vector<16xi32>
      %add3A_766 = arith.addi %iota3A, %add3A_765 : vector<16xi32>
      %gather3A_767 = arith.constant 5 : i32
      %gather3A_768 = arith.constant 0 : i32
      %gather3A_769 = arith.constant 0 : i32
      %gather3A_770 = tpu.memref_slice %arg6[%gather3A_767, %gather3A_768, %gather3A_769] : memref<16x32x128xf32, #tpu.memory_space<vmem>> -> memref<1x32x128xf32, #tpu.memory_space<vmem>>
      %gather3A_771 = tpu.memref_squeeze %gather3A_770 : memref<1x32x128xf32, #tpu.memory_space<vmem>> -> memref<32x128xf32, #tpu.memory_space<vmem>>
      %gather3A_772 = tpu.vector_load_idx %gather3A_771[%add3A_766, %broadcast_in_dim3A_736] : memref<32x128xf32, #tpu.memory_space<vmem>>[vector<16xi32>, vector<16xi32>], vector<16xf32>,
      tpu.vector_store_idx %arg7[%iota3A, %broadcast_in_dim3A_757], %gather3A_763 : memref<32x128xf32, #tpu.memory_space<vmem>>[vector<16xi32>, vector<16xi32>], vector<16xf32>,
      %add3A_773 = arith.constant 16 : i32
      %add3A_774 = vector.broadcast %add3A_773 : i32 to vector<16xi32>
      %add3A_775 = arith.addi %iota3A, %add3A_774 : vector<16xi32>
      tpu.vector_store_idx %arg7[%add3A_775, %broadcast_in_dim3A_757], %gather3A_772 : memref<32x128xf32, #tpu.memory_space<vmem>>[vector<16xi32>, vector<16xi32>], vector<16xf32>,
      %add3A_776 = arith.constant 1 : i32
      %add3A_777 = arith.addi %scan3A_372, %add3A_776 : i32
      %lt3A_778 = arith.constant 32 : i32
      %lt3A_779 = arith.cmpi slt, %add3A_777, %lt3A_778 : i32
      %convert_element_type3A_780 = arith.extui %lt3A_779 : i1 to i32
      %cond3A_781 = arith.constant 0 : i32
      %cond3A_782 = arith.cmpi ne, %convert_element_type3A_780, %cond3A_781 : i32
      scf.if %cond3A_782 {
        %slice3A_1496 = vector.extract_strided_slice %get3A_380 {offsets = [5], sizes = [1], strides = [1]} : vector<16xi32> to vector<1xi32>
        %squeeze3A_1497 = vector.extract %slice3A_1496[0] : i32 from vector<1xi32>
        %shift_right_arithmetic3A_1498 = arith.constant 7 : i32
        %shift_right_arithmetic3A_1499 = arith.shrsi %squeeze3A_1497, %shift_right_arithmetic3A_1498 : i32
        %mul3A_1500 = arith.constant 128 : i32
        %mul3A_1501 = arith.muli %shift_right_arithmetic3A_1499, %mul3A_1500 : i32
        %multiple_of3A_1502 = tpu.assume_multiple %mul3A_1501, 128 : i32
        %dma_start3A_1503 = arith.constant 5 : i32
        %dma_start3A_1504 = arith.constant 5 : i32
        %dma_start3A_1505 = arith.constant 0 : i32
        %dma_start3A_1506 = arith.constant 0 : i32
        %dma_start3A_1507 = tpu.memref_slice %arg6[%dma_start3A_1503, %dma_start3A_1505, %dma_start3A_1506] : memref<16x32x128xf32, #tpu.memory_space<vmem>> -> memref<1x32x128xf32, #tpu.memory_space<vmem>>
        %dma_start3A_1508 = tpu.memref_squeeze %dma_start3A_1507 : memref<1x32x128xf32, #tpu.memory_space<vmem>> -> memref<32x128xf32, #tpu.memory_space<vmem>>
        %dma_start3A_1509 = arith.constant 0 : i32
        %dma_start3A_1510 = tpu.memref_slice %arg2[%dma_start3A_1509, %multiple_of3A_1502] : memref<32x1000000xf32, #tpu.memory_space<hbm>> -> memref<32x128xf32, #tpu.memory_space<hbm>>
        %dma_start3A_1511 = tpu.memref_slice %arg8[%dma_start3A_1504] : memref<16x!tpu.dma_semaphore, #tpu.memory_space<semaphore_mem>> -> memref<1x!tpu.dma_semaphore, #tpu.memory_space<semaphore_mem>>
        %dma_start3A_1512 = tpu.memref_squeeze %dma_start3A_1511 : memref<1x!tpu.dma_semaphore, #tpu.memory_space<semaphore_mem>> -> memref<!tpu.dma_semaphore, #tpu.memory_space<semaphore_mem>>
        %dma_start3A_1513 = arith.constant 0 : i32
        %dma_start3A_1514 = arith.constant 0 : i32
        %dma_start3A_1515 = tpu.memref_slice %arg6[%dma_start3A_1503, %dma_start3A_1513, %dma_start3A_1514] : memref<16x32x128xf32, #tpu.memory_space<vmem>> -> memref<1x32x128xf32, #tpu.memory_space<vmem>>
        %dma_start3A_1516 = tpu.memref_squeeze %dma_start3A_1515 : memref<1x32x128xf32, #tpu.memory_space<vmem>> -> memref<32x128xf32, #tpu.memory_space<vmem>>
        %dma_start3A_1517 = arith.constant 0 : i32
        %dma_start3A_1518 = tpu.memref_slice %arg2[%dma_start3A_1517, %multiple_of3A_1502] : memref<32x1000000xf32, #tpu.memory_space<hbm>> -> memref<32x128xf32, #tpu.memory_space<hbm>>
        tpu.enqueue_dma source(%dma_start3A_1518 : memref<32x128xf32, #tpu.memory_space<hbm>>) target(%dma_start3A_1516 : memref<32x128xf32, #tpu.memory_space<vmem>>) target_semaphore(%dma_start3A_1512 : memref<!tpu.dma_semaphore, #tpu.memory_space<semaphore_mem>>)
      } else {
      }
      %dma_wait3A_783 = arith.constant 6 : i32
      %dma_wait3A_784 = arith.constant 6 : i32
      %dma_wait3A_785 = arith.constant 0 : i32
      %dma_wait3A_786 = arith.constant 0 : i32
      %dma_wait3A_787 = tpu.memref_slice %arg6[%dma_wait3A_783, %dma_wait3A_785, %dma_wait3A_786] : memref<16x32x128xf32, #tpu.memory_space<vmem>> -> memref<1x32x128xf32, #tpu.memory_space<vmem>>
      %dma_wait3A_788 = tpu.memref_squeeze %dma_wait3A_787 : memref<1x32x128xf32, #tpu.memory_space<vmem>> -> memref<32x128xf32, #tpu.memory_space<vmem>>
      %dma_wait3A_789 = arith.constant 0 : i32
      %dma_wait3A_790 = arith.constant 0 : i32
      %dma_wait3A_791 = tpu.memref_slice %arg2[%dma_wait3A_789, %dma_wait3A_790] : memref<32x1000000xf32, #tpu.memory_space<hbm>> -> memref<32x128xf32, #tpu.memory_space<hbm>>
      %dma_wait3A_792 = tpu.memref_slice %arg8[%dma_wait3A_784] : memref<16x!tpu.dma_semaphore, #tpu.memory_space<semaphore_mem>> -> memref<1x!tpu.dma_semaphore, #tpu.memory_space<semaphore_mem>>
      %dma_wait3A_793 = tpu.memref_squeeze %dma_wait3A_792 : memref<1x!tpu.dma_semaphore, #tpu.memory_space<semaphore_mem>> -> memref<!tpu.dma_semaphore, #tpu.memory_space<semaphore_mem>>
      %dma_wait3A_794 = arith.constant 0 : i32
      %dma_wait3A_795 = arith.constant 0 : i32
      %dma_wait3A_796 = tpu.memref_slice %arg6[%dma_wait3A_783, %dma_wait3A_794, %dma_wait3A_795] : memref<16x32x128xf32, #tpu.memory_space<vmem>> -> memref<1x32x128xf32, #tpu.memory_space<vmem>>
      %dma_wait3A_797 = tpu.memref_squeeze %dma_wait3A_796 : memref<1x32x128xf32, #tpu.memory_space<vmem>> -> memref<32x128xf32, #tpu.memory_space<vmem>>
      %dma_wait3A_798 = arith.constant 0 : i32
      %dma_wait3A_799 = arith.constant 0 : i32
      %dma_wait3A_800 = tpu.memref_slice %arg2[%dma_wait3A_798, %dma_wait3A_799] : memref<32x1000000xf32, #tpu.memory_space<hbm>> -> memref<32x128xf32, #tpu.memory_space<hbm>>
      tpu.wait_dma2 semaphore(%dma_wait3A_793 : memref<!tpu.dma_semaphore, #tpu.memory_space<semaphore_mem>>) src(%dma_wait3A_800 : memref<32x128xf32, #tpu.memory_space<hbm>>) dst(%dma_wait3A_797 : memref<32x128xf32, #tpu.memory_space<vmem>>)
      %slice3A_801 = vector.extract_strided_slice %scan3A_373 {offsets = [6], sizes = [1], strides = [1]} : vector<16xi32> to vector<1xi32>
      %squeeze3A_802 = vector.extract %slice3A_801[0] : i32 from vector<1xi32>
      %and3A_803 = arith.constant 127 : i32
      %and3A_804 = arith.andi %squeeze3A_802, %and3A_803 : i32
      %broadcast_in_dim3A_805 = vector.broadcast %and3A_804 : i32 to vector<16xi32>
      %mul3A_806 = arith.constant 16 : i32
      %mul3A_807 = arith.muli %scan3A_372, %mul3A_806 : i32
      %add3A_808 = arith.constant 6 : i32
      %add3A_809 = arith.addi %mul3A_807, %add3A_808 : i32
      %jit3A_810 = arith.constant 128 : i32
      %eq3A_811 = arith.constant 0 : i32
      %eq3A_812 = arith.cmpi eq, %jit3A_810, %eq3A_811 : i32
      %jit3A_813 = arith.constant 1 : i32
      %select_n3A_814 = arith.select %eq3A_812, %jit3A_813, %jit3A_810 : i32
      %rem3A_815 = arith.remsi %add3A_809, %select_n3A_814 : i32
      %ne3A_816 = arith.constant 0 : i32
      %ne3A_817 = arith.cmpi ne, %rem3A_815, %ne3A_816 : i32
      %lt3A_818 = arith.constant 0 : i32
      %lt3A_819 = arith.cmpi slt, %rem3A_815, %lt3A_818 : i32
      %lt3A_820 = arith.constant 0 : i32
      %lt3A_821 = arith.cmpi slt, %select_n3A_814, %lt3A_820 : i32
      %ne3A_822 = arith.xori %lt3A_819, %lt3A_821 : i1
      %and3A_823 = arith.andi %ne3A_822, %ne3A_817 : i1
      %add3A_824 = arith.addi %rem3A_815, %select_n3A_814 : i32
      %select_n3A_825 = arith.select %and3A_823, %add3A_824, %rem3A_815 : i32
      %broadcast_in_dim3A_826 = vector.broadcast %select_n3A_825 : i32 to vector<16xi32>
      %gather3A_827 = arith.constant 6 : i32
      %gather3A_828 = arith.constant 0 : i32
      %gather3A_829 = arith.constant 0 : i32
      %gather3A_830 = tpu.memref_slice %arg6[%gather3A_827, %gather3A_828, %gather3A_829] : memref<16x32x128xf32, #tpu.memory_space<vmem>> -> memref<1x32x128xf32, #tpu.memory_space<vmem>>
      %gather3A_831 = tpu.memref_squeeze %gather3A_830 : memref<1x32x128xf32, #tpu.memory_space<vmem>> -> memref<32x128xf32, #tpu.memory_space<vmem>>
      %gather3A_832 = tpu.vector_load_idx %gather3A_831[%iota3A, %broadcast_in_dim3A_805] : memref<32x128xf32, #tpu.memory_space<vmem>>[vector<16xi32>, vector<16xi32>], vector<16xf32>,
      %add3A_833 = arith.constant 16 : i32
      %add3A_834 = vector.broadcast %add3A_833 : i32 to vector<16xi32>
      %add3A_835 = arith.addi %iota3A, %add3A_834 : vector<16xi32>
      %gather3A_836 = arith.constant 6 : i32
      %gather3A_837 = arith.constant 0 : i32
      %gather3A_838 = arith.constant 0 : i32
      %gather3A_839 = tpu.memref_slice %arg6[%gather3A_836, %gather3A_837, %gather3A_838] : memref<16x32x128xf32, #tpu.memory_space<vmem>> -> memref<1x32x128xf32, #tpu.memory_space<vmem>>
      %gather3A_840 = tpu.memref_squeeze %gather3A_839 : memref<1x32x128xf32, #tpu.memory_space<vmem>> -> memref<32x128xf32, #tpu.memory_space<vmem>>
      %gather3A_841 = tpu.vector_load_idx %gather3A_840[%add3A_835, %broadcast_in_dim3A_805] : memref<32x128xf32, #tpu.memory_space<vmem>>[vector<16xi32>, vector<16xi32>], vector<16xf32>,
      tpu.vector_store_idx %arg7[%iota3A, %broadcast_in_dim3A_826], %gather3A_832 : memref<32x128xf32, #tpu.memory_space<vmem>>[vector<16xi32>, vector<16xi32>], vector<16xf32>,
      %add3A_842 = arith.constant 16 : i32
      %add3A_843 = vector.broadcast %add3A_842 : i32 to vector<16xi32>
      %add3A_844 = arith.addi %iota3A, %add3A_843 : vector<16xi32>
      tpu.vector_store_idx %arg7[%add3A_844, %broadcast_in_dim3A_826], %gather3A_841 : memref<32x128xf32, #tpu.memory_space<vmem>>[vector<16xi32>, vector<16xi32>], vector<16xf32>,
      %add3A_845 = arith.constant 1 : i32
      %add3A_846 = arith.addi %scan3A_372, %add3A_845 : i32
      %lt3A_847 = arith.constant 32 : i32
      %lt3A_848 = arith.cmpi slt, %add3A_846, %lt3A_847 : i32
      %convert_element_type3A_849 = arith.extui %lt3A_848 : i1 to i32
      %cond3A_850 = arith.constant 0 : i32
      %cond3A_851 = arith.cmpi ne, %convert_element_type3A_849, %cond3A_850 : i32
      scf.if %cond3A_851 {
        %slice3A_1496 = vector.extract_strided_slice %get3A_380 {offsets = [6], sizes = [1], strides = [1]} : vector<16xi32> to vector<1xi32>
        %squeeze3A_1497 = vector.extract %slice3A_1496[0] : i32 from vector<1xi32>
        %shift_right_arithmetic3A_1498 = arith.constant 7 : i32
        %shift_right_arithmetic3A_1499 = arith.shrsi %squeeze3A_1497, %shift_right_arithmetic3A_1498 : i32
        %mul3A_1500 = arith.constant 128 : i32
        %mul3A_1501 = arith.muli %shift_right_arithmetic3A_1499, %mul3A_1500 : i32
        %multiple_of3A_1502 = tpu.assume_multiple %mul3A_1501, 128 : i32
        %dma_start3A_1503 = arith.constant 6 : i32
        %dma_start3A_1504 = arith.constant 6 : i32
        %dma_start3A_1505 = arith.constant 0 : i32
        %dma_start3A_1506 = arith.constant 0 : i32
        %dma_start3A_1507 = tpu.memref_slice %arg6[%dma_start3A_1503, %dma_start3A_1505, %dma_start3A_1506] : memref<16x32x128xf32, #tpu.memory_space<vmem>> -> memref<1x32x128xf32, #tpu.memory_space<vmem>>
        %dma_start3A_1508 = tpu.memref_squeeze %dma_start3A_1507 : memref<1x32x128xf32, #tpu.memory_space<vmem>> -> memref<32x128xf32, #tpu.memory_space<vmem>>
        %dma_start3A_1509 = arith.constant 0 : i32
        %dma_start3A_1510 = tpu.memref_slice %arg2[%dma_start3A_1509, %multiple_of3A_1502] : memref<32x1000000xf32, #tpu.memory_space<hbm>> -> memref<32x128xf32, #tpu.memory_space<hbm>>
        %dma_start3A_1511 = tpu.memref_slice %arg8[%dma_start3A_1504] : memref<16x!tpu.dma_semaphore, #tpu.memory_space<semaphore_mem>> -> memref<1x!tpu.dma_semaphore, #tpu.memory_space<semaphore_mem>>
        %dma_start3A_1512 = tpu.memref_squeeze %dma_start3A_1511 : memref<1x!tpu.dma_semaphore, #tpu.memory_space<semaphore_mem>> -> memref<!tpu.dma_semaphore, #tpu.memory_space<semaphore_mem>>
        %dma_start3A_1513 = arith.constant 0 : i32
        %dma_start3A_1514 = arith.constant 0 : i32
        %dma_start3A_1515 = tpu.memref_slice %arg6[%dma_start3A_1503, %dma_start3A_1513, %dma_start3A_1514] : memref<16x32x128xf32, #tpu.memory_space<vmem>> -> memref<1x32x128xf32, #tpu.memory_space<vmem>>
        %dma_start3A_1516 = tpu.memref_squeeze %dma_start3A_1515 : memref<1x32x128xf32, #tpu.memory_space<vmem>> -> memref<32x128xf32, #tpu.memory_space<vmem>>
        %dma_start3A_1517 = arith.constant 0 : i32
        %dma_start3A_1518 = tpu.memref_slice %arg2[%dma_start3A_1517, %multiple_of3A_1502] : memref<32x1000000xf32, #tpu.memory_space<hbm>> -> memref<32x128xf32, #tpu.memory_space<hbm>>
        tpu.enqueue_dma source(%dma_start3A_1518 : memref<32x128xf32, #tpu.memory_space<hbm>>) target(%dma_start3A_1516 : memref<32x128xf32, #tpu.memory_space<vmem>>) target_semaphore(%dma_start3A_1512 : memref<!tpu.dma_semaphore, #tpu.memory_space<semaphore_mem>>)
      } else {
      }
      %dma_wait3A_852 = arith.constant 7 : i32
      %dma_wait3A_853 = arith.constant 7 : i32
      %dma_wait3A_854 = arith.constant 0 : i32
      %dma_wait3A_855 = arith.constant 0 : i32
      %dma_wait3A_856 = tpu.memref_slice %arg6[%dma_wait3A_852, %dma_wait3A_854, %dma_wait3A_855] : memref<16x32x128xf32, #tpu.memory_space<vmem>> -> memref<1x32x128xf32, #tpu.memory_space<vmem>>
      %dma_wait3A_857 = tpu.memref_squeeze %dma_wait3A_856 : memref<1x32x128xf32, #tpu.memory_space<vmem>> -> memref<32x128xf32, #tpu.memory_space<vmem>>
      %dma_wait3A_858 = arith.constant 0 : i32
      %dma_wait3A_859 = arith.constant 0 : i32
      %dma_wait3A_860 = tpu.memref_slice %arg2[%dma_wait3A_858, %dma_wait3A_859] : memref<32x1000000xf32, #tpu.memory_space<hbm>> -> memref<32x128xf32, #tpu.memory_space<hbm>>
      %dma_wait3A_861 = tpu.memref_slice %arg8[%dma_wait3A_853] : memref<16x!tpu.dma_semaphore, #tpu.memory_space<semaphore_mem>> -> memref<1x!tpu.dma_semaphore, #tpu.memory_space<semaphore_mem>>
      %dma_wait3A_862 = tpu.memref_squeeze %dma_wait3A_861 : memref<1x!tpu.dma_semaphore, #tpu.memory_space<semaphore_mem>> -> memref<!tpu.dma_semaphore, #tpu.memory_space<semaphore_mem>>
      %dma_wait3A_863 = arith.constant 0 : i32
      %dma_wait3A_864 = arith.constant 0 : i32
      %dma_wait3A_865 = tpu.memref_slice %arg6[%dma_wait3A_852, %dma_wait3A_863, %dma_wait3A_864] : memref<16x32x128xf32, #tpu.memory_space<vmem>> -> memref<1x32x128xf32, #tpu.memory_space<vmem>>
      %dma_wait3A_866 = tpu.memref_squeeze %dma_wait3A_865 : memref<1x32x128xf32, #tpu.memory_space<vmem>> -> memref<32x128xf32, #tpu.memory_space<vmem>>
      %dma_wait3A_867 = arith.constant 0 : i32
      %dma_wait3A_868 = arith.constant 0 : i32
      %dma_wait3A_869 = tpu.memref_slice %arg2[%dma_wait3A_867, %dma_wait3A_868] : memref<32x1000000xf32, #tpu.memory_space<hbm>> -> memref<32x128xf32, #tpu.memory_space<hbm>>
      tpu.wait_dma2 semaphore(%dma_wait3A_862 : memref<!tpu.dma_semaphore, #tpu.memory_space<semaphore_mem>>) src(%dma_wait3A_869 : memref<32x128xf32, #tpu.memory_space<hbm>>) dst(%dma_wait3A_866 : memref<32x128xf32, #tpu.memory_space<vmem>>)
      %slice3A_870 = vector.extract_strided_slice %scan3A_373 {offsets = [7], sizes = [1], strides = [1]} : vector<16xi32> to vector<1xi32>
      %squeeze3A_871 = vector.extract %slice3A_870[0] : i32 from vector<1xi32>
      %and3A_872 = arith.constant 127 : i32
      %and3A_873 = arith.andi %squeeze3A_871, %and3A_872 : i32
      %broadcast_in_dim3A_874 = vector.broadcast %and3A_873 : i32 to vector<16xi32>
      %mul3A_875 = arith.constant 16 : i32
      %mul3A_876 = arith.muli %scan3A_372, %mul3A_875 : i32
      %add3A_877 = arith.constant 7 : i32
      %add3A_878 = arith.addi %mul3A_876, %add3A_877 : i32
      %jit3A_879 = arith.constant 128 : i32
      %eq3A_880 = arith.constant 0 : i32
      %eq3A_881 = arith.cmpi eq, %jit3A_879, %eq3A_880 : i32
      %jit3A_882 = arith.constant 1 : i32
      %select_n3A_883 = arith.select %eq3A_881, %jit3A_882, %jit3A_879 : i32
      %rem3A_884 = arith.remsi %add3A_878, %select_n3A_883 : i32
      %ne3A_885 = arith.constant 0 : i32
      %ne3A_886 = arith.cmpi ne, %rem3A_884, %ne3A_885 : i32
      %lt3A_887 = arith.constant 0 : i32
      %lt3A_888 = arith.cmpi slt, %rem3A_884, %lt3A_887 : i32
      %lt3A_889 = arith.constant 0 : i32
      %lt3A_890 = arith.cmpi slt, %select_n3A_883, %lt3A_889 : i32
      %ne3A_891 = arith.xori %lt3A_888, %lt3A_890 : i1
      %and3A_892 = arith.andi %ne3A_891, %ne3A_886 : i1
      %add3A_893 = arith.addi %rem3A_884, %select_n3A_883 : i32
      %select_n3A_894 = arith.select %and3A_892, %add3A_893, %rem3A_884 : i32
      %broadcast_in_dim3A_895 = vector.broadcast %select_n3A_894 : i32 to vector<16xi32>
      %gather3A_896 = arith.constant 7 : i32
      %gather3A_897 = arith.constant 0 : i32
      %gather3A_898 = arith.constant 0 : i32
      %gather3A_899 = tpu.memref_slice %arg6[%gather3A_896, %gather3A_897, %gather3A_898] : memref<16x32x128xf32, #tpu.memory_space<vmem>> -> memref<1x32x128xf32, #tpu.memory_space<vmem>>
      %gather3A_900 = tpu.memref_squeeze %gather3A_899 : memref<1x32x128xf32, #tpu.memory_space<vmem>> -> memref<32x128xf32, #tpu.memory_space<vmem>>
      %gather3A_901 = tpu.vector_load_idx %gather3A_900[%iota3A, %broadcast_in_dim3A_874] : memref<32x128xf32, #tpu.memory_space<vmem>>[vector<16xi32>, vector<16xi32>], vector<16xf32>,
      %add3A_902 = arith.constant 16 : i32
      %add3A_903 = vector.broadcast %add3A_902 : i32 to vector<16xi32>
      %add3A_904 = arith.addi %iota3A, %add3A_903 : vector<16xi32>
      %gather3A_905 = arith.constant 7 : i32
      %gather3A_906 = arith.constant 0 : i32
      %gather3A_907 = arith.constant 0 : i32
      %gather3A_908 = tpu.memref_slice %arg6[%gather3A_905, %gather3A_906, %gather3A_907] : memref<16x32x128xf32, #tpu.memory_space<vmem>> -> memref<1x32x128xf32, #tpu.memory_space<vmem>>
      %gather3A_909 = tpu.memref_squeeze %gather3A_908 : memref<1x32x128xf32, #tpu.memory_space<vmem>> -> memref<32x128xf32, #tpu.memory_space<vmem>>
      %gather3A_910 = tpu.vector_load_idx %gather3A_909[%add3A_904, %broadcast_in_dim3A_874] : memref<32x128xf32, #tpu.memory_space<vmem>>[vector<16xi32>, vector<16xi32>], vector<16xf32>,
      tpu.vector_store_idx %arg7[%iota3A, %broadcast_in_dim3A_895], %gather3A_901 : memref<32x128xf32, #tpu.memory_space<vmem>>[vector<16xi32>, vector<16xi32>], vector<16xf32>,
      %add3A_911 = arith.constant 16 : i32
      %add3A_912 = vector.broadcast %add3A_911 : i32 to vector<16xi32>
      %add3A_913 = arith.addi %iota3A, %add3A_912 : vector<16xi32>
      tpu.vector_store_idx %arg7[%add3A_913, %broadcast_in_dim3A_895], %gather3A_910 : memref<32x128xf32, #tpu.memory_space<vmem>>[vector<16xi32>, vector<16xi32>], vector<16xf32>,
      %add3A_914 = arith.constant 1 : i32
      %add3A_915 = arith.addi %scan3A_372, %add3A_914 : i32
      %lt3A_916 = arith.constant 32 : i32
      %lt3A_917 = arith.cmpi slt, %add3A_915, %lt3A_916 : i32
      %convert_element_type3A_918 = arith.extui %lt3A_917 : i1 to i32
      %cond3A_919 = arith.constant 0 : i32
      %cond3A_920 = arith.cmpi ne, %convert_element_type3A_918, %cond3A_919 : i32
      scf.if %cond3A_920 {
        %slice3A_1496 = vector.extract_strided_slice %get3A_380 {offsets = [7], sizes = [1], strides = [1]} : vector<16xi32> to vector<1xi32>
        %squeeze3A_1497 = vector.extract %slice3A_1496[0] : i32 from vector<1xi32>
        %shift_right_arithmetic3A_1498 = arith.constant 7 : i32
        %shift_right_arithmetic3A_1499 = arith.shrsi %squeeze3A_1497, %shift_right_arithmetic3A_1498 : i32
        %mul3A_1500 = arith.constant 128 : i32
        %mul3A_1501 = arith.muli %shift_right_arithmetic3A_1499, %mul3A_1500 : i32
        %multiple_of3A_1502 = tpu.assume_multiple %mul3A_1501, 128 : i32
        %dma_start3A_1503 = arith.constant 7 : i32
        %dma_start3A_1504 = arith.constant 7 : i32
        %dma_start3A_1505 = arith.constant 0 : i32
        %dma_start3A_1506 = arith.constant 0 : i32
        %dma_start3A_1507 = tpu.memref_slice %arg6[%dma_start3A_1503, %dma_start3A_1505, %dma_start3A_1506] : memref<16x32x128xf32, #tpu.memory_space<vmem>> -> memref<1x32x128xf32, #tpu.memory_space<vmem>>
        %dma_start3A_1508 = tpu.memref_squeeze %dma_start3A_1507 : memref<1x32x128xf32, #tpu.memory_space<vmem>> -> memref<32x128xf32, #tpu.memory_space<vmem>>
        %dma_start3A_1509 = arith.constant 0 : i32
        %dma_start3A_1510 = tpu.memref_slice %arg2[%dma_start3A_1509, %multiple_of3A_1502] : memref<32x1000000xf32, #tpu.memory_space<hbm>> -> memref<32x128xf32, #tpu.memory_space<hbm>>
        %dma_start3A_1511 = tpu.memref_slice %arg8[%dma_start3A_1504] : memref<16x!tpu.dma_semaphore, #tpu.memory_space<semaphore_mem>> -> memref<1x!tpu.dma_semaphore, #tpu.memory_space<semaphore_mem>>
        %dma_start3A_1512 = tpu.memref_squeeze %dma_start3A_1511 : memref<1x!tpu.dma_semaphore, #tpu.memory_space<semaphore_mem>> -> memref<!tpu.dma_semaphore, #tpu.memory_space<semaphore_mem>>
        %dma_start3A_1513 = arith.constant 0 : i32
        %dma_start3A_1514 = arith.constant 0 : i32
        %dma_start3A_1515 = tpu.memref_slice %arg6[%dma_start3A_1503, %dma_start3A_1513, %dma_start3A_1514] : memref<16x32x128xf32, #tpu.memory_space<vmem>> -> memref<1x32x128xf32, #tpu.memory_space<vmem>>
        %dma_start3A_1516 = tpu.memref_squeeze %dma_start3A_1515 : memref<1x32x128xf32, #tpu.memory_space<vmem>> -> memref<32x128xf32, #tpu.memory_space<vmem>>
        %dma_start3A_1517 = arith.constant 0 : i32
        %dma_start3A_1518 = tpu.memref_slice %arg2[%dma_start3A_1517, %multiple_of3A_1502] : memref<32x1000000xf32, #tpu.memory_space<hbm>> -> memref<32x128xf32, #tpu.memory_space<hbm>>
        tpu.enqueue_dma source(%dma_start3A_1518 : memref<32x128xf32, #tpu.memory_space<hbm>>) target(%dma_start3A_1516 : memref<32x128xf32, #tpu.memory_space<vmem>>) target_semaphore(%dma_start3A_1512 : memref<!tpu.dma_semaphore, #tpu.memory_space<semaphore_mem>>)
      } else {
      }
      %dma_wait3A_921 = arith.constant 8 : i32
      %dma_wait3A_922 = arith.constant 8 : i32
      %dma_wait3A_923 = arith.constant 0 : i32
      %dma_wait3A_924 = arith.constant 0 : i32
      %dma_wait3A_925 = tpu.memref_slice %arg6[%dma_wait3A_921, %dma_wait3A_923, %dma_wait3A_924] : memref<16x32x128xf32, #tpu.memory_space<vmem>> -> memref<1x32x128xf32, #tpu.memory_space<vmem>>
      %dma_wait3A_926 = tpu.memref_squeeze %dma_wait3A_925 : memref<1x32x128xf32, #tpu.memory_space<vmem>> -> memref<32x128xf32, #tpu.memory_space<vmem>>
      %dma_wait3A_927 = arith.constant 0 : i32
      %dma_wait3A_928 = arith.constant 0 : i32
      %dma_wait3A_929 = tpu.memref_slice %arg2[%dma_wait3A_927, %dma_wait3A_928] : memref<32x1000000xf32, #tpu.memory_space<hbm>> -> memref<32x128xf32, #tpu.memory_space<hbm>>
      %dma_wait3A_930 = tpu.memref_slice %arg8[%dma_wait3A_922] : memref<16x!tpu.dma_semaphore, #tpu.memory_space<semaphore_mem>> -> memref<1x!tpu.dma_semaphore, #tpu.memory_space<semaphore_mem>>
      %dma_wait3A_931 = tpu.memref_squeeze %dma_wait3A_930 : memref<1x!tpu.dma_semaphore, #tpu.memory_space<semaphore_mem>> -> memref<!tpu.dma_semaphore, #tpu.memory_space<semaphore_mem>>
      %dma_wait3A_932 = arith.constant 0 : i32
      %dma_wait3A_933 = arith.constant 0 : i32
      %dma_wait3A_934 = tpu.memref_slice %arg6[%dma_wait3A_921, %dma_wait3A_932, %dma_wait3A_933] : memref<16x32x128xf32, #tpu.memory_space<vmem>> -> memref<1x32x128xf32, #tpu.memory_space<vmem>>
      %dma_wait3A_935 = tpu.memref_squeeze %dma_wait3A_934 : memref<1x32x128xf32, #tpu.memory_space<vmem>> -> memref<32x128xf32, #tpu.memory_space<vmem>>
      %dma_wait3A_936 = arith.constant 0 : i32
      %dma_wait3A_937 = arith.constant 0 : i32
      %dma_wait3A_938 = tpu.memref_slice %arg2[%dma_wait3A_936, %dma_wait3A_937] : memref<32x1000000xf32, #tpu.memory_space<hbm>> -> memref<32x128xf32, #tpu.memory_space<hbm>>
      tpu.wait_dma2 semaphore(%dma_wait3A_931 : memref<!tpu.dma_semaphore, #tpu.memory_space<semaphore_mem>>) src(%dma_wait3A_938 : memref<32x128xf32, #tpu.memory_space<hbm>>) dst(%dma_wait3A_935 : memref<32x128xf32, #tpu.memory_space<vmem>>)
      %slice3A_939 = vector.extract_strided_slice %scan3A_373 {offsets = [8], sizes = [1], strides = [1]} : vector<16xi32> to vector<1xi32>
      %squeeze3A_940 = vector.extract %slice3A_939[0] : i32 from vector<1xi32>
      %and3A_941 = arith.constant 127 : i32
      %and3A_942 = arith.andi %squeeze3A_940, %and3A_941 : i32
      %broadcast_in_dim3A_943 = vector.broadcast %and3A_942 : i32 to vector<16xi32>
      %mul3A_944 = arith.constant 16 : i32
      %mul3A_945 = arith.muli %scan3A_372, %mul3A_944 : i32
      %add3A_946 = arith.constant 8 : i32
      %add3A_947 = arith.addi %mul3A_945, %add3A_946 : i32
      %jit3A_948 = arith.constant 128 : i32
      %eq3A_949 = arith.constant 0 : i32
      %eq3A_950 = arith.cmpi eq, %jit3A_948, %eq3A_949 : i32
      %jit3A_951 = arith.constant 1 : i32
      %select_n3A_952 = arith.select %eq3A_950, %jit3A_951, %jit3A_948 : i32
      %rem3A_953 = arith.remsi %add3A_947, %select_n3A_952 : i32
      %ne3A_954 = arith.constant 0 : i32
      %ne3A_955 = arith.cmpi ne, %rem3A_953, %ne3A_954 : i32
      %lt3A_956 = arith.constant 0 : i32
      %lt3A_957 = arith.cmpi slt, %rem3A_953, %lt3A_956 : i32
      %lt3A_958 = arith.constant 0 : i32
      %lt3A_959 = arith.cmpi slt, %select_n3A_952, %lt3A_958 : i32
      %ne3A_960 = arith.xori %lt3A_957, %lt3A_959 : i1
      %and3A_961 = arith.andi %ne3A_960, %ne3A_955 : i1
      %add3A_962 = arith.addi %rem3A_953, %select_n3A_952 : i32
      %select_n3A_963 = arith.select %and3A_961, %add3A_962, %rem3A_953 : i32
      %broadcast_in_dim3A_964 = vector.broadcast %select_n3A_963 : i32 to vector<16xi32>
      %gather3A_965 = arith.constant 8 : i32
      %gather3A_966 = arith.constant 0 : i32
      %gather3A_967 = arith.constant 0 : i32
      %gather3A_968 = tpu.memref_slice %arg6[%gather3A_965, %gather3A_966, %gather3A_967] : memref<16x32x128xf32, #tpu.memory_space<vmem>> -> memref<1x32x128xf32, #tpu.memory_space<vmem>>
      %gather3A_969 = tpu.memref_squeeze %gather3A_968 : memref<1x32x128xf32, #tpu.memory_space<vmem>> -> memref<32x128xf32, #tpu.memory_space<vmem>>
      %gather3A_970 = tpu.vector_load_idx %gather3A_969[%iota3A, %broadcast_in_dim3A_943] : memref<32x128xf32, #tpu.memory_space<vmem>>[vector<16xi32>, vector<16xi32>], vector<16xf32>,
      %add3A_971 = arith.constant 16 : i32
      %add3A_972 = vector.broadcast %add3A_971 : i32 to vector<16xi32>
      %add3A_973 = arith.addi %iota3A, %add3A_972 : vector<16xi32>
      %gather3A_974 = arith.constant 8 : i32
      %gather3A_975 = arith.constant 0 : i32
      %gather3A_976 = arith.constant 0 : i32
      %gather3A_977 = tpu.memref_slice %arg6[%gather3A_974, %gather3A_975, %gather3A_976] : memref<16x32x128xf32, #tpu.memory_space<vmem>> -> memref<1x32x128xf32, #tpu.memory_space<vmem>>
      %gather3A_978 = tpu.memref_squeeze %gather3A_977 : memref<1x32x128xf32, #tpu.memory_space<vmem>> -> memref<32x128xf32, #tpu.memory_space<vmem>>
      %gather3A_979 = tpu.vector_load_idx %gather3A_978[%add3A_973, %broadcast_in_dim3A_943] : memref<32x128xf32, #tpu.memory_space<vmem>>[vector<16xi32>, vector<16xi32>], vector<16xf32>,
      tpu.vector_store_idx %arg7[%iota3A, %broadcast_in_dim3A_964], %gather3A_970 : memref<32x128xf32, #tpu.memory_space<vmem>>[vector<16xi32>, vector<16xi32>], vector<16xf32>,
      %add3A_980 = arith.constant 16 : i32
      %add3A_981 = vector.broadcast %add3A_980 : i32 to vector<16xi32>
      %add3A_982 = arith.addi %iota3A, %add3A_981 : vector<16xi32>
      tpu.vector_store_idx %arg7[%add3A_982, %broadcast_in_dim3A_964], %gather3A_979 : memref<32x128xf32, #tpu.memory_space<vmem>>[vector<16xi32>, vector<16xi32>], vector<16xf32>,
      %add3A_983 = arith.constant 1 : i32
      %add3A_984 = arith.addi %scan3A_372, %add3A_983 : i32
      %lt3A_985 = arith.constant 32 : i32
      %lt3A_986 = arith.cmpi slt, %add3A_984, %lt3A_985 : i32
      %convert_element_type3A_987 = arith.extui %lt3A_986 : i1 to i32
      %cond3A_988 = arith.constant 0 : i32
      %cond3A_989 = arith.cmpi ne, %convert_element_type3A_987, %cond3A_988 : i32
      scf.if %cond3A_989 {
        %slice3A_1496 = vector.extract_strided_slice %get3A_380 {offsets = [8], sizes = [1], strides = [1]} : vector<16xi32> to vector<1xi32>
        %squeeze3A_1497 = vector.extract %slice3A_1496[0] : i32 from vector<1xi32>
        %shift_right_arithmetic3A_1498 = arith.constant 7 : i32
        %shift_right_arithmetic3A_1499 = arith.shrsi %squeeze3A_1497, %shift_right_arithmetic3A_1498 : i32
        %mul3A_1500 = arith.constant 128 : i32
        %mul3A_1501 = arith.muli %shift_right_arithmetic3A_1499, %mul3A_1500 : i32
        %multiple_of3A_1502 = tpu.assume_multiple %mul3A_1501, 128 : i32
        %dma_start3A_1503 = arith.constant 8 : i32
        %dma_start3A_1504 = arith.constant 8 : i32
        %dma_start3A_1505 = arith.constant 0 : i32
        %dma_start3A_1506 = arith.constant 0 : i32
        %dma_start3A_1507 = tpu.memref_slice %arg6[%dma_start3A_1503, %dma_start3A_1505, %dma_start3A_1506] : memref<16x32x128xf32, #tpu.memory_space<vmem>> -> memref<1x32x128xf32, #tpu.memory_space<vmem>>
        %dma_start3A_1508 = tpu.memref_squeeze %dma_start3A_1507 : memref<1x32x128xf32, #tpu.memory_space<vmem>> -> memref<32x128xf32, #tpu.memory_space<vmem>>
        %dma_start3A_1509 = arith.constant 0 : i32
        %dma_start3A_1510 = tpu.memref_slice %arg2[%dma_start3A_1509, %multiple_of3A_1502] : memref<32x1000000xf32, #tpu.memory_space<hbm>> -> memref<32x128xf32, #tpu.memory_space<hbm>>
        %dma_start3A_1511 = tpu.memref_slice %arg8[%dma_start3A_1504] : memref<16x!tpu.dma_semaphore, #tpu.memory_space<semaphore_mem>> -> memref<1x!tpu.dma_semaphore, #tpu.memory_space<semaphore_mem>>
        %dma_start3A_1512 = tpu.memref_squeeze %dma_start3A_1511 : memref<1x!tpu.dma_semaphore, #tpu.memory_space<semaphore_mem>> -> memref<!tpu.dma_semaphore, #tpu.memory_space<semaphore_mem>>
        %dma_start3A_1513 = arith.constant 0 : i32
        %dma_start3A_1514 = arith.constant 0 : i32
        %dma_start3A_1515 = tpu.memref_slice %arg6[%dma_start3A_1503, %dma_start3A_1513, %dma_start3A_1514] : memref<16x32x128xf32, #tpu.memory_space<vmem>> -> memref<1x32x128xf32, #tpu.memory_space<vmem>>
        %dma_start3A_1516 = tpu.memref_squeeze %dma_start3A_1515 : memref<1x32x128xf32, #tpu.memory_space<vmem>> -> memref<32x128xf32, #tpu.memory_space<vmem>>
        %dma_start3A_1517 = arith.constant 0 : i32
        %dma_start3A_1518 = tpu.memref_slice %arg2[%dma_start3A_1517, %multiple_of3A_1502] : memref<32x1000000xf32, #tpu.memory_space<hbm>> -> memref<32x128xf32, #tpu.memory_space<hbm>>
        tpu.enqueue_dma source(%dma_start3A_1518 : memref<32x128xf32, #tpu.memory_space<hbm>>) target(%dma_start3A_1516 : memref<32x128xf32, #tpu.memory_space<vmem>>) target_semaphore(%dma_start3A_1512 : memref<!tpu.dma_semaphore, #tpu.memory_space<semaphore_mem>>)
      } else {
      }
      %dma_wait3A_990 = arith.constant 9 : i32
      %dma_wait3A_991 = arith.constant 9 : i32
      %dma_wait3A_992 = arith.constant 0 : i32
      %dma_wait3A_993 = arith.constant 0 : i32
      %dma_wait3A_994 = tpu.memref_slice %arg6[%dma_wait3A_990, %dma_wait3A_992, %dma_wait3A_993] : memref<16x32x128xf32, #tpu.memory_space<vmem>> -> memref<1x32x128xf32, #tpu.memory_space<vmem>>
      %dma_wait3A_995 = tpu.memref_squeeze %dma_wait3A_994 : memref<1x32x128xf32, #tpu.memory_space<vmem>> -> memref<32x128xf32, #tpu.memory_space<vmem>>
      %dma_wait3A_996 = arith.constant 0 : i32
      %dma_wait3A_997 = arith.constant 0 : i32
      %dma_wait3A_998 = tpu.memref_slice %arg2[%dma_wait3A_996, %dma_wait3A_997] : memref<32x1000000xf32, #tpu.memory_space<hbm>> -> memref<32x128xf32, #tpu.memory_space<hbm>>
      %dma_wait3A_999 = tpu.memref_slice %arg8[%dma_wait3A_991] : memref<16x!tpu.dma_semaphore, #tpu.memory_space<semaphore_mem>> -> memref<1x!tpu.dma_semaphore, #tpu.memory_space<semaphore_mem>>
      %dma_wait3A_1000 = tpu.memref_squeeze %dma_wait3A_999 : memref<1x!tpu.dma_semaphore, #tpu.memory_space<semaphore_mem>> -> memref<!tpu.dma_semaphore, #tpu.memory_space<semaphore_mem>>
      %dma_wait3A_1001 = arith.constant 0 : i32
      %dma_wait3A_1002 = arith.constant 0 : i32
      %dma_wait3A_1003 = tpu.memref_slice %arg6[%dma_wait3A_990, %dma_wait3A_1001, %dma_wait3A_1002] : memref<16x32x128xf32, #tpu.memory_space<vmem>> -> memref<1x32x128xf32, #tpu.memory_space<vmem>>
      %dma_wait3A_1004 = tpu.memref_squeeze %dma_wait3A_1003 : memref<1x32x128xf32, #tpu.memory_space<vmem>> -> memref<32x128xf32, #tpu.memory_space<vmem>>
      %dma_wait3A_1005 = arith.constant 0 : i32
      %dma_wait3A_1006 = arith.constant 0 : i32
      %dma_wait3A_1007 = tpu.memref_slice %arg2[%dma_wait3A_1005, %dma_wait3A_1006] : memref<32x1000000xf32, #tpu.memory_space<hbm>> -> memref<32x128xf32, #tpu.memory_space<hbm>>
      tpu.wait_dma2 semaphore(%dma_wait3A_1000 : memref<!tpu.dma_semaphore, #tpu.memory_space<semaphore_mem>>) src(%dma_wait3A_1007 : memref<32x128xf32, #tpu.memory_space<hbm>>) dst(%dma_wait3A_1004 : memref<32x128xf32, #tpu.memory_space<vmem>>)
      %slice3A_1008 = vector.extract_strided_slice %scan3A_373 {offsets = [9], sizes = [1], strides = [1]} : vector<16xi32> to vector<1xi32>
      %squeeze3A_1009 = vector.extract %slice3A_1008[0] : i32 from vector<1xi32>
      %and3A_1010 = arith.constant 127 : i32
      %and3A_1011 = arith.andi %squeeze3A_1009, %and3A_1010 : i32
      %broadcast_in_dim3A_1012 = vector.broadcast %and3A_1011 : i32 to vector<16xi32>
      %mul3A_1013 = arith.constant 16 : i32
      %mul3A_1014 = arith.muli %scan3A_372, %mul3A_1013 : i32
      %add3A_1015 = arith.constant 9 : i32
      %add3A_1016 = arith.addi %mul3A_1014, %add3A_1015 : i32
      %jit3A_1017 = arith.constant 128 : i32
      %eq3A_1018 = arith.constant 0 : i32
      %eq3A_1019 = arith.cmpi eq, %jit3A_1017, %eq3A_1018 : i32
      %jit3A_1020 = arith.constant 1 : i32
      %select_n3A_1021 = arith.select %eq3A_1019, %jit3A_1020, %jit3A_1017 : i32
      %rem3A_1022 = arith.remsi %add3A_1016, %select_n3A_1021 : i32
      %ne3A_1023 = arith.constant 0 : i32
      %ne3A_1024 = arith.cmpi ne, %rem3A_1022, %ne3A_1023 : i32
      %lt3A_1025 = arith.constant 0 : i32
      %lt3A_1026 = arith.cmpi slt, %rem3A_1022, %lt3A_1025 : i32
      %lt3A_1027 = arith.constant 0 : i32
      %lt3A_1028 = arith.cmpi slt, %select_n3A_1021, %lt3A_1027 : i32
      %ne3A_1029 = arith.xori %lt3A_1026, %lt3A_1028 : i1
      %and3A_1030 = arith.andi %ne3A_1029, %ne3A_1024 : i1
      %add3A_1031 = arith.addi %rem3A_1022, %select_n3A_1021 : i32
      %select_n3A_1032 = arith.select %and3A_1030, %add3A_1031, %rem3A_1022 : i32
      %broadcast_in_dim3A_1033 = vector.broadcast %select_n3A_1032 : i32 to vector<16xi32>
      %gather3A_1034 = arith.constant 9 : i32
      %gather3A_1035 = arith.constant 0 : i32
      %gather3A_1036 = arith.constant 0 : i32
      %gather3A_1037 = tpu.memref_slice %arg6[%gather3A_1034, %gather3A_1035, %gather3A_1036] : memref<16x32x128xf32, #tpu.memory_space<vmem>> -> memref<1x32x128xf32, #tpu.memory_space<vmem>>
      %gather3A_1038 = tpu.memref_squeeze %gather3A_1037 : memref<1x32x128xf32, #tpu.memory_space<vmem>> -> memref<32x128xf32, #tpu.memory_space<vmem>>
      %gather3A_1039 = tpu.vector_load_idx %gather3A_1038[%iota3A, %broadcast_in_dim3A_1012] : memref<32x128xf32, #tpu.memory_space<vmem>>[vector<16xi32>, vector<16xi32>], vector<16xf32>,
      %add3A_1040 = arith.constant 16 : i32
      %add3A_1041 = vector.broadcast %add3A_1040 : i32 to vector<16xi32>
      %add3A_1042 = arith.addi %iota3A, %add3A_1041 : vector<16xi32>
      %gather3A_1043 = arith.constant 9 : i32
      %gather3A_1044 = arith.constant 0 : i32
      %gather3A_1045 = arith.constant 0 : i32
      %gather3A_1046 = tpu.memref_slice %arg6[%gather3A_1043, %gather3A_1044, %gather3A_1045] : memref<16x32x128xf32, #tpu.memory_space<vmem>> -> memref<1x32x128xf32, #tpu.memory_space<vmem>>
      %gather3A_1047 = tpu.memref_squeeze %gather3A_1046 : memref<1x32x128xf32, #tpu.memory_space<vmem>> -> memref<32x128xf32, #tpu.memory_space<vmem>>
      %gather3A_1048 = tpu.vector_load_idx %gather3A_1047[%add3A_1042, %broadcast_in_dim3A_1012] : memref<32x128xf32, #tpu.memory_space<vmem>>[vector<16xi32>, vector<16xi32>], vector<16xf32>,
      tpu.vector_store_idx %arg7[%iota3A, %broadcast_in_dim3A_1033], %gather3A_1039 : memref<32x128xf32, #tpu.memory_space<vmem>>[vector<16xi32>, vector<16xi32>], vector<16xf32>,
      %add3A_1049 = arith.constant 16 : i32
      %add3A_1050 = vector.broadcast %add3A_1049 : i32 to vector<16xi32>
      %add3A_1051 = arith.addi %iota3A, %add3A_1050 : vector<16xi32>
      tpu.vector_store_idx %arg7[%add3A_1051, %broadcast_in_dim3A_1033], %gather3A_1048 : memref<32x128xf32, #tpu.memory_space<vmem>>[vector<16xi32>, vector<16xi32>], vector<16xf32>,
      %add3A_1052 = arith.constant 1 : i32
      %add3A_1053 = arith.addi %scan3A_372, %add3A_1052 : i32
      %lt3A_1054 = arith.constant 32 : i32
      %lt3A_1055 = arith.cmpi slt, %add3A_1053, %lt3A_1054 : i32
      %convert_element_type3A_1056 = arith.extui %lt3A_1055 : i1 to i32
      %cond3A_1057 = arith.constant 0 : i32
      %cond3A_1058 = arith.cmpi ne, %convert_element_type3A_1056, %cond3A_1057 : i32
      scf.if %cond3A_1058 {
        %slice3A_1496 = vector.extract_strided_slice %get3A_380 {offsets = [9], sizes = [1], strides = [1]} : vector<16xi32> to vector<1xi32>
        %squeeze3A_1497 = vector.extract %slice3A_1496[0] : i32 from vector<1xi32>
        %shift_right_arithmetic3A_1498 = arith.constant 7 : i32
        %shift_right_arithmetic3A_1499 = arith.shrsi %squeeze3A_1497, %shift_right_arithmetic3A_1498 : i32
        %mul3A_1500 = arith.constant 128 : i32
        %mul3A_1501 = arith.muli %shift_right_arithmetic3A_1499, %mul3A_1500 : i32
        %multiple_of3A_1502 = tpu.assume_multiple %mul3A_1501, 128 : i32
        %dma_start3A_1503 = arith.constant 9 : i32
        %dma_start3A_1504 = arith.constant 9 : i32
        %dma_start3A_1505 = arith.constant 0 : i32
        %dma_start3A_1506 = arith.constant 0 : i32
        %dma_start3A_1507 = tpu.memref_slice %arg6[%dma_start3A_1503, %dma_start3A_1505, %dma_start3A_1506] : memref<16x32x128xf32, #tpu.memory_space<vmem>> -> memref<1x32x128xf32, #tpu.memory_space<vmem>>
        %dma_start3A_1508 = tpu.memref_squeeze %dma_start3A_1507 : memref<1x32x128xf32, #tpu.memory_space<vmem>> -> memref<32x128xf32, #tpu.memory_space<vmem>>
        %dma_start3A_1509 = arith.constant 0 : i32
        %dma_start3A_1510 = tpu.memref_slice %arg2[%dma_start3A_1509, %multiple_of3A_1502] : memref<32x1000000xf32, #tpu.memory_space<hbm>> -> memref<32x128xf32, #tpu.memory_space<hbm>>
        %dma_start3A_1511 = tpu.memref_slice %arg8[%dma_start3A_1504] : memref<16x!tpu.dma_semaphore, #tpu.memory_space<semaphore_mem>> -> memref<1x!tpu.dma_semaphore, #tpu.memory_space<semaphore_mem>>
        %dma_start3A_1512 = tpu.memref_squeeze %dma_start3A_1511 : memref<1x!tpu.dma_semaphore, #tpu.memory_space<semaphore_mem>> -> memref<!tpu.dma_semaphore, #tpu.memory_space<semaphore_mem>>
        %dma_start3A_1513 = arith.constant 0 : i32
        %dma_start3A_1514 = arith.constant 0 : i32
        %dma_start3A_1515 = tpu.memref_slice %arg6[%dma_start3A_1503, %dma_start3A_1513, %dma_start3A_1514] : memref<16x32x128xf32, #tpu.memory_space<vmem>> -> memref<1x32x128xf32, #tpu.memory_space<vmem>>
        %dma_start3A_1516 = tpu.memref_squeeze %dma_start3A_1515 : memref<1x32x128xf32, #tpu.memory_space<vmem>> -> memref<32x128xf32, #tpu.memory_space<vmem>>
        %dma_start3A_1517 = arith.constant 0 : i32
        %dma_start3A_1518 = tpu.memref_slice %arg2[%dma_start3A_1517, %multiple_of3A_1502] : memref<32x1000000xf32, #tpu.memory_space<hbm>> -> memref<32x128xf32, #tpu.memory_space<hbm>>
        tpu.enqueue_dma source(%dma_start3A_1518 : memref<32x128xf32, #tpu.memory_space<hbm>>) target(%dma_start3A_1516 : memref<32x128xf32, #tpu.memory_space<vmem>>) target_semaphore(%dma_start3A_1512 : memref<!tpu.dma_semaphore, #tpu.memory_space<semaphore_mem>>)
      } else {
      }
      %dma_wait3A_1059 = arith.constant 10 : i32
      %dma_wait3A_1060 = arith.constant 10 : i32
      %dma_wait3A_1061 = arith.constant 0 : i32
      %dma_wait3A_1062 = arith.constant 0 : i32
      %dma_wait3A_1063 = tpu.memref_slice %arg6[%dma_wait3A_1059, %dma_wait3A_1061, %dma_wait3A_1062] : memref<16x32x128xf32, #tpu.memory_space<vmem>> -> memref<1x32x128xf32, #tpu.memory_space<vmem>>
      %dma_wait3A_1064 = tpu.memref_squeeze %dma_wait3A_1063 : memref<1x32x128xf32, #tpu.memory_space<vmem>> -> memref<32x128xf32, #tpu.memory_space<vmem>>
      %dma_wait3A_1065 = arith.constant 0 : i32
      %dma_wait3A_1066 = arith.constant 0 : i32
      %dma_wait3A_1067 = tpu.memref_slice %arg2[%dma_wait3A_1065, %dma_wait3A_1066] : memref<32x1000000xf32, #tpu.memory_space<hbm>> -> memref<32x128xf32, #tpu.memory_space<hbm>>
      %dma_wait3A_1068 = tpu.memref_slice %arg8[%dma_wait3A_1060] : memref<16x!tpu.dma_semaphore, #tpu.memory_space<semaphore_mem>> -> memref<1x!tpu.dma_semaphore, #tpu.memory_space<semaphore_mem>>
      %dma_wait3A_1069 = tpu.memref_squeeze %dma_wait3A_1068 : memref<1x!tpu.dma_semaphore, #tpu.memory_space<semaphore_mem>> -> memref<!tpu.dma_semaphore, #tpu.memory_space<semaphore_mem>>
      %dma_wait3A_1070 = arith.constant 0 : i32
      %dma_wait3A_1071 = arith.constant 0 : i32
      %dma_wait3A_1072 = tpu.memref_slice %arg6[%dma_wait3A_1059, %dma_wait3A_1070, %dma_wait3A_1071] : memref<16x32x128xf32, #tpu.memory_space<vmem>> -> memref<1x32x128xf32, #tpu.memory_space<vmem>>
      %dma_wait3A_1073 = tpu.memref_squeeze %dma_wait3A_1072 : memref<1x32x128xf32, #tpu.memory_space<vmem>> -> memref<32x128xf32, #tpu.memory_space<vmem>>
      %dma_wait3A_1074 = arith.constant 0 : i32
      %dma_wait3A_1075 = arith.constant 0 : i32
      %dma_wait3A_1076 = tpu.memref_slice %arg2[%dma_wait3A_1074, %dma_wait3A_1075] : memref<32x1000000xf32, #tpu.memory_space<hbm>> -> memref<32x128xf32, #tpu.memory_space<hbm>>
      tpu.wait_dma2 semaphore(%dma_wait3A_1069 : memref<!tpu.dma_semaphore, #tpu.memory_space<semaphore_mem>>) src(%dma_wait3A_1076 : memref<32x128xf32, #tpu.memory_space<hbm>>) dst(%dma_wait3A_1073 : memref<32x128xf32, #tpu.memory_space<vmem>>)
      %slice3A_1077 = vector.extract_strided_slice %scan3A_373 {offsets = [10], sizes = [1], strides = [1]} : vector<16xi32> to vector<1xi32>
      %squeeze3A_1078 = vector.extract %slice3A_1077[0] : i32 from vector<1xi32>
      %and3A_1079 = arith.constant 127 : i32
      %and3A_1080 = arith.andi %squeeze3A_1078, %and3A_1079 : i32
      %broadcast_in_dim3A_1081 = vector.broadcast %and3A_1080 : i32 to vector<16xi32>
      %mul3A_1082 = arith.constant 16 : i32
      %mul3A_1083 = arith.muli %scan3A_372, %mul3A_1082 : i32
      %add3A_1084 = arith.constant 10 : i32
      %add3A_1085 = arith.addi %mul3A_1083, %add3A_1084 : i32
      %jit3A_1086 = arith.constant 128 : i32
      %eq3A_1087 = arith.constant 0 : i32
      %eq3A_1088 = arith.cmpi eq, %jit3A_1086, %eq3A_1087 : i32
      %jit3A_1089 = arith.constant 1 : i32
      %select_n3A_1090 = arith.select %eq3A_1088, %jit3A_1089, %jit3A_1086 : i32
      %rem3A_1091 = arith.remsi %add3A_1085, %select_n3A_1090 : i32
      %ne3A_1092 = arith.constant 0 : i32
      %ne3A_1093 = arith.cmpi ne, %rem3A_1091, %ne3A_1092 : i32
      %lt3A_1094 = arith.constant 0 : i32
      %lt3A_1095 = arith.cmpi slt, %rem3A_1091, %lt3A_1094 : i32
      %lt3A_1096 = arith.constant 0 : i32
      %lt3A_1097 = arith.cmpi slt, %select_n3A_1090, %lt3A_1096 : i32
      %ne3A_1098 = arith.xori %lt3A_1095, %lt3A_1097 : i1
      %and3A_1099 = arith.andi %ne3A_1098, %ne3A_1093 : i1
      %add3A_1100 = arith.addi %rem3A_1091, %select_n3A_1090 : i32
      %select_n3A_1101 = arith.select %and3A_1099, %add3A_1100, %rem3A_1091 : i32
      %broadcast_in_dim3A_1102 = vector.broadcast %select_n3A_1101 : i32 to vector<16xi32>
      %gather3A_1103 = arith.constant 10 : i32
      %gather3A_1104 = arith.constant 0 : i32
      %gather3A_1105 = arith.constant 0 : i32
      %gather3A_1106 = tpu.memref_slice %arg6[%gather3A_1103, %gather3A_1104, %gather3A_1105] : memref<16x32x128xf32, #tpu.memory_space<vmem>> -> memref<1x32x128xf32, #tpu.memory_space<vmem>>
      %gather3A_1107 = tpu.memref_squeeze %gather3A_1106 : memref<1x32x128xf32, #tpu.memory_space<vmem>> -> memref<32x128xf32, #tpu.memory_space<vmem>>
      %gather3A_1108 = tpu.vector_load_idx %gather3A_1107[%iota3A, %broadcast_in_dim3A_1081] : memref<32x128xf32, #tpu.memory_space<vmem>>[vector<16xi32>, vector<16xi32>], vector<16xf32>,
      %add3A_1109 = arith.constant 16 : i32
      %add3A_1110 = vector.broadcast %add3A_1109 : i32 to vector<16xi32>
      %add3A_1111 = arith.addi %iota3A, %add3A_1110 : vector<16xi32>
      %gather3A_1112 = arith.constant 10 : i32
      %gather3A_1113 = arith.constant 0 : i32
      %gather3A_1114 = arith.constant 0 : i32
      %gather3A_1115 = tpu.memref_slice %arg6[%gather3A_1112, %gather3A_1113, %gather3A_1114] : memref<16x32x128xf32, #tpu.memory_space<vmem>> -> memref<1x32x128xf32, #tpu.memory_space<vmem>>
      %gather3A_1116 = tpu.memref_squeeze %gather3A_1115 : memref<1x32x128xf32, #tpu.memory_space<vmem>> -> memref<32x128xf32, #tpu.memory_space<vmem>>
      %gather3A_1117 = tpu.vector_load_idx %gather3A_1116[%add3A_1111, %broadcast_in_dim3A_1081] : memref<32x128xf32, #tpu.memory_space<vmem>>[vector<16xi32>, vector<16xi32>], vector<16xf32>,
      tpu.vector_store_idx %arg7[%iota3A, %broadcast_in_dim3A_1102], %gather3A_1108 : memref<32x128xf32, #tpu.memory_space<vmem>>[vector<16xi32>, vector<16xi32>], vector<16xf32>,
      %add3A_1118 = arith.constant 16 : i32
      %add3A_1119 = vector.broadcast %add3A_1118 : i32 to vector<16xi32>
      %add3A_1120 = arith.addi %iota3A, %add3A_1119 : vector<16xi32>
      tpu.vector_store_idx %arg7[%add3A_1120, %broadcast_in_dim3A_1102], %gather3A_1117 : memref<32x128xf32, #tpu.memory_space<vmem>>[vector<16xi32>, vector<16xi32>], vector<16xf32>,
      %add3A_1121 = arith.constant 1 : i32
      %add3A_1122 = arith.addi %scan3A_372, %add3A_1121 : i32
      %lt3A_1123 = arith.constant 32 : i32
      %lt3A_1124 = arith.cmpi slt, %add3A_1122, %lt3A_1123 : i32
      %convert_element_type3A_1125 = arith.extui %lt3A_1124 : i1 to i32
      %cond3A_1126 = arith.constant 0 : i32
      %cond3A_1127 = arith.cmpi ne, %convert_element_type3A_1125, %cond3A_1126 : i32
      scf.if %cond3A_1127 {
        %slice3A_1496 = vector.extract_strided_slice %get3A_380 {offsets = [10], sizes = [1], strides = [1]} : vector<16xi32> to vector<1xi32>
        %squeeze3A_1497 = vector.extract %slice3A_1496[0] : i32 from vector<1xi32>
        %shift_right_arithmetic3A_1498 = arith.constant 7 : i32
        %shift_right_arithmetic3A_1499 = arith.shrsi %squeeze3A_1497, %shift_right_arithmetic3A_1498 : i32
        %mul3A_1500 = arith.constant 128 : i32
        %mul3A_1501 = arith.muli %shift_right_arithmetic3A_1499, %mul3A_1500 : i32
        %multiple_of3A_1502 = tpu.assume_multiple %mul3A_1501, 128 : i32
        %dma_start3A_1503 = arith.constant 10 : i32
        %dma_start3A_1504 = arith.constant 10 : i32
        %dma_start3A_1505 = arith.constant 0 : i32
        %dma_start3A_1506 = arith.constant 0 : i32
        %dma_start3A_1507 = tpu.memref_slice %arg6[%dma_start3A_1503, %dma_start3A_1505, %dma_start3A_1506] : memref<16x32x128xf32, #tpu.memory_space<vmem>> -> memref<1x32x128xf32, #tpu.memory_space<vmem>>
        %dma_start3A_1508 = tpu.memref_squeeze %dma_start3A_1507 : memref<1x32x128xf32, #tpu.memory_space<vmem>> -> memref<32x128xf32, #tpu.memory_space<vmem>>
        %dma_start3A_1509 = arith.constant 0 : i32
        %dma_start3A_1510 = tpu.memref_slice %arg2[%dma_start3A_1509, %multiple_of3A_1502] : memref<32x1000000xf32, #tpu.memory_space<hbm>> -> memref<32x128xf32, #tpu.memory_space<hbm>>
        %dma_start3A_1511 = tpu.memref_slice %arg8[%dma_start3A_1504] : memref<16x!tpu.dma_semaphore, #tpu.memory_space<semaphore_mem>> -> memref<1x!tpu.dma_semaphore, #tpu.memory_space<semaphore_mem>>
        %dma_start3A_1512 = tpu.memref_squeeze %dma_start3A_1511 : memref<1x!tpu.dma_semaphore, #tpu.memory_space<semaphore_mem>> -> memref<!tpu.dma_semaphore, #tpu.memory_space<semaphore_mem>>
        %dma_start3A_1513 = arith.constant 0 : i32
        %dma_start3A_1514 = arith.constant 0 : i32
        %dma_start3A_1515 = tpu.memref_slice %arg6[%dma_start3A_1503, %dma_start3A_1513, %dma_start3A_1514] : memref<16x32x128xf32, #tpu.memory_space<vmem>> -> memref<1x32x128xf32, #tpu.memory_space<vmem>>
        %dma_start3A_1516 = tpu.memref_squeeze %dma_start3A_1515 : memref<1x32x128xf32, #tpu.memory_space<vmem>> -> memref<32x128xf32, #tpu.memory_space<vmem>>
        %dma_start3A_1517 = arith.constant 0 : i32
        %dma_start3A_1518 = tpu.memref_slice %arg2[%dma_start3A_1517, %multiple_of3A_1502] : memref<32x1000000xf32, #tpu.memory_space<hbm>> -> memref<32x128xf32, #tpu.memory_space<hbm>>
        tpu.enqueue_dma source(%dma_start3A_1518 : memref<32x128xf32, #tpu.memory_space<hbm>>) target(%dma_start3A_1516 : memref<32x128xf32, #tpu.memory_space<vmem>>) target_semaphore(%dma_start3A_1512 : memref<!tpu.dma_semaphore, #tpu.memory_space<semaphore_mem>>)
      } else {
      }
      %dma_wait3A_1128 = arith.constant 11 : i32
      %dma_wait3A_1129 = arith.constant 11 : i32
      %dma_wait3A_1130 = arith.constant 0 : i32
      %dma_wait3A_1131 = arith.constant 0 : i32
      %dma_wait3A_1132 = tpu.memref_slice %arg6[%dma_wait3A_1128, %dma_wait3A_1130, %dma_wait3A_1131] : memref<16x32x128xf32, #tpu.memory_space<vmem>> -> memref<1x32x128xf32, #tpu.memory_space<vmem>>
      %dma_wait3A_1133 = tpu.memref_squeeze %dma_wait3A_1132 : memref<1x32x128xf32, #tpu.memory_space<vmem>> -> memref<32x128xf32, #tpu.memory_space<vmem>>
      %dma_wait3A_1134 = arith.constant 0 : i32
      %dma_wait3A_1135 = arith.constant 0 : i32
      %dma_wait3A_1136 = tpu.memref_slice %arg2[%dma_wait3A_1134, %dma_wait3A_1135] : memref<32x1000000xf32, #tpu.memory_space<hbm>> -> memref<32x128xf32, #tpu.memory_space<hbm>>
      %dma_wait3A_1137 = tpu.memref_slice %arg8[%dma_wait3A_1129] : memref<16x!tpu.dma_semaphore, #tpu.memory_space<semaphore_mem>> -> memref<1x!tpu.dma_semaphore, #tpu.memory_space<semaphore_mem>>
      %dma_wait3A_1138 = tpu.memref_squeeze %dma_wait3A_1137 : memref<1x!tpu.dma_semaphore, #tpu.memory_space<semaphore_mem>> -> memref<!tpu.dma_semaphore, #tpu.memory_space<semaphore_mem>>
      %dma_wait3A_1139 = arith.constant 0 : i32
      %dma_wait3A_1140 = arith.constant 0 : i32
      %dma_wait3A_1141 = tpu.memref_slice %arg6[%dma_wait3A_1128, %dma_wait3A_1139, %dma_wait3A_1140] : memref<16x32x128xf32, #tpu.memory_space<vmem>> -> memref<1x32x128xf32, #tpu.memory_space<vmem>>
      %dma_wait3A_1142 = tpu.memref_squeeze %dma_wait3A_1141 : memref<1x32x128xf32, #tpu.memory_space<vmem>> -> memref<32x128xf32, #tpu.memory_space<vmem>>
      %dma_wait3A_1143 = arith.constant 0 : i32
      %dma_wait3A_1144 = arith.constant 0 : i32
      %dma_wait3A_1145 = tpu.memref_slice %arg2[%dma_wait3A_1143, %dma_wait3A_1144] : memref<32x1000000xf32, #tpu.memory_space<hbm>> -> memref<32x128xf32, #tpu.memory_space<hbm>>
      tpu.wait_dma2 semaphore(%dma_wait3A_1138 : memref<!tpu.dma_semaphore, #tpu.memory_space<semaphore_mem>>) src(%dma_wait3A_1145 : memref<32x128xf32, #tpu.memory_space<hbm>>) dst(%dma_wait3A_1142 : memref<32x128xf32, #tpu.memory_space<vmem>>)
      %slice3A_1146 = vector.extract_strided_slice %scan3A_373 {offsets = [11], sizes = [1], strides = [1]} : vector<16xi32> to vector<1xi32>
      %squeeze3A_1147 = vector.extract %slice3A_1146[0] : i32 from vector<1xi32>
      %and3A_1148 = arith.constant 127 : i32
      %and3A_1149 = arith.andi %squeeze3A_1147, %and3A_1148 : i32
      %broadcast_in_dim3A_1150 = vector.broadcast %and3A_1149 : i32 to vector<16xi32>
      %mul3A_1151 = arith.constant 16 : i32
      %mul3A_1152 = arith.muli %scan3A_372, %mul3A_1151 : i32
      %add3A_1153 = arith.constant 11 : i32
      %add3A_1154 = arith.addi %mul3A_1152, %add3A_1153 : i32
      %jit3A_1155 = arith.constant 128 : i32
      %eq3A_1156 = arith.constant 0 : i32
      %eq3A_1157 = arith.cmpi eq, %jit3A_1155, %eq3A_1156 : i32
      %jit3A_1158 = arith.constant 1 : i32
      %select_n3A_1159 = arith.select %eq3A_1157, %jit3A_1158, %jit3A_1155 : i32
      %rem3A_1160 = arith.remsi %add3A_1154, %select_n3A_1159 : i32
      %ne3A_1161 = arith.constant 0 : i32
      %ne3A_1162 = arith.cmpi ne, %rem3A_1160, %ne3A_1161 : i32
      %lt3A_1163 = arith.constant 0 : i32
      %lt3A_1164 = arith.cmpi slt, %rem3A_1160, %lt3A_1163 : i32
      %lt3A_1165 = arith.constant 0 : i32
      %lt3A_1166 = arith.cmpi slt, %select_n3A_1159, %lt3A_1165 : i32
      %ne3A_1167 = arith.xori %lt3A_1164, %lt3A_1166 : i1
      %and3A_1168 = arith.andi %ne3A_1167, %ne3A_1162 : i1
      %add3A_1169 = arith.addi %rem3A_1160, %select_n3A_1159 : i32
      %select_n3A_1170 = arith.select %and3A_1168, %add3A_1169, %rem3A_1160 : i32
      %broadcast_in_dim3A_1171 = vector.broadcast %select_n3A_1170 : i32 to vector<16xi32>
      %gather3A_1172 = arith.constant 11 : i32
      %gather3A_1173 = arith.constant 0 : i32
      %gather3A_1174 = arith.constant 0 : i32
      %gather3A_1175 = tpu.memref_slice %arg6[%gather3A_1172, %gather3A_1173, %gather3A_1174] : memref<16x32x128xf32, #tpu.memory_space<vmem>> -> memref<1x32x128xf32, #tpu.memory_space<vmem>>
      %gather3A_1176 = tpu.memref_squeeze %gather3A_1175 : memref<1x32x128xf32, #tpu.memory_space<vmem>> -> memref<32x128xf32, #tpu.memory_space<vmem>>
      %gather3A_1177 = tpu.vector_load_idx %gather3A_1176[%iota3A, %broadcast_in_dim3A_1150] : memref<32x128xf32, #tpu.memory_space<vmem>>[vector<16xi32>, vector<16xi32>], vector<16xf32>,
      %add3A_1178 = arith.constant 16 : i32
      %add3A_1179 = vector.broadcast %add3A_1178 : i32 to vector<16xi32>
      %add3A_1180 = arith.addi %iota3A, %add3A_1179 : vector<16xi32>
      %gather3A_1181 = arith.constant 11 : i32
      %gather3A_1182 = arith.constant 0 : i32
      %gather3A_1183 = arith.constant 0 : i32
      %gather3A_1184 = tpu.memref_slice %arg6[%gather3A_1181, %gather3A_1182, %gather3A_1183] : memref<16x32x128xf32, #tpu.memory_space<vmem>> -> memref<1x32x128xf32, #tpu.memory_space<vmem>>
      %gather3A_1185 = tpu.memref_squeeze %gather3A_1184 : memref<1x32x128xf32, #tpu.memory_space<vmem>> -> memref<32x128xf32, #tpu.memory_space<vmem>>
      %gather3A_1186 = tpu.vector_load_idx %gather3A_1185[%add3A_1180, %broadcast_in_dim3A_1150] : memref<32x128xf32, #tpu.memory_space<vmem>>[vector<16xi32>, vector<16xi32>], vector<16xf32>,
      tpu.vector_store_idx %arg7[%iota3A, %broadcast_in_dim3A_1171], %gather3A_1177 : memref<32x128xf32, #tpu.memory_space<vmem>>[vector<16xi32>, vector<16xi32>], vector<16xf32>,
      %add3A_1187 = arith.constant 16 : i32
      %add3A_1188 = vector.broadcast %add3A_1187 : i32 to vector<16xi32>
      %add3A_1189 = arith.addi %iota3A, %add3A_1188 : vector<16xi32>
      tpu.vector_store_idx %arg7[%add3A_1189, %broadcast_in_dim3A_1171], %gather3A_1186 : memref<32x128xf32, #tpu.memory_space<vmem>>[vector<16xi32>, vector<16xi32>], vector<16xf32>,
      %add3A_1190 = arith.constant 1 : i32
      %add3A_1191 = arith.addi %scan3A_372, %add3A_1190 : i32
      %lt3A_1192 = arith.constant 32 : i32
      %lt3A_1193 = arith.cmpi slt, %add3A_1191, %lt3A_1192 : i32
      %convert_element_type3A_1194 = arith.extui %lt3A_1193 : i1 to i32
      %cond3A_1195 = arith.constant 0 : i32
      %cond3A_1196 = arith.cmpi ne, %convert_element_type3A_1194, %cond3A_1195 : i32
      scf.if %cond3A_1196 {
        %slice3A_1496 = vector.extract_strided_slice %get3A_380 {offsets = [11], sizes = [1], strides = [1]} : vector<16xi32> to vector<1xi32>
        %squeeze3A_1497 = vector.extract %slice3A_1496[0] : i32 from vector<1xi32>
        %shift_right_arithmetic3A_1498 = arith.constant 7 : i32
        %shift_right_arithmetic3A_1499 = arith.shrsi %squeeze3A_1497, %shift_right_arithmetic3A_1498 : i32
        %mul3A_1500 = arith.constant 128 : i32
        %mul3A_1501 = arith.muli %shift_right_arithmetic3A_1499, %mul3A_1500 : i32
        %multiple_of3A_1502 = tpu.assume_multiple %mul3A_1501, 128 : i32
        %dma_start3A_1503 = arith.constant 11 : i32
        %dma_start3A_1504 = arith.constant 11 : i32
        %dma_start3A_1505 = arith.constant 0 : i32
        %dma_start3A_1506 = arith.constant 0 : i32
        %dma_start3A_1507 = tpu.memref_slice %arg6[%dma_start3A_1503, %dma_start3A_1505, %dma_start3A_1506] : memref<16x32x128xf32, #tpu.memory_space<vmem>> -> memref<1x32x128xf32, #tpu.memory_space<vmem>>
        %dma_start3A_1508 = tpu.memref_squeeze %dma_start3A_1507 : memref<1x32x128xf32, #tpu.memory_space<vmem>> -> memref<32x128xf32, #tpu.memory_space<vmem>>
        %dma_start3A_1509 = arith.constant 0 : i32
        %dma_start3A_1510 = tpu.memref_slice %arg2[%dma_start3A_1509, %multiple_of3A_1502] : memref<32x1000000xf32, #tpu.memory_space<hbm>> -> memref<32x128xf32, #tpu.memory_space<hbm>>
        %dma_start3A_1511 = tpu.memref_slice %arg8[%dma_start3A_1504] : memref<16x!tpu.dma_semaphore, #tpu.memory_space<semaphore_mem>> -> memref<1x!tpu.dma_semaphore, #tpu.memory_space<semaphore_mem>>
        %dma_start3A_1512 = tpu.memref_squeeze %dma_start3A_1511 : memref<1x!tpu.dma_semaphore, #tpu.memory_space<semaphore_mem>> -> memref<!tpu.dma_semaphore, #tpu.memory_space<semaphore_mem>>
        %dma_start3A_1513 = arith.constant 0 : i32
        %dma_start3A_1514 = arith.constant 0 : i32
        %dma_start3A_1515 = tpu.memref_slice %arg6[%dma_start3A_1503, %dma_start3A_1513, %dma_start3A_1514] : memref<16x32x128xf32, #tpu.memory_space<vmem>> -> memref<1x32x128xf32, #tpu.memory_space<vmem>>
        %dma_start3A_1516 = tpu.memref_squeeze %dma_start3A_1515 : memref<1x32x128xf32, #tpu.memory_space<vmem>> -> memref<32x128xf32, #tpu.memory_space<vmem>>
        %dma_start3A_1517 = arith.constant 0 : i32
        %dma_start3A_1518 = tpu.memref_slice %arg2[%dma_start3A_1517, %multiple_of3A_1502] : memref<32x1000000xf32, #tpu.memory_space<hbm>> -> memref<32x128xf32, #tpu.memory_space<hbm>>
        tpu.enqueue_dma source(%dma_start3A_1518 : memref<32x128xf32, #tpu.memory_space<hbm>>) target(%dma_start3A_1516 : memref<32x128xf32, #tpu.memory_space<vmem>>) target_semaphore(%dma_start3A_1512 : memref<!tpu.dma_semaphore, #tpu.memory_space<semaphore_mem>>)
      } else {
      }
      %dma_wait3A_1197 = arith.constant 12 : i32
      %dma_wait3A_1198 = arith.constant 12 : i32
      %dma_wait3A_1199 = arith.constant 0 : i32
      %dma_wait3A_1200 = arith.constant 0 : i32
      %dma_wait3A_1201 = tpu.memref_slice %arg6[%dma_wait3A_1197, %dma_wait3A_1199, %dma_wait3A_1200] : memref<16x32x128xf32, #tpu.memory_space<vmem>> -> memref<1x32x128xf32, #tpu.memory_space<vmem>>
      %dma_wait3A_1202 = tpu.memref_squeeze %dma_wait3A_1201 : memref<1x32x128xf32, #tpu.memory_space<vmem>> -> memref<32x128xf32, #tpu.memory_space<vmem>>
      %dma_wait3A_1203 = arith.constant 0 : i32
      %dma_wait3A_1204 = arith.constant 0 : i32
      %dma_wait3A_1205 = tpu.memref_slice %arg2[%dma_wait3A_1203, %dma_wait3A_1204] : memref<32x1000000xf32, #tpu.memory_space<hbm>> -> memref<32x128xf32, #tpu.memory_space<hbm>>
      %dma_wait3A_1206 = tpu.memref_slice %arg8[%dma_wait3A_1198] : memref<16x!tpu.dma_semaphore, #tpu.memory_space<semaphore_mem>> -> memref<1x!tpu.dma_semaphore, #tpu.memory_space<semaphore_mem>>
      %dma_wait3A_1207 = tpu.memref_squeeze %dma_wait3A_1206 : memref<1x!tpu.dma_semaphore, #tpu.memory_space<semaphore_mem>> -> memref<!tpu.dma_semaphore, #tpu.memory_space<semaphore_mem>>
      %dma_wait3A_1208 = arith.constant 0 : i32
      %dma_wait3A_1209 = arith.constant 0 : i32
      %dma_wait3A_1210 = tpu.memref_slice %arg6[%dma_wait3A_1197, %dma_wait3A_1208, %dma_wait3A_1209] : memref<16x32x128xf32, #tpu.memory_space<vmem>> -> memref<1x32x128xf32, #tpu.memory_space<vmem>>
      %dma_wait3A_1211 = tpu.memref_squeeze %dma_wait3A_1210 : memref<1x32x128xf32, #tpu.memory_space<vmem>> -> memref<32x128xf32, #tpu.memory_space<vmem>>
      %dma_wait3A_1212 = arith.constant 0 : i32
      %dma_wait3A_1213 = arith.constant 0 : i32
      %dma_wait3A_1214 = tpu.memref_slice %arg2[%dma_wait3A_1212, %dma_wait3A_1213] : memref<32x1000000xf32, #tpu.memory_space<hbm>> -> memref<32x128xf32, #tpu.memory_space<hbm>>
      tpu.wait_dma2 semaphore(%dma_wait3A_1207 : memref<!tpu.dma_semaphore, #tpu.memory_space<semaphore_mem>>) src(%dma_wait3A_1214 : memref<32x128xf32, #tpu.memory_space<hbm>>) dst(%dma_wait3A_1211 : memref<32x128xf32, #tpu.memory_space<vmem>>)
      %slice3A_1215 = vector.extract_strided_slice %scan3A_373 {offsets = [12], sizes = [1], strides = [1]} : vector<16xi32> to vector<1xi32>
      %squeeze3A_1216 = vector.extract %slice3A_1215[0] : i32 from vector<1xi32>
      %and3A_1217 = arith.constant 127 : i32
      %and3A_1218 = arith.andi %squeeze3A_1216, %and3A_1217 : i32
      %broadcast_in_dim3A_1219 = vector.broadcast %and3A_1218 : i32 to vector<16xi32>
      %mul3A_1220 = arith.constant 16 : i32
      %mul3A_1221 = arith.muli %scan3A_372, %mul3A_1220 : i32
      %add3A_1222 = arith.constant 12 : i32
      %add3A_1223 = arith.addi %mul3A_1221, %add3A_1222 : i32
      %jit3A_1224 = arith.constant 128 : i32
      %eq3A_1225 = arith.constant 0 : i32
      %eq3A_1226 = arith.cmpi eq, %jit3A_1224, %eq3A_1225 : i32
      %jit3A_1227 = arith.constant 1 : i32
      %select_n3A_1228 = arith.select %eq3A_1226, %jit3A_1227, %jit3A_1224 : i32
      %rem3A_1229 = arith.remsi %add3A_1223, %select_n3A_1228 : i32
      %ne3A_1230 = arith.constant 0 : i32
      %ne3A_1231 = arith.cmpi ne, %rem3A_1229, %ne3A_1230 : i32
      %lt3A_1232 = arith.constant 0 : i32
      %lt3A_1233 = arith.cmpi slt, %rem3A_1229, %lt3A_1232 : i32
      %lt3A_1234 = arith.constant 0 : i32
      %lt3A_1235 = arith.cmpi slt, %select_n3A_1228, %lt3A_1234 : i32
      %ne3A_1236 = arith.xori %lt3A_1233, %lt3A_1235 : i1
      %and3A_1237 = arith.andi %ne3A_1236, %ne3A_1231 : i1
      %add3A_1238 = arith.addi %rem3A_1229, %select_n3A_1228 : i32
      %select_n3A_1239 = arith.select %and3A_1237, %add3A_1238, %rem3A_1229 : i32
      %broadcast_in_dim3A_1240 = vector.broadcast %select_n3A_1239 : i32 to vector<16xi32>
      %gather3A_1241 = arith.constant 12 : i32
      %gather3A_1242 = arith.constant 0 : i32
      %gather3A_1243 = arith.constant 0 : i32
      %gather3A_1244 = tpu.memref_slice %arg6[%gather3A_1241, %gather3A_1242, %gather3A_1243] : memref<16x32x128xf32, #tpu.memory_space<vmem>> -> memref<1x32x128xf32, #tpu.memory_space<vmem>>
      %gather3A_1245 = tpu.memref_squeeze %gather3A_1244 : memref<1x32x128xf32, #tpu.memory_space<vmem>> -> memref<32x128xf32, #tpu.memory_space<vmem>>
      %gather3A_1246 = tpu.vector_load_idx %gather3A_1245[%iota3A, %broadcast_in_dim3A_1219] : memref<32x128xf32, #tpu.memory_space<vmem>>[vector<16xi32>, vector<16xi32>], vector<16xf32>,
      %add3A_1247 = arith.constant 16 : i32
      %add3A_1248 = vector.broadcast %add3A_1247 : i32 to vector<16xi32>
      %add3A_1249 = arith.addi %iota3A, %add3A_1248 : vector<16xi32>
      %gather3A_1250 = arith.constant 12 : i32
      %gather3A_1251 = arith.constant 0 : i32
      %gather3A_1252 = arith.constant 0 : i32
      %gather3A_1253 = tpu.memref_slice %arg6[%gather3A_1250, %gather3A_1251, %gather3A_1252] : memref<16x32x128xf32, #tpu.memory_space<vmem>> -> memref<1x32x128xf32, #tpu.memory_space<vmem>>
      %gather3A_1254 = tpu.memref_squeeze %gather3A_1253 : memref<1x32x128xf32, #tpu.memory_space<vmem>> -> memref<32x128xf32, #tpu.memory_space<vmem>>
      %gather3A_1255 = tpu.vector_load_idx %gather3A_1254[%add3A_1249, %broadcast_in_dim3A_1219] : memref<32x128xf32, #tpu.memory_space<vmem>>[vector<16xi32>, vector<16xi32>], vector<16xf32>,
      tpu.vector_store_idx %arg7[%iota3A, %broadcast_in_dim3A_1240], %gather3A_1246 : memref<32x128xf32, #tpu.memory_space<vmem>>[vector<16xi32>, vector<16xi32>], vector<16xf32>,
      %add3A_1256 = arith.constant 16 : i32
      %add3A_1257 = vector.broadcast %add3A_1256 : i32 to vector<16xi32>
      %add3A_1258 = arith.addi %iota3A, %add3A_1257 : vector<16xi32>
      tpu.vector_store_idx %arg7[%add3A_1258, %broadcast_in_dim3A_1240], %gather3A_1255 : memref<32x128xf32, #tpu.memory_space<vmem>>[vector<16xi32>, vector<16xi32>], vector<16xf32>,
      %add3A_1259 = arith.constant 1 : i32
      %add3A_1260 = arith.addi %scan3A_372, %add3A_1259 : i32
      %lt3A_1261 = arith.constant 32 : i32
      %lt3A_1262 = arith.cmpi slt, %add3A_1260, %lt3A_1261 : i32
      %convert_element_type3A_1263 = arith.extui %lt3A_1262 : i1 to i32
      %cond3A_1264 = arith.constant 0 : i32
      %cond3A_1265 = arith.cmpi ne, %convert_element_type3A_1263, %cond3A_1264 : i32
      scf.if %cond3A_1265 {
        %slice3A_1496 = vector.extract_strided_slice %get3A_380 {offsets = [12], sizes = [1], strides = [1]} : vector<16xi32> to vector<1xi32>
        %squeeze3A_1497 = vector.extract %slice3A_1496[0] : i32 from vector<1xi32>
        %shift_right_arithmetic3A_1498 = arith.constant 7 : i32
        %shift_right_arithmetic3A_1499 = arith.shrsi %squeeze3A_1497, %shift_right_arithmetic3A_1498 : i32
        %mul3A_1500 = arith.constant 128 : i32
        %mul3A_1501 = arith.muli %shift_right_arithmetic3A_1499, %mul3A_1500 : i32
        %multiple_of3A_1502 = tpu.assume_multiple %mul3A_1501, 128 : i32
        %dma_start3A_1503 = arith.constant 12 : i32
        %dma_start3A_1504 = arith.constant 12 : i32
        %dma_start3A_1505 = arith.constant 0 : i32
        %dma_start3A_1506 = arith.constant 0 : i32
        %dma_start3A_1507 = tpu.memref_slice %arg6[%dma_start3A_1503, %dma_start3A_1505, %dma_start3A_1506] : memref<16x32x128xf32, #tpu.memory_space<vmem>> -> memref<1x32x128xf32, #tpu.memory_space<vmem>>
        %dma_start3A_1508 = tpu.memref_squeeze %dma_start3A_1507 : memref<1x32x128xf32, #tpu.memory_space<vmem>> -> memref<32x128xf32, #tpu.memory_space<vmem>>
        %dma_start3A_1509 = arith.constant 0 : i32
        %dma_start3A_1510 = tpu.memref_slice %arg2[%dma_start3A_1509, %multiple_of3A_1502] : memref<32x1000000xf32, #tpu.memory_space<hbm>> -> memref<32x128xf32, #tpu.memory_space<hbm>>
        %dma_start3A_1511 = tpu.memref_slice %arg8[%dma_start3A_1504] : memref<16x!tpu.dma_semaphore, #tpu.memory_space<semaphore_mem>> -> memref<1x!tpu.dma_semaphore, #tpu.memory_space<semaphore_mem>>
        %dma_start3A_1512 = tpu.memref_squeeze %dma_start3A_1511 : memref<1x!tpu.dma_semaphore, #tpu.memory_space<semaphore_mem>> -> memref<!tpu.dma_semaphore, #tpu.memory_space<semaphore_mem>>
        %dma_start3A_1513 = arith.constant 0 : i32
        %dma_start3A_1514 = arith.constant 0 : i32
        %dma_start3A_1515 = tpu.memref_slice %arg6[%dma_start3A_1503, %dma_start3A_1513, %dma_start3A_1514] : memref<16x32x128xf32, #tpu.memory_space<vmem>> -> memref<1x32x128xf32, #tpu.memory_space<vmem>>
        %dma_start3A_1516 = tpu.memref_squeeze %dma_start3A_1515 : memref<1x32x128xf32, #tpu.memory_space<vmem>> -> memref<32x128xf32, #tpu.memory_space<vmem>>
        %dma_start3A_1517 = arith.constant 0 : i32
        %dma_start3A_1518 = tpu.memref_slice %arg2[%dma_start3A_1517, %multiple_of3A_1502] : memref<32x1000000xf32, #tpu.memory_space<hbm>> -> memref<32x128xf32, #tpu.memory_space<hbm>>
        tpu.enqueue_dma source(%dma_start3A_1518 : memref<32x128xf32, #tpu.memory_space<hbm>>) target(%dma_start3A_1516 : memref<32x128xf32, #tpu.memory_space<vmem>>) target_semaphore(%dma_start3A_1512 : memref<!tpu.dma_semaphore, #tpu.memory_space<semaphore_mem>>)
      } else {
      }
      %dma_wait3A_1266 = arith.constant 13 : i32
      %dma_wait3A_1267 = arith.constant 13 : i32
      %dma_wait3A_1268 = arith.constant 0 : i32
      %dma_wait3A_1269 = arith.constant 0 : i32
      %dma_wait3A_1270 = tpu.memref_slice %arg6[%dma_wait3A_1266, %dma_wait3A_1268, %dma_wait3A_1269] : memref<16x32x128xf32, #tpu.memory_space<vmem>> -> memref<1x32x128xf32, #tpu.memory_space<vmem>>
      %dma_wait3A_1271 = tpu.memref_squeeze %dma_wait3A_1270 : memref<1x32x128xf32, #tpu.memory_space<vmem>> -> memref<32x128xf32, #tpu.memory_space<vmem>>
      %dma_wait3A_1272 = arith.constant 0 : i32
      %dma_wait3A_1273 = arith.constant 0 : i32
      %dma_wait3A_1274 = tpu.memref_slice %arg2[%dma_wait3A_1272, %dma_wait3A_1273] : memref<32x1000000xf32, #tpu.memory_space<hbm>> -> memref<32x128xf32, #tpu.memory_space<hbm>>
      %dma_wait3A_1275 = tpu.memref_slice %arg8[%dma_wait3A_1267] : memref<16x!tpu.dma_semaphore, #tpu.memory_space<semaphore_mem>> -> memref<1x!tpu.dma_semaphore, #tpu.memory_space<semaphore_mem>>
      %dma_wait3A_1276 = tpu.memref_squeeze %dma_wait3A_1275 : memref<1x!tpu.dma_semaphore, #tpu.memory_space<semaphore_mem>> -> memref<!tpu.dma_semaphore, #tpu.memory_space<semaphore_mem>>
      %dma_wait3A_1277 = arith.constant 0 : i32
      %dma_wait3A_1278 = arith.constant 0 : i32
      %dma_wait3A_1279 = tpu.memref_slice %arg6[%dma_wait3A_1266, %dma_wait3A_1277, %dma_wait3A_1278] : memref<16x32x128xf32, #tpu.memory_space<vmem>> -> memref<1x32x128xf32, #tpu.memory_space<vmem>>
      %dma_wait3A_1280 = tpu.memref_squeeze %dma_wait3A_1279 : memref<1x32x128xf32, #tpu.memory_space<vmem>> -> memref<32x128xf32, #tpu.memory_space<vmem>>
      %dma_wait3A_1281 = arith.constant 0 : i32
      %dma_wait3A_1282 = arith.constant 0 : i32
      %dma_wait3A_1283 = tpu.memref_slice %arg2[%dma_wait3A_1281, %dma_wait3A_1282] : memref<32x1000000xf32, #tpu.memory_space<hbm>> -> memref<32x128xf32, #tpu.memory_space<hbm>>
      tpu.wait_dma2 semaphore(%dma_wait3A_1276 : memref<!tpu.dma_semaphore, #tpu.memory_space<semaphore_mem>>) src(%dma_wait3A_1283 : memref<32x128xf32, #tpu.memory_space<hbm>>) dst(%dma_wait3A_1280 : memref<32x128xf32, #tpu.memory_space<vmem>>)
      %slice3A_1284 = vector.extract_strided_slice %scan3A_373 {offsets = [13], sizes = [1], strides = [1]} : vector<16xi32> to vector<1xi32>
      %squeeze3A_1285 = vector.extract %slice3A_1284[0] : i32 from vector<1xi32>
      %and3A_1286 = arith.constant 127 : i32
      %and3A_1287 = arith.andi %squeeze3A_1285, %and3A_1286 : i32
      %broadcast_in_dim3A_1288 = vector.broadcast %and3A_1287 : i32 to vector<16xi32>
      %mul3A_1289 = arith.constant 16 : i32
      %mul3A_1290 = arith.muli %scan3A_372, %mul3A_1289 : i32
      %add3A_1291 = arith.constant 13 : i32
      %add3A_1292 = arith.addi %mul3A_1290, %add3A_1291 : i32
      %jit3A_1293 = arith.constant 128 : i32
      %eq3A_1294 = arith.constant 0 : i32
      %eq3A_1295 = arith.cmpi eq, %jit3A_1293, %eq3A_1294 : i32
      %jit3A_1296 = arith.constant 1 : i32
      %select_n3A_1297 = arith.select %eq3A_1295, %jit3A_1296, %jit3A_1293 : i32
      %rem3A_1298 = arith.remsi %add3A_1292, %select_n3A_1297 : i32
      %ne3A_1299 = arith.constant 0 : i32
      %ne3A_1300 = arith.cmpi ne, %rem3A_1298, %ne3A_1299 : i32
      %lt3A_1301 = arith.constant 0 : i32
      %lt3A_1302 = arith.cmpi slt, %rem3A_1298, %lt3A_1301 : i32
      %lt3A_1303 = arith.constant 0 : i32
      %lt3A_1304 = arith.cmpi slt, %select_n3A_1297, %lt3A_1303 : i32
      %ne3A_1305 = arith.xori %lt3A_1302, %lt3A_1304 : i1
      %and3A_1306 = arith.andi %ne3A_1305, %ne3A_1300 : i1
      %add3A_1307 = arith.addi %rem3A_1298, %select_n3A_1297 : i32
      %select_n3A_1308 = arith.select %and3A_1306, %add3A_1307, %rem3A_1298 : i32
      %broadcast_in_dim3A_1309 = vector.broadcast %select_n3A_1308 : i32 to vector<16xi32>
      %gather3A_1310 = arith.constant 13 : i32
      %gather3A_1311 = arith.constant 0 : i32
      %gather3A_1312 = arith.constant 0 : i32
      %gather3A_1313 = tpu.memref_slice %arg6[%gather3A_1310, %gather3A_1311, %gather3A_1312] : memref<16x32x128xf32, #tpu.memory_space<vmem>> -> memref<1x32x128xf32, #tpu.memory_space<vmem>>
      %gather3A_1314 = tpu.memref_squeeze %gather3A_1313 : memref<1x32x128xf32, #tpu.memory_space<vmem>> -> memref<32x128xf32, #tpu.memory_space<vmem>>
      %gather3A_1315 = tpu.vector_load_idx %gather3A_1314[%iota3A, %broadcast_in_dim3A_1288] : memref<32x128xf32, #tpu.memory_space<vmem>>[vector<16xi32>, vector<16xi32>], vector<16xf32>,
      %add3A_1316 = arith.constant 16 : i32
      %add3A_1317 = vector.broadcast %add3A_1316 : i32 to vector<16xi32>
      %add3A_1318 = arith.addi %iota3A, %add3A_1317 : vector<16xi32>
      %gather3A_1319 = arith.constant 13 : i32
      %gather3A_1320 = arith.constant 0 : i32
      %gather3A_1321 = arith.constant 0 : i32
      %gather3A_1322 = tpu.memref_slice %arg6[%gather3A_1319, %gather3A_1320, %gather3A_1321] : memref<16x32x128xf32, #tpu.memory_space<vmem>> -> memref<1x32x128xf32, #tpu.memory_space<vmem>>
      %gather3A_1323 = tpu.memref_squeeze %gather3A_1322 : memref<1x32x128xf32, #tpu.memory_space<vmem>> -> memref<32x128xf32, #tpu.memory_space<vmem>>
      %gather3A_1324 = tpu.vector_load_idx %gather3A_1323[%add3A_1318, %broadcast_in_dim3A_1288] : memref<32x128xf32, #tpu.memory_space<vmem>>[vector<16xi32>, vector<16xi32>], vector<16xf32>,
      tpu.vector_store_idx %arg7[%iota3A, %broadcast_in_dim3A_1309], %gather3A_1315 : memref<32x128xf32, #tpu.memory_space<vmem>>[vector<16xi32>, vector<16xi32>], vector<16xf32>,
      %add3A_1325 = arith.constant 16 : i32
      %add3A_1326 = vector.broadcast %add3A_1325 : i32 to vector<16xi32>
      %add3A_1327 = arith.addi %iota3A, %add3A_1326 : vector<16xi32>
      tpu.vector_store_idx %arg7[%add3A_1327, %broadcast_in_dim3A_1309], %gather3A_1324 : memref<32x128xf32, #tpu.memory_space<vmem>>[vector<16xi32>, vector<16xi32>], vector<16xf32>,
      %add3A_1328 = arith.constant 1 : i32
      %add3A_1329 = arith.addi %scan3A_372, %add3A_1328 : i32
      %lt3A_1330 = arith.constant 32 : i32
      %lt3A_1331 = arith.cmpi slt, %add3A_1329, %lt3A_1330 : i32
      %convert_element_type3A_1332 = arith.extui %lt3A_1331 : i1 to i32
      %cond3A_1333 = arith.constant 0 : i32
      %cond3A_1334 = arith.cmpi ne, %convert_element_type3A_1332, %cond3A_1333 : i32
      scf.if %cond3A_1334 {
        %slice3A_1496 = vector.extract_strided_slice %get3A_380 {offsets = [13], sizes = [1], strides = [1]} : vector<16xi32> to vector<1xi32>
        %squeeze3A_1497 = vector.extract %slice3A_1496[0] : i32 from vector<1xi32>
        %shift_right_arithmetic3A_1498 = arith.constant 7 : i32
        %shift_right_arithmetic3A_1499 = arith.shrsi %squeeze3A_1497, %shift_right_arithmetic3A_1498 : i32
        %mul3A_1500 = arith.constant 128 : i32
        %mul3A_1501 = arith.muli %shift_right_arithmetic3A_1499, %mul3A_1500 : i32
        %multiple_of3A_1502 = tpu.assume_multiple %mul3A_1501, 128 : i32
        %dma_start3A_1503 = arith.constant 13 : i32
        %dma_start3A_1504 = arith.constant 13 : i32
        %dma_start3A_1505 = arith.constant 0 : i32
        %dma_start3A_1506 = arith.constant 0 : i32
        %dma_start3A_1507 = tpu.memref_slice %arg6[%dma_start3A_1503, %dma_start3A_1505, %dma_start3A_1506] : memref<16x32x128xf32, #tpu.memory_space<vmem>> -> memref<1x32x128xf32, #tpu.memory_space<vmem>>
        %dma_start3A_1508 = tpu.memref_squeeze %dma_start3A_1507 : memref<1x32x128xf32, #tpu.memory_space<vmem>> -> memref<32x128xf32, #tpu.memory_space<vmem>>
        %dma_start3A_1509 = arith.constant 0 : i32
        %dma_start3A_1510 = tpu.memref_slice %arg2[%dma_start3A_1509, %multiple_of3A_1502] : memref<32x1000000xf32, #tpu.memory_space<hbm>> -> memref<32x128xf32, #tpu.memory_space<hbm>>
        %dma_start3A_1511 = tpu.memref_slice %arg8[%dma_start3A_1504] : memref<16x!tpu.dma_semaphore, #tpu.memory_space<semaphore_mem>> -> memref<1x!tpu.dma_semaphore, #tpu.memory_space<semaphore_mem>>
        %dma_start3A_1512 = tpu.memref_squeeze %dma_start3A_1511 : memref<1x!tpu.dma_semaphore, #tpu.memory_space<semaphore_mem>> -> memref<!tpu.dma_semaphore, #tpu.memory_space<semaphore_mem>>
        %dma_start3A_1513 = arith.constant 0 : i32
        %dma_start3A_1514 = arith.constant 0 : i32
        %dma_start3A_1515 = tpu.memref_slice %arg6[%dma_start3A_1503, %dma_start3A_1513, %dma_start3A_1514] : memref<16x32x128xf32, #tpu.memory_space<vmem>> -> memref<1x32x128xf32, #tpu.memory_space<vmem>>
        %dma_start3A_1516 = tpu.memref_squeeze %dma_start3A_1515 : memref<1x32x128xf32, #tpu.memory_space<vmem>> -> memref<32x128xf32, #tpu.memory_space<vmem>>
        %dma_start3A_1517 = arith.constant 0 : i32
        %dma_start3A_1518 = tpu.memref_slice %arg2[%dma_start3A_1517, %multiple_of3A_1502] : memref<32x1000000xf32, #tpu.memory_space<hbm>> -> memref<32x128xf32, #tpu.memory_space<hbm>>
        tpu.enqueue_dma source(%dma_start3A_1518 : memref<32x128xf32, #tpu.memory_space<hbm>>) target(%dma_start3A_1516 : memref<32x128xf32, #tpu.memory_space<vmem>>) target_semaphore(%dma_start3A_1512 : memref<!tpu.dma_semaphore, #tpu.memory_space<semaphore_mem>>)
      } else {
      }
      %dma_wait3A_1335 = arith.constant 14 : i32
      %dma_wait3A_1336 = arith.constant 14 : i32
      %dma_wait3A_1337 = arith.constant 0 : i32
      %dma_wait3A_1338 = arith.constant 0 : i32
      %dma_wait3A_1339 = tpu.memref_slice %arg6[%dma_wait3A_1335, %dma_wait3A_1337, %dma_wait3A_1338] : memref<16x32x128xf32, #tpu.memory_space<vmem>> -> memref<1x32x128xf32, #tpu.memory_space<vmem>>
      %dma_wait3A_1340 = tpu.memref_squeeze %dma_wait3A_1339 : memref<1x32x128xf32, #tpu.memory_space<vmem>> -> memref<32x128xf32, #tpu.memory_space<vmem>>
      %dma_wait3A_1341 = arith.constant 0 : i32
      %dma_wait3A_1342 = arith.constant 0 : i32
      %dma_wait3A_1343 = tpu.memref_slice %arg2[%dma_wait3A_1341, %dma_wait3A_1342] : memref<32x1000000xf32, #tpu.memory_space<hbm>> -> memref<32x128xf32, #tpu.memory_space<hbm>>
      %dma_wait3A_1344 = tpu.memref_slice %arg8[%dma_wait3A_1336] : memref<16x!tpu.dma_semaphore, #tpu.memory_space<semaphore_mem>> -> memref<1x!tpu.dma_semaphore, #tpu.memory_space<semaphore_mem>>
      %dma_wait3A_1345 = tpu.memref_squeeze %dma_wait3A_1344 : memref<1x!tpu.dma_semaphore, #tpu.memory_space<semaphore_mem>> -> memref<!tpu.dma_semaphore, #tpu.memory_space<semaphore_mem>>
      %dma_wait3A_1346 = arith.constant 0 : i32
      %dma_wait3A_1347 = arith.constant 0 : i32
      %dma_wait3A_1348 = tpu.memref_slice %arg6[%dma_wait3A_1335, %dma_wait3A_1346, %dma_wait3A_1347] : memref<16x32x128xf32, #tpu.memory_space<vmem>> -> memref<1x32x128xf32, #tpu.memory_space<vmem>>
      %dma_wait3A_1349 = tpu.memref_squeeze %dma_wait3A_1348 : memref<1x32x128xf32, #tpu.memory_space<vmem>> -> memref<32x128xf32, #tpu.memory_space<vmem>>
      %dma_wait3A_1350 = arith.constant 0 : i32
      %dma_wait3A_1351 = arith.constant 0 : i32
      %dma_wait3A_1352 = tpu.memref_slice %arg2[%dma_wait3A_1350, %dma_wait3A_1351] : memref<32x1000000xf32, #tpu.memory_space<hbm>> -> memref<32x128xf32, #tpu.memory_space<hbm>>
      tpu.wait_dma2 semaphore(%dma_wait3A_1345 : memref<!tpu.dma_semaphore, #tpu.memory_space<semaphore_mem>>) src(%dma_wait3A_1352 : memref<32x128xf32, #tpu.memory_space<hbm>>) dst(%dma_wait3A_1349 : memref<32x128xf32, #tpu.memory_space<vmem>>)
      %slice3A_1353 = vector.extract_strided_slice %scan3A_373 {offsets = [14], sizes = [1], strides = [1]} : vector<16xi32> to vector<1xi32>
      %squeeze3A_1354 = vector.extract %slice3A_1353[0] : i32 from vector<1xi32>
      %and3A_1355 = arith.constant 127 : i32
      %and3A_1356 = arith.andi %squeeze3A_1354, %and3A_1355 : i32
      %broadcast_in_dim3A_1357 = vector.broadcast %and3A_1356 : i32 to vector<16xi32>
      %mul3A_1358 = arith.constant 16 : i32
      %mul3A_1359 = arith.muli %scan3A_372, %mul3A_1358 : i32
      %add3A_1360 = arith.constant 14 : i32
      %add3A_1361 = arith.addi %mul3A_1359, %add3A_1360 : i32
      %jit3A_1362 = arith.constant 128 : i32
      %eq3A_1363 = arith.constant 0 : i32
      %eq3A_1364 = arith.cmpi eq, %jit3A_1362, %eq3A_1363 : i32
      %jit3A_1365 = arith.constant 1 : i32
      %select_n3A_1366 = arith.select %eq3A_1364, %jit3A_1365, %jit3A_1362 : i32
      %rem3A_1367 = arith.remsi %add3A_1361, %select_n3A_1366 : i32
      %ne3A_1368 = arith.constant 0 : i32
      %ne3A_1369 = arith.cmpi ne, %rem3A_1367, %ne3A_1368 : i32
      %lt3A_1370 = arith.constant 0 : i32
      %lt3A_1371 = arith.cmpi slt, %rem3A_1367, %lt3A_1370 : i32
      %lt3A_1372 = arith.constant 0 : i32
      %lt3A_1373 = arith.cmpi slt, %select_n3A_1366, %lt3A_1372 : i32
      %ne3A_1374 = arith.xori %lt3A_1371, %lt3A_1373 : i1
      %and3A_1375 = arith.andi %ne3A_1374, %ne3A_1369 : i1
      %add3A_1376 = arith.addi %rem3A_1367, %select_n3A_1366 : i32
      %select_n3A_1377 = arith.select %and3A_1375, %add3A_1376, %rem3A_1367 : i32
      %broadcast_in_dim3A_1378 = vector.broadcast %select_n3A_1377 : i32 to vector<16xi32>
      %gather3A_1379 = arith.constant 14 : i32
      %gather3A_1380 = arith.constant 0 : i32
      %gather3A_1381 = arith.constant 0 : i32
      %gather3A_1382 = tpu.memref_slice %arg6[%gather3A_1379, %gather3A_1380, %gather3A_1381] : memref<16x32x128xf32, #tpu.memory_space<vmem>> -> memref<1x32x128xf32, #tpu.memory_space<vmem>>
      %gather3A_1383 = tpu.memref_squeeze %gather3A_1382 : memref<1x32x128xf32, #tpu.memory_space<vmem>> -> memref<32x128xf32, #tpu.memory_space<vmem>>
      %gather3A_1384 = tpu.vector_load_idx %gather3A_1383[%iota3A, %broadcast_in_dim3A_1357] : memref<32x128xf32, #tpu.memory_space<vmem>>[vector<16xi32>, vector<16xi32>], vector<16xf32>,
      %add3A_1385 = arith.constant 16 : i32
      %add3A_1386 = vector.broadcast %add3A_1385 : i32 to vector<16xi32>
      %add3A_1387 = arith.addi %iota3A, %add3A_1386 : vector<16xi32>
      %gather3A_1388 = arith.constant 14 : i32
      %gather3A_1389 = arith.constant 0 : i32
      %gather3A_1390 = arith.constant 0 : i32
      %gather3A_1391 = tpu.memref_slice %arg6[%gather3A_1388, %gather3A_1389, %gather3A_1390] : memref<16x32x128xf32, #tpu.memory_space<vmem>> -> memref<1x32x128xf32, #tpu.memory_space<vmem>>
      %gather3A_1392 = tpu.memref_squeeze %gather3A_1391 : memref<1x32x128xf32, #tpu.memory_space<vmem>> -> memref<32x128xf32, #tpu.memory_space<vmem>>
      %gather3A_1393 = tpu.vector_load_idx %gather3A_1392[%add3A_1387, %broadcast_in_dim3A_1357] : memref<32x128xf32, #tpu.memory_space<vmem>>[vector<16xi32>, vector<16xi32>], vector<16xf32>,
      tpu.vector_store_idx %arg7[%iota3A, %broadcast_in_dim3A_1378], %gather3A_1384 : memref<32x128xf32, #tpu.memory_space<vmem>>[vector<16xi32>, vector<16xi32>], vector<16xf32>,
      %add3A_1394 = arith.constant 16 : i32
      %add3A_1395 = vector.broadcast %add3A_1394 : i32 to vector<16xi32>
      %add3A_1396 = arith.addi %iota3A, %add3A_1395 : vector<16xi32>
      tpu.vector_store_idx %arg7[%add3A_1396, %broadcast_in_dim3A_1378], %gather3A_1393 : memref<32x128xf32, #tpu.memory_space<vmem>>[vector<16xi32>, vector<16xi32>], vector<16xf32>,
      %add3A_1397 = arith.constant 1 : i32
      %add3A_1398 = arith.addi %scan3A_372, %add3A_1397 : i32
      %lt3A_1399 = arith.constant 32 : i32
      %lt3A_1400 = arith.cmpi slt, %add3A_1398, %lt3A_1399 : i32
      %convert_element_type3A_1401 = arith.extui %lt3A_1400 : i1 to i32
      %cond3A_1402 = arith.constant 0 : i32
      %cond3A_1403 = arith.cmpi ne, %convert_element_type3A_1401, %cond3A_1402 : i32
      scf.if %cond3A_1403 {
        %slice3A_1496 = vector.extract_strided_slice %get3A_380 {offsets = [14], sizes = [1], strides = [1]} : vector<16xi32> to vector<1xi32>
        %squeeze3A_1497 = vector.extract %slice3A_1496[0] : i32 from vector<1xi32>
        %shift_right_arithmetic3A_1498 = arith.constant 7 : i32
        %shift_right_arithmetic3A_1499 = arith.shrsi %squeeze3A_1497, %shift_right_arithmetic3A_1498 : i32
        %mul3A_1500 = arith.constant 128 : i32
        %mul3A_1501 = arith.muli %shift_right_arithmetic3A_1499, %mul3A_1500 : i32
        %multiple_of3A_1502 = tpu.assume_multiple %mul3A_1501, 128 : i32
        %dma_start3A_1503 = arith.constant 14 : i32
        %dma_start3A_1504 = arith.constant 14 : i32
        %dma_start3A_1505 = arith.constant 0 : i32
        %dma_start3A_1506 = arith.constant 0 : i32
        %dma_start3A_1507 = tpu.memref_slice %arg6[%dma_start3A_1503, %dma_start3A_1505, %dma_start3A_1506] : memref<16x32x128xf32, #tpu.memory_space<vmem>> -> memref<1x32x128xf32, #tpu.memory_space<vmem>>
        %dma_start3A_1508 = tpu.memref_squeeze %dma_start3A_1507 : memref<1x32x128xf32, #tpu.memory_space<vmem>> -> memref<32x128xf32, #tpu.memory_space<vmem>>
        %dma_start3A_1509 = arith.constant 0 : i32
        %dma_start3A_1510 = tpu.memref_slice %arg2[%dma_start3A_1509, %multiple_of3A_1502] : memref<32x1000000xf32, #tpu.memory_space<hbm>> -> memref<32x128xf32, #tpu.memory_space<hbm>>
        %dma_start3A_1511 = tpu.memref_slice %arg8[%dma_start3A_1504] : memref<16x!tpu.dma_semaphore, #tpu.memory_space<semaphore_mem>> -> memref<1x!tpu.dma_semaphore, #tpu.memory_space<semaphore_mem>>
        %dma_start3A_1512 = tpu.memref_squeeze %dma_start3A_1511 : memref<1x!tpu.dma_semaphore, #tpu.memory_space<semaphore_mem>> -> memref<!tpu.dma_semaphore, #tpu.memory_space<semaphore_mem>>
        %dma_start3A_1513 = arith.constant 0 : i32
        %dma_start3A_1514 = arith.constant 0 : i32
        %dma_start3A_1515 = tpu.memref_slice %arg6[%dma_start3A_1503, %dma_start3A_1513, %dma_start3A_1514] : memref<16x32x128xf32, #tpu.memory_space<vmem>> -> memref<1x32x128xf32, #tpu.memory_space<vmem>>
        %dma_start3A_1516 = tpu.memref_squeeze %dma_start3A_1515 : memref<1x32x128xf32, #tpu.memory_space<vmem>> -> memref<32x128xf32, #tpu.memory_space<vmem>>
        %dma_start3A_1517 = arith.constant 0 : i32
        %dma_start3A_1518 = tpu.memref_slice %arg2[%dma_start3A_1517, %multiple_of3A_1502] : memref<32x1000000xf32, #tpu.memory_space<hbm>> -> memref<32x128xf32, #tpu.memory_space<hbm>>
        tpu.enqueue_dma source(%dma_start3A_1518 : memref<32x128xf32, #tpu.memory_space<hbm>>) target(%dma_start3A_1516 : memref<32x128xf32, #tpu.memory_space<vmem>>) target_semaphore(%dma_start3A_1512 : memref<!tpu.dma_semaphore, #tpu.memory_space<semaphore_mem>>)
      } else {
      }
      %dma_wait3A_1404 = arith.constant 15 : i32
      %dma_wait3A_1405 = arith.constant 15 : i32
      %dma_wait3A_1406 = arith.constant 0 : i32
      %dma_wait3A_1407 = arith.constant 0 : i32
      %dma_wait3A_1408 = tpu.memref_slice %arg6[%dma_wait3A_1404, %dma_wait3A_1406, %dma_wait3A_1407] : memref<16x32x128xf32, #tpu.memory_space<vmem>> -> memref<1x32x128xf32, #tpu.memory_space<vmem>>
      %dma_wait3A_1409 = tpu.memref_squeeze %dma_wait3A_1408 : memref<1x32x128xf32, #tpu.memory_space<vmem>> -> memref<32x128xf32, #tpu.memory_space<vmem>>
      %dma_wait3A_1410 = arith.constant 0 : i32
      %dma_wait3A_1411 = arith.constant 0 : i32
      %dma_wait3A_1412 = tpu.memref_slice %arg2[%dma_wait3A_1410, %dma_wait3A_1411] : memref<32x1000000xf32, #tpu.memory_space<hbm>> -> memref<32x128xf32, #tpu.memory_space<hbm>>
      %dma_wait3A_1413 = tpu.memref_slice %arg8[%dma_wait3A_1405] : memref<16x!tpu.dma_semaphore, #tpu.memory_space<semaphore_mem>> -> memref<1x!tpu.dma_semaphore, #tpu.memory_space<semaphore_mem>>
      %dma_wait3A_1414 = tpu.memref_squeeze %dma_wait3A_1413 : memref<1x!tpu.dma_semaphore, #tpu.memory_space<semaphore_mem>> -> memref<!tpu.dma_semaphore, #tpu.memory_space<semaphore_mem>>
      %dma_wait3A_1415 = arith.constant 0 : i32
      %dma_wait3A_1416 = arith.constant 0 : i32
      %dma_wait3A_1417 = tpu.memref_slice %arg6[%dma_wait3A_1404, %dma_wait3A_1415, %dma_wait3A_1416] : memref<16x32x128xf32, #tpu.memory_space<vmem>> -> memref<1x32x128xf32, #tpu.memory_space<vmem>>
      %dma_wait3A_1418 = tpu.memref_squeeze %dma_wait3A_1417 : memref<1x32x128xf32, #tpu.memory_space<vmem>> -> memref<32x128xf32, #tpu.memory_space<vmem>>
      %dma_wait3A_1419 = arith.constant 0 : i32
      %dma_wait3A_1420 = arith.constant 0 : i32
      %dma_wait3A_1421 = tpu.memref_slice %arg2[%dma_wait3A_1419, %dma_wait3A_1420] : memref<32x1000000xf32, #tpu.memory_space<hbm>> -> memref<32x128xf32, #tpu.memory_space<hbm>>
      tpu.wait_dma2 semaphore(%dma_wait3A_1414 : memref<!tpu.dma_semaphore, #tpu.memory_space<semaphore_mem>>) src(%dma_wait3A_1421 : memref<32x128xf32, #tpu.memory_space<hbm>>) dst(%dma_wait3A_1418 : memref<32x128xf32, #tpu.memory_space<vmem>>)
      %slice3A_1422 = vector.extract_strided_slice %scan3A_373 {offsets = [15], sizes = [1], strides = [1]} : vector<16xi32> to vector<1xi32>
      %squeeze3A_1423 = vector.extract %slice3A_1422[0] : i32 from vector<1xi32>
      %and3A_1424 = arith.constant 127 : i32
      %and3A_1425 = arith.andi %squeeze3A_1423, %and3A_1424 : i32
      %broadcast_in_dim3A_1426 = vector.broadcast %and3A_1425 : i32 to vector<16xi32>
      %mul3A_1427 = arith.constant 16 : i32
      %mul3A_1428 = arith.muli %scan3A_372, %mul3A_1427 : i32
      %add3A_1429 = arith.constant 15 : i32
      %add3A_1430 = arith.addi %mul3A_1428, %add3A_1429 : i32
      %jit3A_1431 = arith.constant 128 : i32
      %eq3A_1432 = arith.constant 0 : i32
      %eq3A_1433 = arith.cmpi eq, %jit3A_1431, %eq3A_1432 : i32
      %jit3A_1434 = arith.constant 1 : i32
      %select_n3A_1435 = arith.select %eq3A_1433, %jit3A_1434, %jit3A_1431 : i32
      %rem3A_1436 = arith.remsi %add3A_1430, %select_n3A_1435 : i32
      %ne3A_1437 = arith.constant 0 : i32
      %ne3A_1438 = arith.cmpi ne, %rem3A_1436, %ne3A_1437 : i32
      %lt3A_1439 = arith.constant 0 : i32
      %lt3A_1440 = arith.cmpi slt, %rem3A_1436, %lt3A_1439 : i32
      %lt3A_1441 = arith.constant 0 : i32
      %lt3A_1442 = arith.cmpi slt, %select_n3A_1435, %lt3A_1441 : i32
      %ne3A_1443 = arith.xori %lt3A_1440, %lt3A_1442 : i1
      %and3A_1444 = arith.andi %ne3A_1443, %ne3A_1438 : i1
      %add3A_1445 = arith.addi %rem3A_1436, %select_n3A_1435 : i32
      %select_n3A_1446 = arith.select %and3A_1444, %add3A_1445, %rem3A_1436 : i32
      %broadcast_in_dim3A_1447 = vector.broadcast %select_n3A_1446 : i32 to vector<16xi32>
      %gather3A_1448 = arith.constant 15 : i32
      %gather3A_1449 = arith.constant 0 : i32
      %gather3A_1450 = arith.constant 0 : i32
      %gather3A_1451 = tpu.memref_slice %arg6[%gather3A_1448, %gather3A_1449, %gather3A_1450] : memref<16x32x128xf32, #tpu.memory_space<vmem>> -> memref<1x32x128xf32, #tpu.memory_space<vmem>>
      %gather3A_1452 = tpu.memref_squeeze %gather3A_1451 : memref<1x32x128xf32, #tpu.memory_space<vmem>> -> memref<32x128xf32, #tpu.memory_space<vmem>>
      %gather3A_1453 = tpu.vector_load_idx %gather3A_1452[%iota3A, %broadcast_in_dim3A_1426] : memref<32x128xf32, #tpu.memory_space<vmem>>[vector<16xi32>, vector<16xi32>], vector<16xf32>,
      %add3A_1454 = arith.constant 16 : i32
      %add3A_1455 = vector.broadcast %add3A_1454 : i32 to vector<16xi32>
      %add3A_1456 = arith.addi %iota3A, %add3A_1455 : vector<16xi32>
      %gather3A_1457 = arith.constant 15 : i32
      %gather3A_1458 = arith.constant 0 : i32
      %gather3A_1459 = arith.constant 0 : i32
      %gather3A_1460 = tpu.memref_slice %arg6[%gather3A_1457, %gather3A_1458, %gather3A_1459] : memref<16x32x128xf32, #tpu.memory_space<vmem>> -> memref<1x32x128xf32, #tpu.memory_space<vmem>>
      %gather3A_1461 = tpu.memref_squeeze %gather3A_1460 : memref<1x32x128xf32, #tpu.memory_space<vmem>> -> memref<32x128xf32, #tpu.memory_space<vmem>>
      %gather3A_1462 = tpu.vector_load_idx %gather3A_1461[%add3A_1456, %broadcast_in_dim3A_1426] : memref<32x128xf32, #tpu.memory_space<vmem>>[vector<16xi32>, vector<16xi32>], vector<16xf32>,
      tpu.vector_store_idx %arg7[%iota3A, %broadcast_in_dim3A_1447], %gather3A_1453 : memref<32x128xf32, #tpu.memory_space<vmem>>[vector<16xi32>, vector<16xi32>], vector<16xf32>,
      %add3A_1463 = arith.constant 16 : i32
      %add3A_1464 = vector.broadcast %add3A_1463 : i32 to vector<16xi32>
      %add3A_1465 = arith.addi %iota3A, %add3A_1464 : vector<16xi32>
      tpu.vector_store_idx %arg7[%add3A_1465, %broadcast_in_dim3A_1447], %gather3A_1462 : memref<32x128xf32, #tpu.memory_space<vmem>>[vector<16xi32>, vector<16xi32>], vector<16xf32>,
      %add3A_1466 = arith.constant 1 : i32
      %add3A_1467 = arith.addi %scan3A_372, %add3A_1466 : i32
      %lt3A_1468 = arith.constant 32 : i32
      %lt3A_1469 = arith.cmpi slt, %add3A_1467, %lt3A_1468 : i32
      %convert_element_type3A_1470 = arith.extui %lt3A_1469 : i1 to i32
      %cond3A_1471 = arith.constant 0 : i32
      %cond3A_1472 = arith.cmpi ne, %convert_element_type3A_1470, %cond3A_1471 : i32
      scf.if %cond3A_1472 {
        %slice3A_1496 = vector.extract_strided_slice %get3A_380 {offsets = [15], sizes = [1], strides = [1]} : vector<16xi32> to vector<1xi32>
        %squeeze3A_1497 = vector.extract %slice3A_1496[0] : i32 from vector<1xi32>
        %shift_right_arithmetic3A_1498 = arith.constant 7 : i32
        %shift_right_arithmetic3A_1499 = arith.shrsi %squeeze3A_1497, %shift_right_arithmetic3A_1498 : i32
        %mul3A_1500 = arith.constant 128 : i32
        %mul3A_1501 = arith.muli %shift_right_arithmetic3A_1499, %mul3A_1500 : i32
        %multiple_of3A_1502 = tpu.assume_multiple %mul3A_1501, 128 : i32
        %dma_start3A_1503 = arith.constant 15 : i32
        %dma_start3A_1504 = arith.constant 15 : i32
        %dma_start3A_1505 = arith.constant 0 : i32
        %dma_start3A_1506 = arith.constant 0 : i32
        %dma_start3A_1507 = tpu.memref_slice %arg6[%dma_start3A_1503, %dma_start3A_1505, %dma_start3A_1506] : memref<16x32x128xf32, #tpu.memory_space<vmem>> -> memref<1x32x128xf32, #tpu.memory_space<vmem>>
        %dma_start3A_1508 = tpu.memref_squeeze %dma_start3A_1507 : memref<1x32x128xf32, #tpu.memory_space<vmem>> -> memref<32x128xf32, #tpu.memory_space<vmem>>
        %dma_start3A_1509 = arith.constant 0 : i32
        %dma_start3A_1510 = tpu.memref_slice %arg2[%dma_start3A_1509, %multiple_of3A_1502] : memref<32x1000000xf32, #tpu.memory_space<hbm>> -> memref<32x128xf32, #tpu.memory_space<hbm>>
        %dma_start3A_1511 = tpu.memref_slice %arg8[%dma_start3A_1504] : memref<16x!tpu.dma_semaphore, #tpu.memory_space<semaphore_mem>> -> memref<1x!tpu.dma_semaphore, #tpu.memory_space<semaphore_mem>>
        %dma_start3A_1512 = tpu.memref_squeeze %dma_start3A_1511 : memref<1x!tpu.dma_semaphore, #tpu.memory_space<semaphore_mem>> -> memref<!tpu.dma_semaphore, #tpu.memory_space<semaphore_mem>>
        %dma_start3A_1513 = arith.constant 0 : i32
        %dma_start3A_1514 = arith.constant 0 : i32
        %dma_start3A_1515 = tpu.memref_slice %arg6[%dma_start3A_1503, %dma_start3A_1513, %dma_start3A_1514] : memref<16x32x128xf32, #tpu.memory_space<vmem>> -> memref<1x32x128xf32, #tpu.memory_space<vmem>>
        %dma_start3A_1516 = tpu.memref_squeeze %dma_start3A_1515 : memref<1x32x128xf32, #tpu.memory_space<vmem>> -> memref<32x128xf32, #tpu.memory_space<vmem>>
        %dma_start3A_1517 = arith.constant 0 : i32
        %dma_start3A_1518 = tpu.memref_slice %arg2[%dma_start3A_1517, %multiple_of3A_1502] : memref<32x1000000xf32, #tpu.memory_space<hbm>> -> memref<32x128xf32, #tpu.memory_space<hbm>>
        tpu.enqueue_dma source(%dma_start3A_1518 : memref<32x128xf32, #tpu.memory_space<hbm>>) target(%dma_start3A_1516 : memref<32x128xf32, #tpu.memory_space<vmem>>) target_semaphore(%dma_start3A_1512 : memref<!tpu.dma_semaphore, #tpu.memory_space<semaphore_mem>>)
      } else {
      }
      %add3A_1473 = arith.constant 1 : i32
      %add3A_1474 = arith.addi %scan3A_372, %add3A_1473 : i32
      %jit3A_1475 = arith.constant 8 : i32
      %eq3A_1476 = arith.constant 0 : i32
      %eq3A_1477 = arith.cmpi eq, %jit3A_1475, %eq3A_1476 : i32
      %jit3A_1478 = arith.constant 1 : i32
      %select_n3A_1479 = arith.select %eq3A_1477, %jit3A_1478, %jit3A_1475 : i32
      %rem3A_1480 = arith.remsi %add3A_1474, %select_n3A_1479 : i32
      %ne3A_1481 = arith.constant 0 : i32
      %ne3A_1482 = arith.cmpi ne, %rem3A_1480, %ne3A_1481 : i32
      %lt3A_1483 = arith.constant 0 : i32
      %lt3A_1484 = arith.cmpi slt, %rem3A_1480, %lt3A_1483 : i32
      %lt3A_1485 = arith.constant 0 : i32
      %lt3A_1486 = arith.cmpi slt, %select_n3A_1479, %lt3A_1485 : i32
      %ne3A_1487 = arith.xori %lt3A_1484, %lt3A_1486 : i1
      %and3A_1488 = arith.andi %ne3A_1487, %ne3A_1482 : i1
      %add3A_1489 = arith.addi %rem3A_1480, %select_n3A_1479 : i32
      %select_n3A_1490 = arith.select %and3A_1488, %add3A_1489, %rem3A_1480 : i32
      %eq3A_1491 = arith.constant 0 : i32
      %eq3A_1492 = arith.cmpi eq, %select_n3A_1490, %eq3A_1491 : i32
      %convert_element_type3A_1493 = arith.extui %eq3A_1492 : i1 to i32
      %cond3A_1494 = arith.constant 0 : i32
      %cond3A_1495 = arith.cmpi ne, %convert_element_type3A_1493, %cond3A_1494 : i32
      scf.if %cond3A_1495 {
        %mul3A_1496 = arith.constant 16 : i32
        %mul3A_1497 = arith.muli %scan3A_372, %mul3A_1496 : i32
        %jit3A_1498 = arith.constant 128 : i32
        %div3A = arith.divsi %mul3A_1497, %jit3A_1498 : i32
        %sign3A = arith.constant 0 : i32
        %sign3A_1499 = arith.cmpi sgt, %mul3A_1497, %sign3A : i32
        %sign3A_1500 = arith.extui %sign3A_1499 : i1 to i32
        %sign3A_1501 = arith.constant 0 : i32
        %sign3A_1502 = arith.cmpi slt, %mul3A_1497, %sign3A_1501 : i32
        %sign3A_1503 = arith.extui %sign3A_1502 : i1 to i32
        %sign3A_1504 = arith.subi %sign3A_1500, %sign3A_1503 : i32
        %sign3A_1505 = arith.constant 0 : i32
        %sign3A_1506 = arith.cmpi sgt, %jit3A_1498, %sign3A_1505 : i32
        %sign3A_1507 = arith.extui %sign3A_1506 : i1 to i32
        %sign3A_1508 = arith.constant 0 : i32
        %sign3A_1509 = arith.cmpi slt, %jit3A_1498, %sign3A_1508 : i32
        %sign3A_1510 = arith.extui %sign3A_1509 : i1 to i32
        %sign3A_1511 = arith.subi %sign3A_1507, %sign3A_1510 : i32
        %ne3A_1512 = arith.cmpi ne, %sign3A_1504, %sign3A_1511 : i32
        %rem3A_1513 = arith.remsi %mul3A_1497, %jit3A_1498 : i32
        %ne3A_1514 = arith.constant 0 : i32
        %ne3A_1515 = arith.cmpi ne, %rem3A_1513, %ne3A_1514 : i32
        %and3A_1516 = arith.andi %ne3A_1512, %ne3A_1515 : i1
        %sub3A = arith.constant 1 : i32
        %sub3A_1517 = arith.subi %div3A, %sub3A : i32
        %select_n3A_1518 = arith.select %and3A_1516, %sub3A_1517, %div3A : i32
        %mul3A_1519 = arith.constant 128 : i32
        %mul3A_1520 = arith.muli %select_n3A_1518, %mul3A_1519 : i32
        %add3A_1521 = arith.addi %mul3A_2, %mul3A_1520 : i32
        %multiple_of3A_1522 = tpu.assume_multiple %add3A_1521, 128 : i32
        "tpu.region"() ({
          %run_scoped3A = tpu.sem_alloc : memref<!tpu.dma_semaphore, #tpu.memory_space<semaphore_mem>>
          %dma_start3A_1523 = arith.constant 0 : i32
          %dma_start3A_1524 = tpu.memref_slice %arg4[%dma_start3A_1523, %multiple_of3A_1522] : memref<32x16384xf32, #tpu.memory_space<hbm>> -> memref<32x128xf32, #tpu.memory_space<hbm>>
          %dma_start3A_1525 = arith.constant 0 : i32
          %dma_start3A_1526 = tpu.memref_slice %arg4[%dma_start3A_1525, %multiple_of3A_1522] : memref<32x16384xf32, #tpu.memory_space<hbm>> -> memref<32x128xf32, #tpu.memory_space<hbm>>
          tpu.enqueue_dma source(%arg7 : memref<32x128xf32, #tpu.memory_space<vmem>>) target(%dma_start3A_1526 : memref<32x128xf32, #tpu.memory_space<hbm>>) target_semaphore(%run_scoped3A : memref<!tpu.dma_semaphore, #tpu.memory_space<semaphore_mem>>)
          %dma_wait3A_1527 = arith.constant 0 : i32
          %dma_wait3A_1528 = tpu.memref_slice %arg4[%dma_wait3A_1527, %multiple_of3A_1522] : memref<32x16384xf32, #tpu.memory_space<hbm>> -> memref<32x128xf32, #tpu.memory_space<hbm>>
          %dma_wait3A_1529 = arith.constant 0 : i32
          %dma_wait3A_1530 = tpu.memref_slice %arg4[%dma_wait3A_1529, %multiple_of3A_1522] : memref<32x16384xf32, #tpu.memory_space<hbm>> -> memref<32x128xf32, #tpu.memory_space<hbm>>
          tpu.wait_dma2 semaphore(%run_scoped3A : memref<!tpu.dma_semaphore, #tpu.memory_space<semaphore_mem>>) src(%arg7 : memref<32x128xf32, #tpu.memory_space<vmem>>) dst(%dma_wait3A_1530 : memref<32x128xf32, #tpu.memory_space<hbm>>)
          tpu.yield
        }) : () -> ()
      } else {
      }
      scf.yield %get3A_380 : vector<16xi32>
    }
    %scan3A_371 = arith.constant 32 : i32
    return
  }
}

</mosaic_0001>

<sc_bundles>
// kernel: kernel.3.cloned.1.call-start
scs
__scs_entry_jumppad:
0x0: {  	(pc) =	sbr.rel $0x88, $3  }
0x1: {  	(tag) =	ssettag $0x0;
	lr =	simm.s32 $0x1  }
0x2: {  	[smem:$0x3F9F] =	sst lr;
	_ =	strace $0xD0000000  }
0x3: {  	_ = 	snop  }
0x4: {  	_ = 	snop  }
0x5: {  	_ = 	snop  }
0x6: {  	_ = 	snop  }
0x7: {  	_ = 	snop  }
__scs_overlays_trampoline_lowered:
0x8: {  	[smem:$0x3FAE] =	sst s0  }
0x9: {  	[smem:$0x3FAF] =	sst s1  }
0xa: {  	[smem:$0x3FB0] =	sst s2  }
0xb: {  	[smem:$0x3FB1] =	sst s3  }
0xc: {  	[smem:$0x3FB2] =	sst s4  }
0xd: {  	[smem:$0x3FB3] =	sst s5  }
0xe: {  	[smem:$0x3FB4] =	sst s6  }
0xf: {  	[smem:$0x3FB5] =	sst s7  }
0x10: {  	[smem:$0x3FB6] =	sst s8  }
0x11: {  	[smem:$0x3FB7] =	sst s9;
	s0 =	simm.s32 @!p0 $0x0  }
0x12: {  	s1 =	sld [smem:$0x3F9D];
	s0 =	simm.s32 @p0 $0x1  }
0x13: {  	[smem:$0x3FB8] =	sst s0;
	s0 =	simm.s32 @!p1 $0x0  }
0x14: {  	s2 =	sld [smem:$0x3F9C];
	s0 =	simm.s32 @p1 $0x1  }
0x15: {  	[smem:$0x3FB9] =	sst s0;
	s0 =	simm.s32 @!p2 $0x0  }
0x16: {  	s3 =	sld [smem:$0x3FDB];
	s0 =	simm.s32 @p2 $0x1  }
0x17: {  	s4 =	simm.s32 $0x1BF5;
	[smem:$0x3FBB] =	sst s0  }
0x18: {  	s0 =	sld [smem:$0x3F9E];
	_ =	swait.ge [sflag:s4], $0x0  }
0x19: {  	s7 =	sld [smem:$0x3F9F]  }
0x1a: {  	s8 =	sadd.s32 $0xFFFFE003, lr  }
0x1b: {  	s9 =	sadd.s32 $0xFFFFFEF7, lr;
	s5 =	simm.s32 $0xFFFFFFFF;
	p2 =	slt.u32 s8, $0xFFFFF086  }
0x1c: {  	p1 =	slt.u32 s9, $0xF7A;
	s5 =	simm.s32 @!p2 $0x0  }
0x1d: {  	s5 =	simm.s32 @p1 $0x1;
	p0 =	seq.s32 s7, s2  }
0x1e: {  	s7 =	smul.u32 @!p0 $0xF7A, s2;
	p2 =	seq.s32 @!p0 s5, $0x0  }
0x1f: {  	s9 =	smul.u32 $0xF7A, s1;
	s8 =	simm.s32 @!p0 $0x1BF5;
	p2 =	por !p2, p0  }
0x20: {  	[sflag:s8] =	ssyncset.s32 @!p0 $0xFFFFF086;
	s6 =	sadd.s32 @!p0 s3, s7;
	s7 =	simm.s32 @!p0 $0x108  }
0x21: {  	s3 =	sadd.s32 s3, s9;
	s6 =	sadd.s32 @!p0 $0x88, s6;
	s7 =	simm.s32 @p2 $0x1082  }
0x22: {  	[simem:s7], [sflag:s8] =	dma.local @!p0 [hbm:s6], $0xF7A  }
0x23: {  	s9 =	sor.u32 $0xD0000000, s2;
	s6 =	simm.s32 $0x108;
	_ =	swait.ge @!p0 [sflag:s8], $0x0  }
0x24: {  	s3 =	sadd.s32 $0x88, s3;
	s6 =	simm.s32 @!p1 $0x1082;
	[sflag:s4] =	ssyncset.s32 $0xFFFFF086  }
0x25: {  	[simem:s6], [sflag:s4] =	dma.local [hbm:s3], $0xF7A  }
0x26: {  	[smem:$0x3F9F] =	sst s1;
	(tag) =	ssettag s2;
	_ =	strace s9  }
0x27: {  	s1 =	sld [smem:$0x3FAF]  }
0x28: {  	s2 =	sld [smem:$0x3FB0]  }
0x29: {  	s4 =	sld [smem:$0x3FB2]  }
0x2a: {  	p0 =	seq.s32 s5, $0x0;
	s5 =	sld [smem:$0x3FB3]  }
0x2b: {  	s6 =	sld [smem:$0x3FB4]  }
0x2c: {  	s7 =	sld [smem:$0x3FB5]  }
0x2d: {  	s3 =	simm.s32 $0x108;
	s8 =	sld [smem:$0x3FB6]  }
0x2e: {  	s3 =	simm.s32 @!p0 $0x1082;
	s9 =	sld [smem:$0x3FB7]  }
0x2f: {  	lr =	sadd.s32 s0, s3;
	s0 =	sld [smem:$0x3FAE]  }
0x30: {  	s3 =	sld [smem:$0x3FB1]  }
0x31: {  	[smem:$0x3FBA] =	sst s10  }
0x32: {  	s10 =	sld [smem:$0x3FB8];
	_ =	sdelay $0x3  }
0x33: {  	p0 =	seq.s32 s10, $0x1;
	s10 =	sld [smem:$0x3FBA];
	_ =	sdelay $0x3  }
0x34: {  	[smem:$0x3FBA] =	sst s10  }
0x35: {  	s10 =	sld [smem:$0x3FB9];
	_ =	sdelay $0x3  }
0x36: {  	p1 =	seq.s32 s10, $0x1;
	s10 =	sld [smem:$0x3FBA];
	_ =	sdelay $0x3  }
0x37: {  	[smem:$0x3FBA] =	sst s10  }
0x38: {  	s10 =	sld [smem:$0x3FBB]  }
0x39: {  	_ = 	snop;
	(pc) =	sbr.ind lr, $3  }
0x3a: {  	_ = 	snop  }
0x3b: {  	_ = 	snop  }
0x3c: {  	p2 =	seq.s32 s10, $0x1;
	s10 =	sld [smem:$0x3FBA]  }
0x3d: {  	_ =	shalt  }
0x3e: {  	_ =	shalt  }
0x3f: {  	_ =	shalt  }
0x40: {  	_ =	shalt  }
0x41: {  	_ =	shalt  }
0x42: {  	_ =	shalt  }
0x43: {  	_ =	shalt  }
0x44: {  	_ =	shalt  }
0x45: {  	_ =	shalt  }
0x46: {  	_ =	shalt  }
0x47: {  	_ =	shalt  }
0x48: {  	_ =	shalt  }
0x49: {  	_ =	shalt  }
0x4a: {  	_ =	shalt  }
0x4b: {  	_ =	shalt  }
0x4c: {  	_ =	shalt  }
0x4d: {  	_ =	shalt  }
0x4e: {  	_ =	shalt  }
0x4f: {  	_ =	shalt  }
0x50: {  	_ =	shalt  }
0x51: {  	_ =	shalt  }
0x52: {  	_ =	shalt  }
0x53: {  	_ =	shalt  }
0x54: {  	_ =	shalt  }
0x55: {  	_ =	shalt  }
0x56: {  	_ =	shalt  }
0x57: {  	_ =	shalt  }
0x58: {  	_ =	shalt  }
0x59: {  	_ =	shalt  }
0x5a: {  	_ =	shalt  }
0x5b: {  	_ =	shalt  }
0x5c: {  	_ =	shalt  }
0x5d: {  	_ =	shalt  }
0x5e: {  	_ =	shalt  }
0x5f: {  	_ =	shalt  }
0x60: {  	_ =	shalt  }
0x61: {  	_ =	shalt  }
0x62: {  	_ =	shalt  }
0x63: {  	_ =	shalt  }
0x64: {  	_ =	shalt  }
0x65: {  	_ =	shalt  }
0x66: {  	_ =	shalt  }
0x67: {  	_ =	shalt  }
0x68: {  	_ =	shalt  }
0x69: {  	_ =	shalt  }
0x6a: {  	_ =	shalt  }
0x6b: {  	_ =	shalt  }
0x6c: {  	_ =	shalt  }
0x6d: {  	_ =	shalt  }
0x6e: {  	_ =	shalt  }
0x6f: {  	_ =	shalt  }
0x70: {  	_ =	shalt  }
0x71: {  	_ =	shalt  }
0x72: {  	_ =	shalt  }
0x73: {  	_ =	shalt  }
0x74: {  	_ =	shalt  }
0x75: {  	_ =	shalt  }
0x76: {  	_ =	shalt  }
0x77: {  	_ =	shalt  }
0x78: {  	_ =	shalt  }
0x79: {  	_ =	shalt  }
0x7a: {  	_ =	shalt  }
0x7b: {  	_ =	shalt  }
0x7c: {  	_ =	shalt  }
0x7d: {  	_ =	shalt  }
0x7e: {  	_ =	shalt  }
0x7f: {  	_ =	shalt  }
0x80: {  	_ =	shalt  }
0x81: {  	_ =	shalt  }
0x82: {  	_ =	shalt  }
0x83: {  	_ =	shalt  }
0x84: {  	_ =	shalt  }
0x85: {  	_ =	shalt  }
0x86: {  	_ =	shalt  }
0x87: {  	_ =	shalt  }
.Lfunc_end0:
.L_simem_size_0:
called_computation_lowered:
.L_overlay_start_0:
0x88: {  	s2 =	sld [smem:$0x3FD9]  }
0x89: {  	s3 =	sld [smem:$0x3FFE];
	_ =	sdelay $0x1  }
0x8a: {  	s1 =	srdreg.scid  }
0x8b: {  	s0 =	sand.u32 $0x1, s1  }
0x8c: {  	s18 =	sshll.u32 s0, $0xA;
	s2 =	sadd.s32 s3, s2  }
0x8d: {  	s2 =	sadd.s32 s2, s18  }
0x8e: {  	[smem:$0x3FC6] =	sst s2  }
0x8f: {  	_ = 	snop  }
0x90: {  	s2 =	sld [smem:$0x3FC9]  }
0x91: {  	s19 =	sld [smem:$0x3FC8]  }
0x92: {  	s4 =	sld [smem:$0x3FD0];
	(tm) =	ssettm $0x1  }
0x93: {  	s5 =	sld [smem:$0x3FFB];
	_ =	sdelay $0x3  }
0x94: {  	_ =	strace s5  }
0x95: {  	s5 =	sld [smem:$0x3FFC];
	_ =	sdelay $0x3  }
0x96: {  	_ =	strace s5  }
0x97: {  	s5 =	sld [smem:$0x3FFD];
	_ =	sdelay $0x3  }
0x98: {  	_ =	strace s5  }
0x99: {  	_ =	strace $0x8FFFFFFF  }
0x9a: {  	s20 =	sld [smem:$0x3FDB];
	_ =	sdelay $0x1  }
0x9b: {  	s6 =	simm.s32 $_scs_section_size  }
0x9c: {  	s7 =	simm.s32 $_size__tile_overlayer_lowered;
	s8 =	simm.s32 $_tile_overlayer_lowered  }
0x9d: {  	s23 =	simm.s32 $0x1BFF;
	s22 =	sshll.u32 s8, $0x1;
	s5 =	sadd.s32 s6, s20  }
0x9e: {  	s9 =	simm.s32 $0x0;
	s21 =	sshll.u32 s7, $0x1;
	s7 =	sadd.s32 s22, s5  }
0x9f: {  	[timem:s9], [sflag:s23] =	dma.local [hbm:s7], s21  }
0xa0: {  	_ =	swait.ge [sflag:s23], s21  }
0xa1: {  	s6 =	ssub.s32 $0x0, s21;
	[sflag:s23] =	ssyncset.done $0x0  }
0xa2: {  	[sflag:s23] =	ssyncadd.s32 s6;
	_ =	sdelay $0x1  }
0xa3: {  	s24 =	simm.s32 $0x1B8B  }
0xa4: {  	_ =	swait.ge [sflag:s24], $0x1  }
0xa5: {  	[sflag:s24] =	ssyncset.done $0x0  }
0xa6: {  	s25 =	simm.s32 $0x1B8E;
	[sflag:s24] =	ssyncadd.s32 $0xFFFFFFFF  }
0xa7: {  	s26 =	simm.s32 $execute0_lowered;
	[smem:$0x3FD2] =	sst s25  }
0xa8: {  	s6 =	sshll.u32 s26, $0x1;
	_ =	strace $0x80000046;
	[dreg:$0x1] =	wrdreg $0xFFFFFFFF  }
0xa9: {  	s28 =	simm.s32 $_size_execute0_lowered;
	s5 =	sadd.s32 s5, s6;
	[dreg:$0x0] =	wrdreg $0x0  }
0xaa: {  	s6 =	sshll.u32 s28, $0x1;
	[dreg:$0x2] =	wrdreg s5  }
0xab: {  	[dreg:$0x3] =	wrdreg s6  }
0xac: {  	[dreg:$0x4] =	wrdreg $0xC0  }
0xad: {  	_ =	task [dreg:s9], $0x5FFFF  }
0xae: {  	[dreg:$0x1] =	wrdreg $0xFFFFFFFF  }
0xaf: {  	[dreg:$0x0] =	wrdreg $0x60  }
0xb0: {  	[dreg:$0x2] =	wrdreg s19  }
0xb1: {  	[dreg:$0x3] =	wrdreg s2  }
0xb2: {  	[dreg:$0x4] =	wrdreg s4  }
0xb3: {  	[dreg:$0x5] =	wrdreg $0x9  }
0xb4: {  	_ =	task.clear_ibuf [dreg:s9], $0x6FFFF;
	_ =	strace $0x90000046  }
0xb5: {  	s29 =	simm.s32 $0x9;
	_ =	strace $0x80000048  }
0xb6: {  	_ =	swait.ge [sflag:s29], $0x1  }
0xb7: {  	[sflag:s29] =	ssyncadd.s32 $0xFFFFFFFF  }
0xb8: {  	_ =	strace $0x90000048  }
0xb9: {  	_ =	sfence  }
0xba: {  	s30 =	sld [smem:$0x0];
	_ =	sdelay $0x2  }
0xbb: {  	s31 =	sshll.u32 s1, $0xD;
	s1 =	sshrl.u32 s1, $0x2  }
0xbc: {  	s3 =	sand.u32 $0x4000, s31;
	s1 =	sadd.s32 s1, s30  }
0xbd: {  	s0 =	sor.u32 s3, s0;
	s1 =	sshll.u32 s1, $0x11  }
0xbe: {  	s0 =	sor.u32 s1, s0  }
0xbf: {  	s0 =	sadd.s32 $0x8F2B, s0  }
0xc0: {  	[sflag:s0] =	ssyncadd.remote.s32 $0x1  }
0xc1: {  	_ =	sfence.sel $0xFFFF  }
0xc2: {  	[dreg:$0x0] =	wrdreg $0xFFFFFFFF;
	(pc) =	sbr.abs _section_cstart, $3  }
0xc3: {  	[dreg:$0x1] =	wrdreg $0xFFFFFFFF  }
0xc4: {  	_ =	task.clear_ibuf [dreg:s9], $0x2FFFF;
	_ =	strace $0x9FFFFFFF  }
0xc5: {  	(tm) =	ssettm $0x7FFFFFFF  }
tec
execute0_lowered:
.L_overlay_start_1:
0x0: {  	(tag) =	ssettag $0x1  }
0x1: {  	s1 =	rddreg [dreg:$0x0]  }
0x2: {  	s0 =	rddreg [dreg:$0x1]  }
0x3: {  	s2 =	rddreg [dreg:$0x2]  }
0x4: {  	s3 =	srdreg.scid;
	s4 =	stileid.u32  }
0x5: {  	s6 =	simm.s32 $0x0;
	s20 =	simm.s32 $0x6200;
	s21 =	simm.s32 $0x7200  }
0x6: {  	s22 =	simm.s32 $0x8200;
	s29 =	simm.s32 $0xC200;
	s30 =	simm.s32 $0xD200  }
0x7: {  	s31 =	simm.s32 $0xE200;
	s19 =	simm.s32 $0xF200;
	s28 =	simm.s32 $0x10200  }
0x8: {  	s9 =	simm.s32 $0xA;
	s8 =	simm.s32 $0xC;
	s7 =	simm.s32 $0xD  }
0x9: {  	s10 =	simm.s32 $0xE;
	s11 =	simm.s32 $0xF;
	s12 =	simm.s32 $0x10  }
0xa: {  	s14 =	simm.s32 $0x0;
	s3 =	sand.u32 $0x1, s3;
	s4 =	sshll.u32 s4, $0xA  }
0xb: {  	[smem:$0x7FF] =	sst s6;
	s6 =	simm.s32 $0x9;
	s5 =	sshll.u32 s3, $0x9  }
0xc: {  	s3 =	ssub.s32 $0x2, s3;
	_ =	strace $0x80000047;
	s4 =	sor.u32 s5, s4  }
0xd: {  	s23 =	sshrl.u32 s3, $0x1;
	s5 =	simm.s32 $0xB;
	s24 =	sshrl.u32 s4, $0x3  }
0xe: {  	s3 =	ssub.s32 s3, s23;
	s25 =	sadd.s32 s2, s4;
	s23 =	simm.s32 $0x9200  }
0xf: {  	v0 =	vlaneseq.u32;
	s2 =	simm.s32 $0x6;
	s4 =	simm.s32 $0x8;
	s0 =	sadd.s32 s0, s24  }
0x10: {  	v0 =	vmul.u32 $0x80, v0;
	[dreg:$0x5] =	wrdreg s25;
	s26 =	smax.u32 s3, $0x1;
	s25 =	simm.s32 $0x5200  }
0x11: {  	s24 =	simm.s32 $0xA200;
	s3 =	simm.s32 $0x7;
	[dreg:$0x4] =	wrdreg s0  }
0x12: {  	v1 =	vor.u32 $0x800, v0;
	[dreg:$0x6] =	wrdreg s26;
	s26 =	simm.s32 $0xB200;
	s0 =	simm.s32 $0x5  }
.LBB2_1:
0x13: {  	[dreg:$0x7] =	wrdreg s14  }
0x14: {  	s13 =	simm.s32 $0x0;
	s15 =	rddreg [dreg:$0x4];
	s16 =	simm.s32 $0x11  }
0x15: {  	[tilespmem:s13], [sflag:$0x11] =	stream.linear.gather [hbm4b:s15+s13], $0x200, $0x38;
	[tilespmem:$0x11200] =	vst v63  }
0x16: {  	_ =	swait.ge [sflag:s16], $0x200  }
0x17: {  	[sflag:s16] =	ssyncset.done $0x0  }
0x18: {  	[sflag:s16] =	ssyncadd.s32 $0xFFFFFE00  }
0x19: {  	v2 =	vld [tilespmem:$0x0];
	_ =	sdelay $0x4  }
0x1a: {  	(v2sf) =	vpush v2, $0x0;
	_ =	sdelay $0x1  }
0x1b: {  	(v2sf) =	vpush v2, $0x1;
	_ =	sdelay $0x4  }
0x1c: {  	(v2sf) =	vpush v2, $0x2;
	_ =	sdelay $0x1  }
0x1d: {  	(v2sf) =	vpush v2, $0x3;
	_ =	sdelay $0x5  }
0x1e: {  	s17 =	spop (v2sf);
	(v2sf) =	vpush v2, $0x4;
	_ =	sdelay $0x1  }
0x1f: {  	s13 =	sand.u32 $0xFFFFF80, s17;
	s17 =	spop (v2sf);
	(v2sf) =	vpush v2, $0x5  }
0x20: {  	s18 =	simm.s32 $0x200  }
0x21: {  	s15 =	simm.s32 $0x400;
	s16 =	simm.s32 $0x7A1400;
	s13 =	sadd.s32 s1, s13  }
0x22: {  	[tilespmem:s18], [sflag:$0x1] =	stream.strided.gather [hbm4b:s13+s15], $0x1000, s16, s15, $0x38;
	[tilespmem:$0x11200] =	vst v63  }
0x23: {  	s13 =	sand.u32 $0xFFFFF80, s17  }
0x24: {  	s18 =	simm.s32 $0x1200;
	s17 =	spop (v2sf);
	s13 =	sadd.s32 s1, s13  }
0x25: {  	(v2sf) =	vpush v2, $0x6;
	[tilespmem:s18], [sflag:$0x2] =	stream.strided.gather [hbm4b:s13+s15], $0x1000, s16, s15, $0x38;
	[tilespmem:$0x11200] =	vst v63  }
0x26: {  	s13 =	sand.u32 $0xFFFFF80, s17;
	s17 =	spop (v2sf);
	(v2sf) =	vpush v2, $0x7;
	_ =	sdelay $0x2  }
0x27: {  	s18 =	simm.s32 $0x2200;
	s13 =	sadd.s32 s1, s13  }
0x28: {  	[tilespmem:s18], [sflag:$0x3] =	stream.strided.gather [hbm4b:s13+s15], $0x1000, s16, s15, $0x38;
	[tilespmem:$0x11200] =	vst v63  }
0x29: {  	s13 =	sand.u32 $0xFFFFF80, s17  }
0x2a: {  	s18 =	simm.s32 $0x3200;
	s13 =	sadd.s32 s1, s13;
	s14 =	spop (v2sf);
	(v2sf) =	vpush v2, $0x8  }
0x2b: {  	[tilespmem:s18], [sflag:$0x4] =	stream.strided.gather [hbm4b:s13+s15], $0x1000, s16, s15, $0x38;
	[tilespmem:$0x11200] =	vst v63  }
0x2c: {  	s13 =	sand.u32 $0xFFFFF80, s14;
	s18 =	spop (v2sf);
	(v2sf) =	vpush v2, $0x9  }
0x2d: {  	s17 =	simm.s32 $0x4200;
	s13 =	sadd.s32 s1, s13  }
0x2e: {  	[tilespmem:s17], [sflag:$0x5] =	stream.strided.gather [hbm4b:s13+s15], $0x1000, s16, s15, $0x38;
	[tilespmem:$0x11200] =	vst v63  }
0x2f: {  	s13 =	sand.u32 $0xFFFFF80, s18  }
0x30: {  	(v2sf) =	vpush v2, $0xA;
	s13 =	sadd.s32 s1, s13  }
0x31: {  	[tilespmem:s25], [sflag:$0x6] =	stream.strided.gather [hbm4b:s13+s15], $0x1000, s16, s15, $0x38;
	[tilespmem:$0x11200] =	vst v63  }
0x32: {  	s25 =	spop (v2sf);
	(v2sf) =	vpush v2, $0xB  }
0x33: {  	s14 =	spop (v2sf);
	(v2sf) =	vpush v2, $0xC;
	_ =	sdelay $0x1  }
0x34: {  	s13 =	sand.u32 $0xFFFFF80, s25  }
0x35: {  	s13 =	sadd.s32 s1, s13  }
0x36: {  	[tilespmem:s20], [sflag:$0x7] =	stream.strided.gather [hbm4b:s13+s15], $0x1000, s16, s15, $0x38;
	[tilespmem:$0x11200] =	vst v63  }
0x37: {  	s13 =	sand.u32 $0xFFFFF80, s14  }
0x38: {  	s13 =	sadd.s32 s1, s13;
	s17 =	spop (v2sf);
	(v2sf) =	vpush v2, $0xD  }
0x39: {  	[tilespmem:s21], [sflag:$0x8] =	stream.strided.gather [hbm4b:s13+s15], $0x1000, s16, s15, $0x38;
	[tilespmem:$0x11200] =	vst v63  }
0x3a: {  	s13 =	sand.u32 $0xFFFFF80, s17;
	s18 =	spop (v2sf);
	(v2sf) =	vpush v2, $0xE  }
0x3b: {  	s13 =	sadd.s32 s1, s13  }
0x3c: {  	[tilespmem:s22], [sflag:$0x9] =	stream.strided.gather [hbm4b:s13+s15], $0x1000, s16, s15, $0x38;
	[tilespmem:$0x11200] =	vst v63  }
0x3d: {  	s13 =	sand.u32 $0xFFFFF80, s18  }
0x3e: {  	s20 =	spop (v2sf);
	s13 =	sadd.s32 s1, s13  }
0x3f: {  	(v2sf) =	vpush v2, $0xF;
	[tilespmem:s23], [sflag:$0xA] =	stream.strided.gather [hbm4b:s13+s15], $0x1000, s16, s15, $0x38;
	[tilespmem:$0x11200] =	vst v63  }
0x40: {  	s13 =	sand.u32 $0xFFFFF80, s20;
	s21 =	spop (v2sf)  }
0x41: {  	s13 =	sadd.s32 s1, s13;
	s22 =	sand.u32 $0xFFFFF80, s21;
	s23 =	spop (v2sf)  }
0x42: {  	[tilespmem:s24], [sflag:$0xB] =	stream.strided.gather [hbm4b:s13+s15], $0x1000, s16, s15, $0x38;
	[tilespmem:$0x11200] =	vst v63  }
0x43: {  	s13 =	sadd.s32 s1, s22;
	s24 =	sand.u32 $0xFFFFF80, s23  }
0x44: {  	[tilespmem:s26], [sflag:$0xC] =	stream.strided.gather [hbm4b:s13+s15], $0x1000, s16, s15, $0x38;
	[tilespmem:$0x11200] =	vst v63  }
0x45: {  	s13 =	sadd.s32 s1, s24  }
0x46: {  	[tilespmem:s29], [sflag:$0xD] =	stream.strided.gather [hbm4b:s13+s15], $0x1000, s16, s15, $0x38;
	[tilespmem:$0x11200] =	vst v63  }
0x47: {  	s25 =	spop (v2sf)  }
0x48: {  	s26 =	sand.u32 $0xFFFFF80, s25  }
0x49: {  	s29 =	spop (v2sf);
	s13 =	sadd.s32 s1, s26  }
0x4a: {  	[tilespmem:s30], [sflag:$0xE] =	stream.strided.gather [hbm4b:s13+s15], $0x1000, s16, s15, $0x38;
	[tilespmem:$0x11200] =	vst v63  }
0x4b: {  	s30 =	sand.u32 $0xFFFFF80, s29  }
0x4c: {  	s13 =	sadd.s32 s1, s30  }
0x4d: {  	[tilespmem:s31], [sflag:$0xF] =	stream.strided.gather [hbm4b:s13+s15], $0x1000, s16, s15, $0x38;
	[tilespmem:$0x11200] =	vst v63  }
0x4e: {  	s31 =	spop (v2sf)  }
0x4f: {  	s13 =	sand.u32 $0xFFFFF80, s31  }
0x50: {  	s13 =	sadd.s32 s1, s13  }
0x51: {  	[tilespmem:s19], [sflag:$0x10] =	stream.strided.gather [hbm4b:s13+s15], $0x1000, s16, s15, $0x38;
	[tilespmem:$0x11200] =	vst v63  }
0x52: {  	s14 =	simm.s32 $0x0;
	s13 =	simm.s32 $0x1  }
.LBB2_2:
0x53: {  	s15 =	smin.u32 s13, $0x1F  }
0x54: {  	s16 =	simm.s32 $0x1;
	s15 =	sshll.u32 s15, $0x4  }
0x55: {  	v3 =	vmov v2;
	v2 =	vld [tilespmem:s15+$0x0];
	_ =	swait.ge [sflag:s16], $0x1000  }
0x56: {  	(v2sf) =	vpush v3, $0x0;
	_ =	sdelay $0x9  }
0x57: {  	p0 =	seq.s32 s14, $0x1F0  }
0x58: {  	(v2sf) =	vpush @!p0 v2, $0x0;
	_ =	sdelay $0x3  }
0x59: {  	s22 =	spop (v2sf)  }
0x5a: {  	s15 =	sand.u32 $0x7F, s22  }
0x5b: {  	v4 =	vor.u32 s15, v0  }
0x5c: {  	v5 =	vor.u32 s15, v1;
	_ =	sdelay $0x1  }
0x5d: {  	[sflag:s16] =	ssyncset.done $0x0  }
0x5e: {  	s23 =	simm.s32 $0x200;
	[sflag:s16] =	ssyncadd.s32 $0xFFFFF000;
	s16 =	sand.u32 $0x70, s14  }
0x5f: {  	v6 =	vor.u32 s16, v0;
	v4 =	vld.idx.msk [tilespmem:v4+s23+$0x0], $0xffff  }
0x60: {  	v7 =	vor.u32 s16, v1;
	v5 =	vld.idx.msk [tilespmem:v5+s23+$0x0], $0xffff;
	_ =	sdelay $0x2  }
0x61: {  	s15 =	spop @!p0 (v2sf)  }
0x62: {  	s24 =	simm.s32 $0x2;
	s17 =	simm.s32 @!p0 $0x7A1400;
	s15 =	sand.u32 @!p0 $0xFFFFF80, s15;
	[tilespmem:v6+s28+$0x0] =	vst.idx.msk $0xffff, v4  }
0x63: {  	s19 =	simm.s32 @!p0 $0x200;
	s18 =	sadd.s32 @!p0 s1, s15;
	s15 =	simm.s32 @!p0 $0x400;
	[tilespmem:v7+s28+$0x0] =	vst.idx.msk $0xffff, v5  }
0x64: {  	[tilespmem:s19], [sflag:$0x1] =	stream.strided.gather @!p0 [hbm4b:s18+s15], $0x1000, s17, s15, $0x38;
	[tilespmem:$0x11200] =	vst v63  }
0x65: {  	_ =	swait.ge [sflag:s24], $0x1000  }
0x66: {  	(v2sf) =	vpush v3, $0x1;
	_ =	sdelay $0xa  }
0x67: {  	(v2sf) =	vpush @!p0 v2, $0x1;
	_ =	sdelay $0x3  }
0x68: {  	s25 =	spop (v2sf)  }
0x69: {  	s18 =	sand.u32 $0x7F, s25  }
0x6a: {  	v60 =	vor.u32 s18, v0  }
0x6b: {  	v61 =	vor.u32 s18, v1;
	_ =	sdelay $0x1  }
0x6c: {  	[sflag:s24] =	ssyncset.done $0x0  }
0x6d: {  	s20 =	simm.s32 $0x1200;
	s26 =	sor.u32 $0x1, s16;
	[sflag:s24] =	ssyncadd.s32 $0xFFFFF000  }
0x6e: {  	v62 =	vor.u32 s26, v0;
	v4 =	vld.idx.msk [tilespmem:v60+s20+$0x0], $0xffff  }
0x6f: {  	v63 =	vor.u32 s26, v1;
	v5 =	vld.idx.msk [tilespmem:v61+s20+$0x0], $0xffff;
	_ =	sdelay $0x2  }
0x70: {  	s18 =	spop @!p0 (v2sf)  }
0x71: {  	s18 =	sand.u32 @!p0 $0xFFFFF80, s18;
	[tilespmem:v62+s28+$0x0] =	vst.idx.msk $0xffff, v4  }
0x72: {  	s21 =	simm.s32 $0x3;
	s19 =	simm.s32 @!p0 $0x1200;
	s18 =	sadd.s32 @!p0 s1, s18;
	[tilespmem:v63+s28+$0x0] =	vst.idx.msk $0xffff, v5  }
0x73: {  	[tilespmem:s19], [sflag:$0x2] =	stream.strided.gather @!p0 [hbm4b:s18+s15], $0x1000, s17, s15, $0x38;
	[tilespmem:$0x11200] =	vst v63  }
0x74: {  	_ =	swait.ge [sflag:s21], $0x1000  }
0x75: {  	(v2sf) =	vpush v3, $0x2;
	_ =	sdelay $0xa  }
0x76: {  	(v2sf) =	vpush @!p0 v2, $0x2;
	_ =	sdelay $0x3  }
0x77: {  	s22 =	spop (v2sf)  }
0x78: {  	s18 =	sand.u32 $0x7F, s22  }
0x79: {  	v9 =	vor.u32 s18, v0  }
0x7a: {  	v10 =	vor.u32 s18, v1;
	_ =	sdelay $0x1  }
0x7b: {  	[sflag:s21] =	ssyncset.done $0x0  }
0x7c: {  	s23 =	sor.u32 $0x2, s16;
	s24 =	simm.s32 $0x2200;
	[sflag:s21] =	ssyncadd.s32 $0xFFFFF000  }
0x7d: {  	v11 =	vor.u32 s23, v0;
	v4 =	vld.idx.msk [tilespmem:v9+s24+$0x0], $0xffff  }
0x7e: {  	v12 =	vor.u32 s23, v1;
	v5 =	vld.idx.msk [tilespmem:v10+s24+$0x0], $0xffff;
	_ =	sdelay $0x2  }
0x7f: {  	s18 =	spop @!p0 (v2sf)  }
0x80: {  	s18 =	sand.u32 @!p0 $0xFFFFF80, s18;
	[tilespmem:v11+s28+$0x0] =	vst.idx.msk $0xffff, v4  }
0x81: {  	s25 =	simm.s32 $0x4;
	s19 =	simm.s32 @!p0 $0x2200;
	s18 =	sadd.s32 @!p0 s1, s18;
	[tilespmem:v12+s28+$0x0] =	vst.idx.msk $0xffff, v5  }
0x82: {  	[tilespmem:s19], [sflag:$0x3] =	stream.strided.gather @!p0 [hbm4b:s18+s15], $0x1000, s17, s15, $0x38;
	[tilespmem:$0x11200] =	vst v63  }
0x83: {  	_ =	swait.ge [sflag:s25], $0x1000  }
0x84: {  	(v2sf) =	vpush v3, $0x3;
	_ =	sdelay $0xa  }
0x85: {  	(v2sf) =	vpush @!p0 v2, $0x3;
	_ =	sdelay $0x3  }
0x86: {  	s26 =	spop (v2sf)  }
0x87: {  	s18 =	sand.u32 $0x7F, s26  }
0x88: {  	v13 =	vor.u32 s18, v0  }
0x89: {  	v14 =	vor.u32 s18, v1;
	_ =	sdelay $0x1  }
0x8a: {  	[sflag:s25] =	ssyncset.done $0x0  }
0x8b: {  	s20 =	sor.u32 $0x3, s16;
	s21 =	simm.s32 $0x3200;
	[sflag:s25] =	ssyncadd.s32 $0xFFFFF000  }
0x8c: {  	v15 =	vor.u32 s20, v0;
	v4 =	vld.idx.msk [tilespmem:v13+s21+$0x0], $0xffff  }
0x8d: {  	v16 =	vor.u32 s20, v1;
	v5 =	vld.idx.msk [tilespmem:v14+s21+$0x0], $0xffff;
	_ =	sdelay $0x2  }
0x8e: {  	s18 =	spop @!p0 (v2sf)  }
0x8f: {  	s18 =	sand.u32 @!p0 $0xFFFFF80, s18;
	[tilespmem:v15+s28+$0x0] =	vst.idx.msk $0xffff, v4  }
0x90: {  	s19 =	simm.s32 @!p0 $0x3200;
	s18 =	sadd.s32 @!p0 s1, s18;
	[tilespmem:v16+s28+$0x0] =	vst.idx.msk $0xffff, v5  }
0x91: {  	[tilespmem:s19], [sflag:$0x4] =	stream.strided.gather @!p0 [hbm4b:s18+s15], $0x1000, s17, s15, $0x38;
	[tilespmem:$0x11200] =	vst v63  }
0x92: {  	_ =	swait.ge [sflag:s0], $0x1000  }
0x93: {  	(v2sf) =	vpush v3, $0x4;
	_ =	sdelay $0xa  }
0x94: {  	(v2sf) =	vpush @!p0 v2, $0x4;
	_ =	sdelay $0x3  }
0x95: {  	s22 =	spop (v2sf)  }
0x96: {  	s18 =	sand.u32 $0x7F, s22  }
0x97: {  	v17 =	vor.u32 s18, v0  }
0x98: {  	v18 =	vor.u32 s18, v1;
	_ =	sdelay $0x1  }
0x99: {  	[sflag:s0] =	ssyncset.done $0x0  }
0x9a: {  	s23 =	sor.u32 $0x4, s16;
	s24 =	simm.s32 $0x4200;
	[sflag:s0] =	ssyncadd.s32 $0xFFFFF000  }
0x9b: {  	v19 =	vor.u32 s23, v0;
	v4 =	vld.idx.msk [tilespmem:v17+s24+$0x0], $0xffff  }
0x9c: {  	v20 =	vor.u32 s23, v1;
	v5 =	vld.idx.msk [tilespmem:v18+s24+$0x0], $0xffff;
	_ =	sdelay $0x2  }
0x9d: {  	s18 =	spop @!p0 (v2sf)  }
0x9e: {  	s18 =	sand.u32 @!p0 $0xFFFFF80, s18;
	[tilespmem:v19+s28+$0x0] =	vst.idx.msk $0xffff, v4  }
0x9f: {  	s19 =	simm.s32 @!p0 $0x4200;
	s18 =	sadd.s32 @!p0 s1, s18;
	[tilespmem:v20+s28+$0x0] =	vst.idx.msk $0xffff, v5  }
0xa0: {  	[tilespmem:s19], [sflag:$0x5] =	stream.strided.gather @!p0 [hbm4b:s18+s15], $0x1000, s17, s15, $0x38;
	[tilespmem:$0x11200] =	vst v63  }
0xa1: {  	_ =	swait.ge [sflag:s2], $0x1000  }
0xa2: {  	(v2sf) =	vpush v3, $0x5;
	_ =	sdelay $0xa  }
0xa3: {  	(v2sf) =	vpush @!p0 v2, $0x5;
	_ =	sdelay $0x3  }
0xa4: {  	s25 =	spop (v2sf)  }
0xa5: {  	s18 =	sand.u32 $0x7F, s25  }
0xa6: {  	v21 =	vor.u32 s18, v0  }
0xa7: {  	v22 =	vor.u32 s18, v1;
	_ =	sdelay $0x1  }
0xa8: {  	[sflag:s2] =	ssyncset.done $0x0  }
0xa9: {  	s20 =	simm.s32 $0x5200;
	s26 =	sor.u32 $0x5, s16;
	[sflag:s2] =	ssyncadd.s32 $0xFFFFF000  }
0xaa: {  	v23 =	vor.u32 s26, v0;
	v4 =	vld.idx.msk [tilespmem:v21+s20+$0x0], $0xffff  }
0xab: {  	v24 =	vor.u32 s26, v1;
	v5 =	vld.idx.msk [tilespmem:v22+s20+$0x0], $0xffff;
	_ =	sdelay $0x2  }
0xac: {  	s18 =	spop @!p0 (v2sf)  }
0xad: {  	s18 =	sand.u32 @!p0 $0xFFFFF80, s18;
	[tilespmem:v23+s28+$0x0] =	vst.idx.msk $0xffff, v4  }
0xae: {  	s19 =	simm.s32 @!p0 $0x5200;
	s18 =	sadd.s32 @!p0 s1, s18;
	[tilespmem:v24+s28+$0x0] =	vst.idx.msk $0xffff, v5  }
0xaf: {  	[tilespmem:s19], [sflag:$0x6] =	stream.strided.gather @!p0 [hbm4b:s18+s15], $0x1000, s17, s15, $0x38;
	[tilespmem:$0x11200] =	vst v63  }
0xb0: {  	_ =	swait.ge [sflag:s3], $0x1000  }
0xb1: {  	(v2sf) =	vpush v3, $0x6;
	_ =	sdelay $0xa  }
0xb2: {  	(v2sf) =	vpush @!p0 v2, $0x6;
	_ =	sdelay $0x3  }
0xb3: {  	s21 =	spop (v2sf)  }
0xb4: {  	s18 =	sand.u32 $0x7F, s21  }
0xb5: {  	v25 =	vor.u32 s18, v0  }
0xb6: {  	v26 =	vor.u32 s18, v1;
	_ =	sdelay $0x1  }
0xb7: {  	[sflag:s3] =	ssyncset.done $0x0  }
0xb8: {  	s23 =	simm.s32 $0x6200;
	s22 =	sor.u32 $0x6, s16;
	[sflag:s3] =	ssyncadd.s32 $0xFFFFF000  }
0xb9: {  	v27 =	vor.u32 s22, v0;
	v4 =	vld.idx.msk [tilespmem:v25+s23+$0x0], $0xffff  }
0xba: {  	v28 =	vor.u32 s22, v1;
	v5 =	vld.idx.msk [tilespmem:v26+s23+$0x0], $0xffff;
	_ =	sdelay $0x2  }
0xbb: {  	s18 =	spop @!p0 (v2sf)  }
0xbc: {  	s18 =	sand.u32 @!p0 $0xFFFFF80, s18;
	[tilespmem:v27+s28+$0x0] =	vst.idx.msk $0xffff, v4  }
0xbd: {  	s19 =	simm.s32 @!p0 $0x6200;
	s18 =	sadd.s32 @!p0 s1, s18;
	[tilespmem:v28+s28+$0x0] =	vst.idx.msk $0xffff, v5  }
0xbe: {  	[tilespmem:s19], [sflag:$0x7] =	stream.strided.gather @!p0 [hbm4b:s18+s15], $0x1000, s17, s15, $0x38;
	[tilespmem:$0x11200] =	vst v63  }
0xbf: {  	_ =	swait.ge [sflag:s4], $0x1000  }
0xc0: {  	(v2sf) =	vpush v3, $0x7;
	_ =	sdelay $0xa  }
0xc1: {  	(v2sf) =	vpush @!p0 v2, $0x7;
	_ =	sdelay $0x3  }
0xc2: {  	s24 =	spop (v2sf)  }
0xc3: {  	s18 =	sand.u32 $0x7F, s24  }
0xc4: {  	v29 =	vor.u32 s18, v0  }
0xc5: {  	v30 =	vor.u32 s18, v1;
	_ =	sdelay $0x1  }
0xc6: {  	[sflag:s4] =	ssyncset.done $0x0  }
0xc7: {  	s26 =	sor.u32 $0x7, s16;
	s22 =	simm.s32 $0x7200;
	[sflag:s4] =	ssyncadd.s32 $0xFFFFF000  }
0xc8: {  	v31 =	vor.u32 s26, v0;
	v4 =	vld.idx.msk [tilespmem:v29+s22+$0x0], $0xffff  }
0xc9: {  	v32 =	vor.u32 s26, v1;
	v5 =	vld.idx.msk [tilespmem:v30+s22+$0x0], $0xffff;
	_ =	sdelay $0x2  }
0xca: {  	s18 =	spop @!p0 (v2sf)  }
0xcb: {  	s18 =	sand.u32 @!p0 $0xFFFFF80, s18;
	[tilespmem:v31+s28+$0x0] =	vst.idx.msk $0xffff, v4  }
0xcc: {  	s19 =	simm.s32 @!p0 $0x7200;
	s18 =	sadd.s32 @!p0 s1, s18;
	[tilespmem:v32+s28+$0x0] =	vst.idx.msk $0xffff, v5  }
0xcd: {  	[tilespmem:s19], [sflag:$0x8] =	stream.strided.gather @!p0 [hbm4b:s18+s15], $0x1000, s17, s15, $0x38;
	[tilespmem:$0x11200] =	vst v63  }
0xce: {  	_ =	swait.ge [sflag:s6], $0x1000  }
0xcf: {  	(v2sf) =	vpush v3, $0x8;
	_ =	sdelay $0xa  }
0xd0: {  	(v2sf) =	vpush @!p0 v2, $0x8;
	_ =	sdelay $0x3  }
0xd1: {  	s23 =	spop (v2sf)  }
0xd2: {  	s18 =	sand.u32 $0x7F, s23  }
0xd3: {  	v33 =	vor.u32 s18, v0  }
0xd4: {  	v34 =	vor.u32 s18, v1;
	_ =	sdelay $0x1  }
0xd5: {  	[sflag:s6] =	ssyncset.done $0x0  }
0xd6: {  	s26 =	simm.s32 $0x8200;
	s24 =	sor.u32 $0x8, s16;
	[sflag:s6] =	ssyncadd.s32 $0xFFFFF000  }
0xd7: {  	v35 =	vor.u32 s24, v0;
	v4 =	vld.idx.msk [tilespmem:v33+s26+$0x0], $0xffff  }
0xd8: {  	v36 =	vor.u32 s24, v1;
	v5 =	vld.idx.msk [tilespmem:v34+s26+$0x0], $0xffff;
	_ =	sdelay $0x2  }
0xd9: {  	s18 =	spop @!p0 (v2sf)  }
0xda: {  	s18 =	sand.u32 @!p0 $0xFFFFF80, s18;
	[tilespmem:v35+s28+$0x0] =	vst.idx.msk $0xffff, v4  }
0xdb: {  	s19 =	simm.s32 @!p0 $0x8200;
	s18 =	sadd.s32 @!p0 s1, s18;
	[tilespmem:v36+s28+$0x0] =	vst.idx.msk $0xffff, v5  }
0xdc: {  	[tilespmem:s19], [sflag:$0x9] =	stream.strided.gather @!p0 [hbm4b:s18+s15], $0x1000, s17, s15, $0x38;
	[tilespmem:$0x11200] =	vst v63  }
0xdd: {  	_ =	swait.ge [sflag:s9], $0x1000  }
0xde: {  	(v2sf) =	vpush v3, $0x9;
	_ =	sdelay $0xa  }
0xdf: {  	(v2sf) =	vpush @!p0 v2, $0x9;
	_ =	sdelay $0x3  }
0xe0: {  	s23 =	spop (v2sf)  }
0xe1: {  	s18 =	sand.u32 $0x7F, s23  }
0xe2: {  	v37 =	vor.u32 s18, v0  }
0xe3: {  	v38 =	vor.u32 s18, v1;
	_ =	sdelay $0x1  }
0xe4: {  	[sflag:s9] =	ssyncset.done $0x0  }
0xe5: {  	s24 =	sor.u32 $0x9, s16;
	s26 =	simm.s32 $0x9200;
	[sflag:s9] =	ssyncadd.s32 $0xFFFFF000  }
0xe6: {  	v39 =	vor.u32 s24, v0;
	v4 =	vld.idx.msk [tilespmem:v37+s26+$0x0], $0xffff  }
0xe7: {  	v40 =	vor.u32 s24, v1;
	v5 =	vld.idx.msk [tilespmem:v38+s26+$0x0], $0xffff;
	_ =	sdelay $0x2  }
0xe8: {  	s18 =	spop @!p0 (v2sf)  }
0xe9: {  	s18 =	sand.u32 @!p0 $0xFFFFF80, s18;
	[tilespmem:v39+s28+$0x0] =	vst.idx.msk $0xffff, v4  }
0xea: {  	s19 =	simm.s32 @!p0 $0x9200;
	s18 =	sadd.s32 @!p0 s1, s18;
	[tilespmem:v40+s28+$0x0] =	vst.idx.msk $0xffff, v5  }
0xeb: {  	[tilespmem:s19], [sflag:$0xA] =	stream.strided.gather @!p0 [hbm4b:s18+s15], $0x1000, s17, s15, $0x38;
	[tilespmem:$0x11200] =	vst v63  }
0xec: {  	_ =	swait.ge [sflag:s5], $0x1000  }
0xed: {  	(v2sf) =	vpush v3, $0xA;
	_ =	sdelay $0xa  }
0xee: {  	(v2sf) =	vpush @!p0 v2, $0xA;
	_ =	sdelay $0x3  }
0xef: {  	s24 =	spop (v2sf)  }
0xf0: {  	s18 =	sand.u32 $0x7F, s24  }
0xf1: {  	v41 =	vor.u32 s18, v0  }
0xf2: {  	v42 =	vor.u32 s18, v1;
	_ =	sdelay $0x1  }
0xf3: {  	[sflag:s5] =	ssyncset.done $0x0  }
0xf4: {  	s26 =	simm.s32 $0xA200;
	[sflag:s5] =	ssyncadd.s32 $0xFFFFF000;
	s18 =	sor.u32 $0xA, s16  }
0xf5: {  	v43 =	vor.u32 s18, v0;
	v4 =	vld.idx.msk [tilespmem:v41+s26+$0x0], $0xffff  }
0xf6: {  	v44 =	vor.u32 s18, v1;
	v5 =	vld.idx.msk [tilespmem:v42+s26+$0x0], $0xffff;
	_ =	sdelay $0x2  }
0xf7: {  	s18 =	spop @!p0 (v2sf)  }
0xf8: {  	s18 =	sand.u32 @!p0 $0xFFFFF80, s18;
	[tilespmem:v43+s28+$0x0] =	vst.idx.msk $0xffff, v4  }
0xf9: {  	s19 =	simm.s32 @!p0 $0xA200;
	s18 =	sadd.s32 @!p0 s1, s18;
	[tilespmem:v44+s28+$0x0] =	vst.idx.msk $0xffff, v5  }
0xfa: {  	[tilespmem:s19], [sflag:$0xB] =	stream.strided.gather @!p0 [hbm4b:s18+s15], $0x1000, s17, s15, $0x38;
	[tilespmem:$0x11200] =	vst v63  }
0xfb: {  	_ =	swait.ge [sflag:s8], $0x1000  }
0xfc: {  	(v2sf) =	vpush v3, $0xB;
	_ =	sdelay $0xa  }
0xfd: {  	(v2sf) =	vpush @!p0 v2, $0xB;
	_ =	sdelay $0x3  }
0xfe: {  	s26 =	spop (v2sf)  }
0xff: {  	s18 =	sand.u32 $0x7F, s26  }
0x100: {  	v45 =	vor.u32 s18, v0  }
0x101: {  	v46 =	vor.u32 s18, v1;
	_ =	sdelay $0x1  }
0x102: {  	[sflag:s8] =	ssyncset.done $0x0  }
0x103: {  	s19 =	simm.s32 $0xB200;
	[sflag:s8] =	ssyncadd.s32 $0xFFFFF000;
	s18 =	sor.u32 $0xB, s16  }
0x104: {  	v47 =	vor.u32 s18, v0;
	v4 =	vld.idx.msk [tilespmem:v45+s19+$0x0], $0xffff  }
0x105: {  	v48 =	vor.u32 s18, v1;
	v5 =	vld.idx.msk [tilespmem:v46+s19+$0x0], $0xffff;
	_ =	sdelay $0x2  }
0x106: {  	s18 =	spop @!p0 (v2sf)  }
0x107: {  	s18 =	sand.u32 @!p0 $0xFFFFF80, s18;
	[tilespmem:v47+s28+$0x0] =	vst.idx.msk $0xffff, v4  }
0x108: {  	s18 =	sadd.s32 @!p0 s1, s18;
	s19 =	simm.s32 @!p0 $0xB200;
	[tilespmem:v48+s28+$0x0] =	vst.idx.msk $0xffff, v5  }
0x109: {  	[tilespmem:s19], [sflag:$0xC] =	stream.strided.gather @!p0 [hbm4b:s18+s15], $0x1000, s17, s15, $0x38;
	[tilespmem:$0x11200] =	vst v63  }
0x10a: {  	_ =	swait.ge [sflag:s7], $0x1000  }
0x10b: {  	(v2sf) =	vpush v3, $0xC;
	_ =	sdelay $0xa  }
0x10c: {  	(v2sf) =	vpush @!p0 v2, $0xC;
	_ =	sdelay $0x3  }
0x10d: {  	s19 =	spop (v2sf)  }
0x10e: {  	s18 =	sand.u32 $0x7F, s19  }
0x10f: {  	v49 =	vor.u32 s18, v0  }
0x110: {  	v50 =	vor.u32 s18, v1;
	_ =	sdelay $0x1  }
0x111: {  	[sflag:s7] =	ssyncset.done $0x0  }
0x112: {  	[sflag:s7] =	ssyncadd.s32 $0xFFFFF000;
	s19 =	simm.s32 $0xC200;
	s18 =	sor.u32 $0xC, s16  }
0x113: {  	v51 =	vor.u32 s18, v0;
	v4 =	vld.idx.msk [tilespmem:v49+s19+$0x0], $0xffff  }
0x114: {  	v52 =	vor.u32 s18, v1;
	v5 =	vld.idx.msk [tilespmem:v50+s19+$0x0], $0xffff;
	_ =	sdelay $0x2  }
0x115: {  	s18 =	spop @!p0 (v2sf)  }
0x116: {  	s18 =	sand.u32 @!p0 $0xFFFFF80, s18;
	[tilespmem:v51+s28+$0x0] =	vst.idx.msk $0xffff, v4  }
0x117: {  	s18 =	sadd.s32 @!p0 s1, s18;
	s19 =	simm.s32 @!p0 $0xC200;
	[tilespmem:v52+s28+$0x0] =	vst.idx.msk $0xffff, v5  }
0x118: {  	[tilespmem:s19], [sflag:$0xD] =	stream.strided.gather @!p0 [hbm4b:s18+s15], $0x1000, s17, s15, $0x38;
	[tilespmem:$0x11200] =	vst v63  }
0x119: {  	_ =	swait.ge [sflag:s10], $0x1000  }
0x11a: {  	(v2sf) =	vpush v3, $0xD;
	_ =	sdelay $0xa  }
0x11b: {  	(v2sf) =	vpush @!p0 v2, $0xD;
	_ =	sdelay $0x3  }
0x11c: {  	s19 =	spop (v2sf)  }
0x11d: {  	s18 =	sand.u32 $0x7F, s19  }
0x11e: {  	v53 =	vor.u32 s18, v0  }
0x11f: {  	v54 =	vor.u32 s18, v1;
	_ =	sdelay $0x1  }
0x120: {  	[sflag:s10] =	ssyncset.done $0x0  }
0x121: {  	[sflag:s10] =	ssyncadd.s32 $0xFFFFF000;
	s19 =	simm.s32 $0xD200;
	s18 =	sor.u32 $0xD, s16  }
0x122: {  	v55 =	vor.u32 s18, v0;
	v4 =	vld.idx.msk [tilespmem:v53+s19+$0x0], $0xffff  }
0x123: {  	v56 =	vor.u32 s18, v1;
	v5 =	vld.idx.msk [tilespmem:v54+s19+$0x0], $0xffff;
	_ =	sdelay $0x2  }
0x124: {  	s18 =	spop @!p0 (v2sf)  }
0x125: {  	s18 =	sand.u32 @!p0 $0xFFFFF80, s18;
	[tilespmem:v55+s28+$0x0] =	vst.idx.msk $0xffff, v4  }
0x126: {  	s18 =	sadd.s32 @!p0 s1, s18;
	s19 =	simm.s32 @!p0 $0xD200;
	[tilespmem:v56+s28+$0x0] =	vst.idx.msk $0xffff, v5  }
0x127: {  	[tilespmem:s19], [sflag:$0xE] =	stream.strided.gather @!p0 [hbm4b:s18+s15], $0x1000, s17, s15, $0x38;
	[tilespmem:$0x11200] =	vst v63  }
0x128: {  	_ =	swait.ge [sflag:s11], $0x1000  }
0x129: {  	(v2sf) =	vpush v3, $0xE;
	_ =	sdelay $0xa  }
0x12a: {  	(v2sf) =	vpush @!p0 v2, $0xE;
	_ =	sdelay $0x3  }
0x12b: {  	s19 =	spop (v2sf)  }
0x12c: {  	s18 =	sand.u32 $0x7F, s19  }
0x12d: {  	v57 =	vor.u32 s18, v0  }
0x12e: {  	v58 =	vor.u32 s18, v1;
	_ =	sdelay $0x1  }
0x12f: {  	[sflag:s11] =	ssyncset.done $0x0  }
0x130: {  	[sflag:s11] =	ssyncadd.s32 $0xFFFFF000;
	s19 =	simm.s32 $0xE200;
	s18 =	sor.u32 $0xE, s16  }
0x131: {  	v59 =	vor.u32 s18, v0;
	v4 =	vld.idx.msk [tilespmem:v57+s19+$0x0], $0xffff  }
0x132: {  	v60 =	vor.u32 s18, v1;
	v5 =	vld.idx.msk [tilespmem:v58+s19+$0x0], $0xffff;
	_ =	sdelay $0x2  }
0x133: {  	s18 =	spop @!p0 (v2sf)  }
0x134: {  	s18 =	sand.u32 @!p0 $0xFFFFF80, s18;
	[tilespmem:v59+s28+$0x0] =	vst.idx.msk $0xffff, v4  }
0x135: {  	s18 =	sadd.s32 @!p0 s1, s18;
	s19 =	simm.s32 @!p0 $0xE200;
	[tilespmem:v60+s28+$0x0] =	vst.idx.msk $0xffff, v5  }
0x136: {  	[tilespmem:s19], [sflag:$0xF] =	stream.strided.gather @!p0 [hbm4b:s18+s15], $0x1000, s17, s15, $0x38;
	[tilespmem:$0x11200] =	vst v63  }
0x137: {  	_ =	swait.ge [sflag:s12], $0x1000  }
0x138: {  	(v2sf) =	vpush v3, $0xF;
	_ =	sdelay $0xa  }
0x139: {  	(v2sf) =	vpush @!p0 v2, $0xF;
	_ =	sdelay $0x3  }
0x13a: {  	s19 =	spop (v2sf)  }
0x13b: {  	s18 =	sand.u32 $0x7F, s19  }
0x13c: {  	v3 =	vor.u32 s18, v0  }
0x13d: {  	v61 =	vor.u32 s18, v1;
	_ =	sdelay $0x1  }
0x13e: {  	[sflag:s12] =	ssyncset.done $0x0  }
0x13f: {  	s16 =	sor.u32 $0xF, s16;
	[sflag:s12] =	ssyncadd.s32 $0xFFFFF000;
	s18 =	simm.s32 $0xF200  }
0x140: {  	v62 =	vor.u32 s16, v0;
	v3 =	vld.idx.msk [tilespmem:v3+s18+$0x0], $0xffff  }
0x141: {  	v63 =	vor.u32 s16, v1;
	v4 =	vld.idx.msk [tilespmem:v61+s18+$0x0], $0xffff;
	_ =	sdelay $0x2  }
0x142: {  	s16 =	spop @!p0 (v2sf)  }
0x143: {  	s16 =	sand.u32 @!p0 $0xFFFFF80, s16;
	[tilespmem:v62+s28+$0x0] =	vst.idx.msk $0xffff, v3  }
0x144: {  	s16 =	sadd.s32 @!p0 s1, s16;
	s18 =	simm.s32 @!p0 $0xF200;
	[tilespmem:v63+s28+$0x0] =	vst.idx.msk $0xffff, v4  }
0x145: {  	[tilespmem:s18], [sflag:$0x10] =	stream.strided.gather @!p0 [hbm4b:s16+s15], $0x1000, s17, s15, $0x38;
	[tilespmem:$0x11200] =	vst v63  }
0x146: {  	s15 =	sand.u32 @!p0 $0x7, s13  }
0x147: {  	p1 =	sne.s32 @!p0 s15, $0x0  }
0x148: {  	p0 =	por p0, !p1  }
0x149: {  	s15 =	sand.u32 @p0 $0x180, s14;
	s16 =	rddreg @p0 [dreg:$0x5]  }
0x14a: {  	s17 =	simm.s32 @p0 $0x20000;
	s15 =	sadd.s32 @p0 s15, s16;
	s16 =	simm.s32 @p0 $0x400  }
0x14b: {  	[hbm4b:s15+s16] =	stream.strided.scatter @p0 [tilespmem:s28], [sflag:$0x11], $0x1000, s17, s16, $0x38;
	[tilespmem:$0x11200] =	vst v63  }
0x14c: {  	s15 =	simm.s32 @p0 $0x11  }
0x14d: {  	_ =	swait.ge @p0 [sflag:s15], $0x1000  }
0x14e: {  	s14 =	sadd.s32 $0x10, s14;
	[sflag:s15] =	ssyncset.done @p0 $0x0  }
0x14f: {  	[sflag:s15] =	ssyncadd.s32 @p0 $0xFFFFF000;
	p0 =	sne.s32 s14, $0x200  }
.Ltmp0:
0x150: {  	_ = 	snop;
	(pc) =	sbr.rel @p0 .LBB2_2-.Ltmp0, $4  }
0x151: {  	s29 =	simm.s32 $0xC200;
	s30 =	simm.s32 $0xD200;
	s31 =	simm.s32 $0xE200  }
0x152: {  	s25 =	simm.s32 $0x5200;
	s20 =	simm.s32 $0x6200;
	s21 =	simm.s32 $0x7200  }
0x153: {  	s22 =	simm.s32 $0x8200;
	s23 =	simm.s32 $0x9200;
	s24 =	simm.s32 $0xA200  }
0x154: {  	s26 =	simm.s32 $0xB200;
	s19 =	simm.s32 $0xF200;
	s13 =	sadd.s32 $0x1, s13  }
0x155: {  	s14 =	rddreg [dreg:$0x7]  }
0x156: {  	s13 =	rddreg [dreg:$0x6];
	s14 =	sadd.s32 $0x1, s14  }
0x157: {  	p0 =	sne.s32 s14, s13  }
.Ltmp1:
0x158: {  	_ = 	snop;
	(pc) =	sbr.rel @p0 .LBB2_1-.Ltmp1, $1  }
0x159: {  	_ =	sdelay $0x3  }
0x15a: {  	_ =	sfence.sel $0x180000  }
0x15b: {  	[bflag:$0x0] =	sbarrier.arrive $0xFFFF  }
0x15c: {  	_ =	strace $0x90000047  }
0x15d: {  	s0 =	stileid.u32;
	[bflag:$0x2] =	sbarrier.arrive $0xFFFF  }
0x15e: {  	p0 =	sne.s32 s0, $0x0;
	s0 =	rddreg [dreg:$0x3]  }
0x15f: {  	s0 =	sadd.s32 @!p0 $0x100000, s0  }
0x160: {  	[sflag:s0] =	ssyncadd.tile.s32 @!p0 $0x1;
	_ =	shalt  }
.Lfunc_end2:
_tile_overlayer_lowered:
.L_overlay_start_2:
0x161: {  	(tag) =	ssettag $0x2  }
0x162: {  	s0 =	rddreg [dreg:$0x0];
	s2 =	stileid.u32  }
0x163: {  	s1 =	rddreg [dreg:$0x1];
	p0 =	sne.s32 s2, $0x0  }
0x164: {  	s3 =	rddreg [dreg:$0x2];
	[bflag:$0x3] =	sbarrier.arrive $0xFFFF;
	s2 =	simm.s32 @!p0 $0x1C11  }
0x165: {  	[timem:s3], [sflag:s2] =	dma.local @!p0 [hbm:s0], s1  }
0x166: {  	s0 =	simm.s32 @!p0 $0x11  }
0x167: {  	_ =	swait.ge @!p0 [sflag:s0], s1  }
0x168: {  	s1 =	ssub.s32 @!p0 $0x0, s1;
	[sflag:s0] =	ssyncset.done @!p0 $0x0  }
0x169: {  	[sflag:s0] =	ssyncadd.s32 @!p0 s1  }
0x16a: {  	[bflag:$0x3] =	sbarrier.arrive $0xFFFF  }
0x16b: {  	_ =	shalt  }

</sc_bundles>
